<compile_context>
chip_gen: v7x
topology: tpu7x:2x2x1
jax: 0.10.2.dev20260603
libtpu: 0.0.44.dev20260713+nightly
codegen_flags: <defaults>
</compile_context>

<pallas_src>
import functools

import jax
import jax.numpy as jnp
from jax import lax
from jax.experimental import pallas as pl
from jax.experimental.pallas import tpu as pltpu
from jax.experimental.pallas import tpu_sc as plsc

N = 10000
E = 160000
D_IN = 256
D_EDGE = 16
H = 512
L = 4
EPS = 1e-5

NP = 10240
NSUB = 16
WIN = 128
NWIN = 79
EPW = NWIN * WIN
EPAD = NSUB * EPW
CHUNK = 128
NCHUNK = H // CHUNK
STRIPE = NP // NSUB

BM = 1024

_mesh = plsc.VectorSubcoreMesh(
    core_axis_name="c", subcore_axis_name="s", num_cores=2, num_subcores=NSUB
)


EW = 32


@functools.partial(
    pl.kernel,
    out_type=jax.ShapeDtypeStruct((NP, 128), jnp.float32),
    mesh=_mesh,
    scratch_types=[
        pltpu.VMEM((NWIN, WIN), jnp.int32),
        pltpu.VMEM((WIN, 128), jnp.float32),
        pltpu.VMEM_SHARED((NP, 128), jnp.float32),
    ],
)
def _sc_edge_stats(ea_hbm, cidx_hbm, zeros_hbm, out_hbm, cidx_v, gbuf_v, acc):
    cid = lax.axis_index("c")
    sid = lax.axis_index("s")

    @pl.when(cid == 0)
    def _():
        pltpu.sync_copy(cidx_hbm.at[sid], cidx_v)
        pltpu.sync_copy(
            zeros_hbm.at[pl.ds(sid * STRIPE, STRIPE)],
            acc.at[pl.ds(sid * STRIPE, STRIPE)],
        )
        plsc.subcore_barrier()

        @pl.loop(0, NWIN)
        def _(j):
            pltpu.sync_copy(ea_hbm.at[pl.ds(sid * EPW + j * WIN, WIN)], gbuf_v)
            pltpu.sync_copy(gbuf_v, acc.at[cidx_v.at[j]], add=True)

        plsc.subcore_barrier()
        pltpu.sync_copy(
            acc.at[pl.ds(sid * STRIPE, STRIPE)],
            out_hbm.at[pl.ds(sid * STRIPE, STRIPE)],
        )


@functools.partial(
    pl.kernel,
    out_type=jax.ShapeDtypeStruct((NCHUNK, NP, CHUNK), jnp.float32),
    mesh=_mesh,
    scratch_types=[
        pltpu.VMEM((NWIN, WIN), jnp.int32),
        pltpu.VMEM((NWIN, WIN), jnp.int32),
        pltpu.VMEM((WIN, CHUNK), jnp.float32),
        pltpu.VMEM_SHARED((NP, CHUNK), jnp.float32),
    ],
)
def _sc_segsum(m_hbm, ridx_hbm, cidx_hbm, zeros_hbm, out_hbm, ridx_v, cidx_v,
               gbuf_v, acc):
    cid = lax.axis_index("c")
    sid = lax.axis_index("s")

    pltpu.sync_copy(ridx_hbm.at[sid], ridx_v)

    pltpu.sync_copy(cidx_hbm.at[sid], cidx_v)

    for k in range(NCHUNK // 2):
        chunk = 2 * cid + k
        table = m_hbm.at[chunk]

        pltpu.sync_copy(
            zeros_hbm.at[pl.ds(sid * STRIPE, STRIPE)],
            acc.at[pl.ds(sid * STRIPE, STRIPE)],
        )
        plsc.subcore_barrier()

        @pl.loop(0, NWIN)
        def _(j):
            pltpu.sync_copy(table.at[ridx_v.at[j]], gbuf_v)
            pltpu.sync_copy(gbuf_v, acc.at[cidx_v.at[j]], add=True)

        plsc.subcore_barrier()
        pltpu.sync_copy(
            acc.at[pl.ds(sid * STRIPE, STRIPE)],
            out_hbm.at[chunk].at[pl.ds(sid * STRIPE, STRIPE)],
        )
        plsc.subcore_barrier()


def _ln(u, g, b):
    mu = jnp.mean(u, axis=1, keepdims=True)
    var = jnp.mean((u - mu) ** 2, axis=1, keepdims=True)
    return (u - mu) * lax.rsqrt(var + EPS) * g + b


def _enc_body(x_ref, w_ref, b_ref, g_ref, beta_ref, o_ref):
    h = jnp.dot(x_ref[...], w_ref[...], preferred_element_type=jnp.float32)
    h = jnp.maximum(h + b_ref[...], 0.0)
    o_ref[...] = _ln(h, g_ref[...], beta_ref[...])


def _fused_body(h_ref, a_ref, wla_ref, wlb_ref, wra_ref, wrb_ref, bl_ref,
                m_ref, r_ref):
    inv = 1.0 / jnp.maximum(a_ref[:, D_EDGE:D_EDGE + 1], 1.0)
    agg = a_ref[:, :D_EDGE] * inv
    h = h_ref[...]
    m = (jnp.dot(h, wla_ref[...], preferred_element_type=jnp.float32)
         + jnp.dot(agg, wlb_ref[...], preferred_element_type=jnp.float32))
    r = (jnp.dot(h, wra_ref[...], preferred_element_type=jnp.float32)
         + jnp.dot(agg, wrb_ref[...], preferred_element_type=jnp.float32)
         + bl_ref[...])
    for c in range(NCHUNK):
        m_ref[c] = m[:, c * CHUNK:(c + 1) * CHUNK]
    r_ref[...] = r


def _comb_body(h_ref, r_ref, s_ref, a_ref, g_ref, b_ref, o_ref):
    s = jnp.concatenate([s_ref[c] for c in range(NCHUNK)], axis=1)
    inv = 1.0 / jnp.maximum(a_ref[:, D_EDGE:D_EDGE + 1], 1.0)
    u = h_ref[...] + s * inv + r_ref[...]
    o_ref[...] = jnp.maximum(_ln(u, g_ref[...], b_ref[...]), 0.0)


def _read_body(h_ref, w1_ref, b1_ref, w2_ref, b2_ref, o_ref):
    t = jnp.dot(h_ref[...], w1_ref[...], preferred_element_type=jnp.float32)
    t = jnp.maximum(t + b1_ref[...], 0.0)
    o_ref[...] = jnp.dot(t, w2_ref[...], preferred_element_type=jnp.float32) + b2_ref[...]


def _row_block(d):
    return pl.BlockSpec((BM, d), lambda i: (i, 0))


def _full(shape):
    return pl.BlockSpec(shape, lambda i: tuple(0 for _ in shape))


_GRID = NP // BM

_enc_call = pl.pallas_call(
    _enc_body,
    grid=(_GRID,),
    in_specs=[_row_block(D_IN), _full((D_IN, H)), _full((1, H)), _full((1, H)),
              _full((1, H))],
    out_specs=_row_block(H),
    out_shape=jax.ShapeDtypeStruct((NP, H), jnp.float32),
)

_fused_call = pl.pallas_call(
    _fused_body,
    grid=(_GRID,),
    in_specs=[_row_block(H), _row_block(EW), _full((H, H)), _full((D_EDGE, H)),
              _full((H, H)), _full((D_EDGE, H)), _full((1, H))],
    out_specs=[pl.BlockSpec((NCHUNK, BM, CHUNK), lambda i: (0, i, 0)),
               _row_block(H)],
    out_shape=[jax.ShapeDtypeStruct((NCHUNK, NP, CHUNK), jnp.float32),
               jax.ShapeDtypeStruct((NP, H), jnp.float32)],
)

_comb_call = pl.pallas_call(
    _comb_body,
    grid=(_GRID,),
    in_specs=[_row_block(H), _row_block(H),
              pl.BlockSpec((NCHUNK, BM, CHUNK), lambda i: (0, i, 0)),
              _row_block(EW), _full((1, H)), _full((1, H))],
    out_specs=_row_block(H),
    out_shape=jax.ShapeDtypeStruct((NP, H), jnp.float32),
)

_read_call = pl.pallas_call(
    _read_body,
    grid=(_GRID,),
    in_specs=[_row_block(H), _full((H, H // 2)), _full((1, H // 2)),
              _full((H // 2, 128)), _full((1, 128))],
    out_specs=_row_block(128),
    out_shape=jax.ShapeDtypeStruct((NP, 128), jnp.float32),
)


def kernel(x, edge_index, edge_attr, enc_W, enc_b, enc_g, enc_beta,
           Wl, bl, Wr, ln_g, ln_b, rW1, rb1, rW2, rb2):
    f32 = jnp.float32
    pad = EPAD - E
    spread = N + jnp.arange(pad, dtype=jnp.int32) % (NP - N)
    row = jnp.concatenate([edge_index[0], jnp.zeros((pad,), jnp.int32)])
    col = jnp.concatenate([edge_index[1], spread])
    ridx = row.reshape(NSUB, NWIN, WIN)
    cidx = col.reshape(NSUB, NWIN, WIN)
    ea = jnp.concatenate(
        [edge_attr, jnp.ones((E, 1), f32), jnp.zeros((E, 111), f32)], axis=1)
    ea = jnp.concatenate([ea, jnp.zeros((pad, 128), f32)], axis=0)
    xp = jnp.pad(x, ((0, NP - N), (0, 0)))
    z128 = jnp.zeros((NP, CHUNK), f32)

    acc32 = _sc_edge_stats(ea, cidx, z128)[:, :EW]
    h = _enc_call(xp, enc_W, enc_b.reshape(1, H), enc_g.reshape(1, H),
                  enc_beta.reshape(1, H))
    for i in range(L):
        m4, r = _fused_call(h, acc32, Wl[i, :H], Wl[i, H:], Wr[i, :H],
                            Wr[i, H:], bl[i].reshape(1, H))
        s4 = _sc_segsum(m4, ridx, cidx, z128)
        h = _comb_call(h, r, s4, acc32, ln_g[i].reshape(1, H),
                       ln_b[i].reshape(1, H))
    w2p = jnp.pad(rW2, ((0, 0), (0, 126)))
    b2p = jnp.pad(rb2, (0, 126)).reshape(1, 128)
    yp = _read_call(h, rW1, rb1.reshape(1, H // 2), w2p, b2p)
    return yp[:N, :2]

# --- scband reference (transcript-rebuilt; emitter-appended) ---
"""Pipeline reference for scband-velocity-gnn-upgraded-21380347200262 (READ-ONLY COPY).

The authoritative reference and input builder live on the scoring server;
editing this copy changes nothing except your own understanding.
"""

import jax, jax.numpy as jnp
import numpy as np

N = 10000
E = 160000
D_IN = 256
D_EDGE = 16
H = 512
L = 4


def layer_norm(x, g, b, eps=1e-5):
    mu = jnp.mean(x, axis=-1, keepdims=True)
    var = jnp.var(x, axis=-1, keepdims=True)
    return (x - mu) / jnp.sqrt(var + eps) * g + b


def setup_inputs(seed: int = 0):
    key = jax.random.key(seed)
    ks = jax.random.split(key, 16)
    x = jax.random.normal(ks[0], (N, D_IN), dtype=jnp.float32)
    edge_index = jax.random.randint(ks[1], (2, E), 0, N, dtype=jnp.int32)
    edge_attr = jax.random.normal(ks[2], (E, D_EDGE), dtype=jnp.float32)
    enc_W = jax.random.normal(ks[3], (D_IN, H), dtype=jnp.float32) / np.sqrt(D_IN)
    enc_b = jnp.zeros((H,), dtype=jnp.float32)
    enc_g = jnp.ones((H,), dtype=jnp.float32)
    enc_beta = jnp.zeros((H,), dtype=jnp.float32)
    din = H + D_EDGE
    Wl = jax.random.normal(ks[4], (L, din, H), dtype=jnp.float32) / np.sqrt(din)
    bl = jnp.zeros((L, H), dtype=jnp.float32)
    Wr = jax.random.normal(ks[5], (L, din, H), dtype=jnp.float32) / np.sqrt(din)
    ln_g = jnp.ones((L, H), dtype=jnp.float32)
    ln_b = jnp.zeros((L, H), dtype=jnp.float32)
    rW1 = jax.random.normal(ks[6], (H, H // 2), dtype=jnp.float32) / np.sqrt(H)
    rb1 = jnp.zeros((H // 2,), dtype=jnp.float32)
    rW2 = jax.random.normal(ks[7], (H // 2, 2), dtype=jnp.float32) / np.sqrt(H // 2)
    rb2 = jnp.zeros((2,), dtype=jnp.float32)
    return {"x": x, "edge_index": edge_index, "edge_attr": edge_attr,
            "enc_W": enc_W, "enc_b": enc_b, "enc_g": enc_g, "enc_beta": enc_beta,
            "Wl": Wl, "bl": bl, "Wr": Wr, "ln_g": ln_g, "ln_b": ln_b,
            "rW1": rW1, "rb1": rb1, "rW2": rW2, "rb2": rb2}


def reference(x, edge_index, edge_attr, enc_W, enc_b, enc_g, enc_beta,
              Wl, bl, Wr, ln_g, ln_b, rW1, rb1, rW2, rb2):
    row = edge_index[0]
    col = edge_index[1]
    # node_encoder: Linear -> ReLU -> LayerNorm
    h = layer_norm(jax.nn.relu(x @ enc_W + enc_b), enc_g, enc_beta)
    # per-target-node edge counts (shared by scatter_mean and SAGE mean-aggr)
    cnt = jax.ops.segment_sum(jnp.ones((E,), dtype=jnp.float32), col, num_segments=N)
    cnt = jnp.clip(cnt, 1.0, None)[:, None]
    for i in range(L):
        # scatter_mean(edge_attr, col, dim_size=N)
        agg_edge = jax.ops.segment_sum(edge_attr, col, num_segments=N) / cnt
        h_cat = jnp.concatenate([h, agg_edge], axis=1)
        # SAGEConv: mean-aggregate source features at targets; lin_l(aggr) + lin_r(x)
        aggr = jax.ops.segment_sum(h_cat[row], col, num_segments=N) / cnt
        out = aggr @ Wl[i] + bl[i] + h_cat @ Wr[i]
        h = h + out  # residual (shapes always match: hidden -> hidden)
        h = layer_norm(h, ln_g[i], ln_b[i])
        h = jax.nn.relu(h)
        # dropout is identity in eval mode
    return jax.nn.relu(h @ rW1 + rb1) @ rW2 + rb2

if __name__ == "__main__":
    import jax
    _d = setup_inputs()
    print(jax.jit(kernel)(*tuple(_d.values())))

</pallas_src>

<mosaic_0001>
#map = affine_map<(d0, d1) -> (0, 0)>
#map1 = affine_map<(d0, d1) -> (0, 0, 0)>
module attributes {stable_mosaic.version = 14 : i64} {
  func.func @_sc_edge_stats(%arg0: i32, %arg1: i32, %arg2: memref<161792x128xf32, #tpu.memory_space<hbm>>, %arg3: memref<16x79x128xi32, #tpu.memory_space<hbm>>, %arg4: memref<10240x128xf32, #tpu.memory_space<hbm>>, %arg5: memref<10240x128xf32, #tpu.memory_space<hbm>>, %arg6: memref<79x128xi32, #tpu.memory_space<vmem>>, %arg7: memref<128x128xf32, #tpu.memory_space<vmem>>, %arg8: memref<10240x128xf32, #tpu.memory_space<vmem_shared>>) attributes {dimension_semantics = [#tpu.dimension_semantics<core_parallel>, #tpu.dimension_semantics<subcore_parallel>], iteration_bounds = array<i64: 2, 16>, scalar_prefetch = 0 : i64, scratch_operands = 3 : i64, tpu.core_type = #tpu.core_type<sc_vector_subcore>, window_params = [{transform_indices = #map}, {transform_indices = #map1}, {transform_indices = #map}, {transform_indices = #map}]} {
    %eq3A = arith.constant 0 : i32
    %eq3A_0 = arith.cmpi eq, %arg0, %eq3A : i32
    %convert_element_type3A = arith.extui %eq3A_0 : i1 to i32
    %cond3A = arith.constant 0 : i32
    %cond3A_1 = arith.cmpi ne, %convert_element_type3A, %cond3A : i32
    scf.if %cond3A_1 {
      "tpu.region"() ({
        %run_scoped3A = tpu.sem_alloc : memref<!tpu.dma_semaphore, #tpu.memory_space<semaphore_mem>>
        %dma_start3A = arith.constant 0 : i32
        %dma_start3A_14 = arith.constant 0 : i32
        %dma_start3A_15 = tpu.memref_slice %arg3[%arg1, %dma_start3A, %dma_start3A_14] : memref<16x79x128xi32, #tpu.memory_space<hbm>> -> memref<1x79x128xi32, #tpu.memory_space<hbm>>
        %dma_start3A_16 = tpu.memref_squeeze %dma_start3A_15 : memref<1x79x128xi32, #tpu.memory_space<hbm>> -> memref<79x128xi32, #tpu.memory_space<hbm>>
        %dma_start3A_17 = arith.constant 0 : i32
        %dma_start3A_18 = arith.constant 0 : i32
        %dma_start3A_19 = tpu.memref_slice %arg3[%arg1, %dma_start3A_17, %dma_start3A_18] : memref<16x79x128xi32, #tpu.memory_space<hbm>> -> memref<1x79x128xi32, #tpu.memory_space<hbm>>
        %dma_start3A_20 = tpu.memref_squeeze %dma_start3A_19 : memref<1x79x128xi32, #tpu.memory_space<hbm>> -> memref<79x128xi32, #tpu.memory_space<hbm>>
        tpu.enqueue_dma source(%dma_start3A_20 : memref<79x128xi32, #tpu.memory_space<hbm>>) target(%arg6 : memref<79x128xi32, #tpu.memory_space<vmem>>) target_semaphore(%run_scoped3A : memref<!tpu.dma_semaphore, #tpu.memory_space<semaphore_mem>>)
        %dma_wait3A = arith.constant 0 : i32
        %dma_wait3A_21 = arith.constant 0 : i32
        %dma_wait3A_22 = tpu.memref_slice %arg3[%arg1, %dma_wait3A, %dma_wait3A_21] : memref<16x79x128xi32, #tpu.memory_space<hbm>> -> memref<1x79x128xi32, #tpu.memory_space<hbm>>
        %dma_wait3A_23 = tpu.memref_squeeze %dma_wait3A_22 : memref<1x79x128xi32, #tpu.memory_space<hbm>> -> memref<79x128xi32, #tpu.memory_space<hbm>>
        %dma_wait3A_24 = arith.constant 0 : i32
        %dma_wait3A_25 = arith.constant 0 : i32
        %dma_wait3A_26 = tpu.memref_slice %arg3[%arg1, %dma_wait3A_24, %dma_wait3A_25] : memref<16x79x128xi32, #tpu.memory_space<hbm>> -> memref<1x79x128xi32, #tpu.memory_space<hbm>>
        %dma_wait3A_27 = tpu.memref_squeeze %dma_wait3A_26 : memref<1x79x128xi32, #tpu.memory_space<hbm>> -> memref<79x128xi32, #tpu.memory_space<hbm>>
        tpu.wait_dma2 semaphore(%run_scoped3A : memref<!tpu.dma_semaphore, #tpu.memory_space<semaphore_mem>>) src(%dma_wait3A_27 : memref<79x128xi32, #tpu.memory_space<hbm>>) dst(%arg6 : memref<79x128xi32, #tpu.memory_space<vmem>>)
        tpu.yield
      }) : () -> ()
      %mul3A = arith.constant 640 : i32
      %mul3A_2 = arith.muli %arg1, %mul3A : i32
      %mul3A_3 = arith.constant 640 : i32
      %mul3A_4 = arith.muli %arg1, %mul3A_3 : i32
      "tpu.region"() ({
        %run_scoped3A = tpu.sem_alloc : memref<!tpu.dma_semaphore, #tpu.memory_space<semaphore_mem>>
        %dma_start3A = arith.constant 0 : i32
        %dma_start3A_14 = tpu.memref_slice %arg8[%mul3A_4, %dma_start3A] : memref<10240x128xf32, #tpu.memory_space<vmem_shared>> -> memref<640x128xf32, #tpu.memory_space<vmem_shared>>
        %dma_start3A_15 = arith.constant 0 : i32
        %dma_start3A_16 = tpu.memref_slice %arg4[%mul3A_2, %dma_start3A_15] : memref<10240x128xf32, #tpu.memory_space<hbm>> -> memref<640x128xf32, #tpu.memory_space<hbm>>
        tpu.enqueue_dma source(%dma_start3A_16 : memref<640x128xf32, #tpu.memory_space<hbm>>) target(%dma_start3A_14 : memref<640x128xf32, #tpu.memory_space<vmem_shared>>) target_semaphore(%run_scoped3A : memref<!tpu.dma_semaphore, #tpu.memory_space<semaphore_mem>>)
        %dma_wait3A = arith.constant 0 : i32
        %dma_wait3A_17 = tpu.memref_slice %arg8[%mul3A_4, %dma_wait3A] : memref<10240x128xf32, #tpu.memory_space<vmem_shared>> -> memref<640x128xf32, #tpu.memory_space<vmem_shared>>
        %dma_wait3A_18 = arith.constant 0 : i32
        %dma_wait3A_19 = tpu.memref_slice %arg4[%mul3A_2, %dma_wait3A_18] : memref<10240x128xf32, #tpu.memory_space<hbm>> -> memref<640x128xf32, #tpu.memory_space<hbm>>
        tpu.wait_dma2 semaphore(%run_scoped3A : memref<!tpu.dma_semaphore, #tpu.memory_space<semaphore_mem>>) src(%dma_wait3A_19 : memref<640x128xf32, #tpu.memory_space<hbm>>) dst(%dma_wait3A_17 : memref<640x128xf32, #tpu.memory_space<vmem_shared>>)
        tpu.yield
      }) : () -> ()
      %barrier3A = arith.constant 0 : index
      tpu.barrier barrier_id(%barrier3A)
      %scan3A = arith.constant 0 : i32
      %scan3A_5 = arith.constant 79 : i32
      %scan3A_6 = arith.addi %scan3A, %scan3A_5 : i32
      %scan3A_7 = arith.constant 1 : i32
      scf.for %scan3A_14 = %scan3A to %scan3A_6 step %scan3A_7  : i32 {
        %mul3A_15 = arith.constant 1 : i32
        %mul3A_16 = arith.muli %scan3A_14, %mul3A_15 : i32
        %add3A = arith.constant 0 : i32
        %add3A_17 = arith.addi %add3A, %mul3A_16 : i32
        %mul3A_18 = arith.constant 10112 : i32
        %mul3A_19 = arith.muli %arg1, %mul3A_18 : i32
        %mul3A_20 = arith.constant 128 : i32
        %mul3A_21 = arith.muli %add3A_17, %mul3A_20 : i32
        %add3A_22 = arith.addi %mul3A_19, %mul3A_21 : i32
        "tpu.region"() ({
          %run_scoped3A = tpu.sem_alloc : memref<!tpu.dma_semaphore, #tpu.memory_space<semaphore_mem>>
          %dma_start3A = arith.constant 0 : i32
          %dma_start3A_23 = tpu.memref_slice %arg2[%add3A_22, %dma_start3A] : memref<161792x128xf32, #tpu.memory_space<hbm>> -> memref<128x128xf32, #tpu.memory_space<hbm>>
          %dma_start3A_24 = arith.constant 0 : i32
          %dma_start3A_25 = tpu.memref_slice %arg2[%add3A_22, %dma_start3A_24] : memref<161792x128xf32, #tpu.memory_space<hbm>> -> memref<128x128xf32, #tpu.memory_space<hbm>>
          tpu.enqueue_dma source(%dma_start3A_25 : memref<128x128xf32, #tpu.memory_space<hbm>>) target(%arg7 : memref<128x128xf32, #tpu.memory_space<vmem>>) target_semaphore(%run_scoped3A : memref<!tpu.dma_semaphore, #tpu.memory_space<semaphore_mem>>)
          %dma_wait3A = arith.constant 0 : i32
          %dma_wait3A_26 = tpu.memref_slice %arg2[%add3A_22, %dma_wait3A] : memref<161792x128xf32, #tpu.memory_space<hbm>> -> memref<128x128xf32, #tpu.memory_space<hbm>>
          %dma_wait3A_27 = arith.constant 0 : i32
          %dma_wait3A_28 = tpu.memref_slice %arg2[%add3A_22, %dma_wait3A_27] : memref<161792x128xf32, #tpu.memory_space<hbm>> -> memref<128x128xf32, #tpu.memory_space<hbm>>
          tpu.wait_dma2 semaphore(%run_scoped3A : memref<!tpu.dma_semaphore, #tpu.memory_space<semaphore_mem>>) src(%dma_wait3A_28 : memref<128x128xf32, #tpu.memory_space<hbm>>) dst(%arg7 : memref<128x128xf32, #tpu.memory_space<vmem>>)
          tpu.yield
        }) : () -> ()
        "tpu.region"() ({
          %run_scoped3A = tpu.sem_alloc : memref<!tpu.dma_semaphore, #tpu.memory_space<semaphore_mem>>
          %dma_start3A = arith.constant 0 : i32
          %dma_start3A_23 = tpu.memref_slice %arg6[%add3A_17, %dma_start3A] : memref<79x128xi32, #tpu.memory_space<vmem>> -> memref<1x128xi32, #tpu.memory_space<vmem>>
          %dma_start3A_24 = tpu.memref_squeeze %dma_start3A_23 : memref<1x128xi32, #tpu.memory_space<vmem>> -> memref<128xi32, #tpu.memory_space<vmem>>
          %dma_start3A_25 = arith.constant 0 : i32
          %dma_start3A_26 = arith.constant 0 : i32
          %dma_start3A_27 = tpu.memref_slice %arg8[%dma_start3A_25, %dma_start3A_26] : memref<10240x128xf32, #tpu.memory_space<vmem_shared>> -> memref<10240x128xf32, #tpu.memory_space<vmem_shared>>
          tpu.enqueue_indirect_dma source(%arg7 : memref<128x128xf32, #tpu.memory_space<vmem>>) target(%dma_start3A_27 : memref<10240x128xf32, #tpu.memory_space<vmem_shared>>) offsets(%dma_start3A_24 : memref<128xi32, #tpu.memory_space<vmem>>) semaphore(%run_scoped3A : memref<!tpu.dma_semaphore, #tpu.memory_space<semaphore_mem>>) {add = true}
          %dma_wait3A = arith.constant 0 : i32
          %dma_wait3A_28 = tpu.memref_slice %arg6[%add3A_17, %dma_wait3A] : memref<79x128xi32, #tpu.memory_space<vmem>> -> memref<1x128xi32, #tpu.memory_space<vmem>>
          %dma_wait3A_29 = tpu.memref_squeeze %dma_wait3A_28 : memref<1x128xi32, #tpu.memory_space<vmem>> -> memref<128xi32, #tpu.memory_space<vmem>>
          %dma_wait3A_30 = arith.constant 0 : i32
          %dma_wait3A_31 = arith.constant 0 : i32
          %dma_wait3A_32 = tpu.memref_slice %arg8[%dma_wait3A_30, %dma_wait3A_31] : memref<10240x128xf32, #tpu.memory_space<vmem_shared>> -> memref<10240x128xf32, #tpu.memory_space<vmem_shared>>
          tpu.wait_indirect_dma semaphore(%run_scoped3A : memref<!tpu.dma_semaphore, #tpu.memory_space<semaphore_mem>>) src(%arg7 : memref<128x128xf32, #tpu.memory_space<vmem>>) dst(%dma_wait3A_32 : memref<10240x128xf32, #tpu.memory_space<vmem_shared>>)
          tpu.yield
        }) : () -> ()
      }
      %scan3A_8 = arith.constant 79 : i32
      %barrier3A_9 = arith.constant 0 : index
      tpu.barrier barrier_id(%barrier3A_9)
      %mul3A_10 = arith.constant 640 : i32
      %mul3A_11 = arith.muli %arg1, %mul3A_10 : i32
      %mul3A_12 = arith.constant 640 : i32
      %mul3A_13 = arith.muli %arg1, %mul3A_12 : i32
      "tpu.region"() ({
        %run_scoped3A = tpu.sem_alloc : memref<!tpu.dma_semaphore, #tpu.memory_space<semaphore_mem>>
        %dma_start3A = arith.constant 0 : i32
        %dma_start3A_14 = tpu.memref_slice %arg5[%mul3A_13, %dma_start3A] : memref<10240x128xf32, #tpu.memory_space<hbm>> -> memref<640x128xf32, #tpu.memory_space<hbm>>
        %dma_start3A_15 = arith.constant 0 : i32
        %dma_start3A_16 = tpu.memref_slice %arg8[%mul3A_11, %dma_start3A_15] : memref<10240x128xf32, #tpu.memory_space<vmem_shared>> -> memref<640x128xf32, #tpu.memory_space<vmem_shared>>
        tpu.enqueue_dma source(%dma_start3A_16 : memref<640x128xf32, #tpu.memory_space<vmem_shared>>) target(%dma_start3A_14 : memref<640x128xf32, #tpu.memory_space<hbm>>) target_semaphore(%run_scoped3A : memref<!tpu.dma_semaphore, #tpu.memory_space<semaphore_mem>>)
        %dma_wait3A = arith.constant 0 : i32
        %dma_wait3A_17 = tpu.memref_slice %arg5[%mul3A_13, %dma_wait3A] : memref<10240x128xf32, #tpu.memory_space<hbm>> -> memref<640x128xf32, #tpu.memory_space<hbm>>
        %dma_wait3A_18 = arith.constant 0 : i32
        %dma_wait3A_19 = tpu.memref_slice %arg8[%mul3A_11, %dma_wait3A_18] : memref<10240x128xf32, #tpu.memory_space<vmem_shared>> -> memref<640x128xf32, #tpu.memory_space<vmem_shared>>
        tpu.wait_dma2 semaphore(%run_scoped3A : memref<!tpu.dma_semaphore, #tpu.memory_space<semaphore_mem>>) src(%dma_wait3A_19 : memref<640x128xf32, #tpu.memory_space<vmem_shared>>) dst(%dma_wait3A_17 : memref<640x128xf32, #tpu.memory_space<hbm>>)
        tpu.yield
      }) : () -> ()
    } else {
    }
    return
  }
}

#map = affine_map<(d0, d1) -> (0, 0, 0)>
#map1 = affine_map<(d0, d1) -> (0, 0)>
module attributes {stable_mosaic.version = 14 : i64} {
  func.func @_sc_segsum(%arg0: i32, %arg1: i32, %arg2: memref<4x10240x128xf32, #tpu.memory_space<hbm>>, %arg3: memref<16x79x128xi32, #tpu.memory_space<hbm>>, %arg4: memref<16x79x128xi32, #tpu.memory_space<hbm>>, %arg5: memref<10240x128xf32, #tpu.memory_space<hbm>>, %arg6: memref<4x10240x128xf32, #tpu.memory_space<hbm>>, %arg7: memref<79x128xi32, #tpu.memory_space<vmem>>, %arg8: memref<79x128xi32, #tpu.memory_space<vmem>>, %arg9: memref<128x128xf32, #tpu.memory_space<vmem>>, %arg10: memref<10240x128xf32, #tpu.memory_space<vmem_shared>>) attributes {dimension_semantics = [#tpu.dimension_semantics<core_parallel>, #tpu.dimension_semantics<subcore_parallel>], iteration_bounds = array<i64: 2, 16>, scalar_prefetch = 0 : i64, scratch_operands = 4 : i64, tpu.core_type = #tpu.core_type<sc_vector_subcore>, window_params = [{transform_indices = #map}, {transform_indices = #map}, {transform_indices = #map}, {transform_indices = #map1}, {transform_indices = #map}]} {
    "tpu.region"() ({
      %run_scoped3A = tpu.sem_alloc : memref<!tpu.dma_semaphore, #tpu.memory_space<semaphore_mem>>
      %dma_start3A = arith.constant 0 : i32
      %dma_start3A_36 = arith.constant 0 : i32
      %dma_start3A_37 = tpu.memref_slice %arg3[%arg1, %dma_start3A, %dma_start3A_36] : memref<16x79x128xi32, #tpu.memory_space<hbm>> -> memref<1x79x128xi32, #tpu.memory_space<hbm>>
      %dma_start3A_38 = tpu.memref_squeeze %dma_start3A_37 : memref<1x79x128xi32, #tpu.memory_space<hbm>> -> memref<79x128xi32, #tpu.memory_space<hbm>>
      %dma_start3A_39 = arith.constant 0 : i32
      %dma_start3A_40 = arith.constant 0 : i32
      %dma_start3A_41 = tpu.memref_slice %arg3[%arg1, %dma_start3A_39, %dma_start3A_40] : memref<16x79x128xi32, #tpu.memory_space<hbm>> -> memref<1x79x128xi32, #tpu.memory_space<hbm>>
      %dma_start3A_42 = tpu.memref_squeeze %dma_start3A_41 : memref<1x79x128xi32, #tpu.memory_space<hbm>> -> memref<79x128xi32, #tpu.memory_space<hbm>>
      tpu.enqueue_dma source(%dma_start3A_42 : memref<79x128xi32, #tpu.memory_space<hbm>>) target(%arg7 : memref<79x128xi32, #tpu.memory_space<vmem>>) target_semaphore(%run_scoped3A : memref<!tpu.dma_semaphore, #tpu.memory_space<semaphore_mem>>)
      %dma_wait3A = arith.constant 0 : i32
      %dma_wait3A_43 = arith.constant 0 : i32
      %dma_wait3A_44 = tpu.memref_slice %arg3[%arg1, %dma_wait3A, %dma_wait3A_43] : memref<16x79x128xi32, #tpu.memory_space<hbm>> -> memref<1x79x128xi32, #tpu.memory_space<hbm>>
      %dma_wait3A_45 = tpu.memref_squeeze %dma_wait3A_44 : memref<1x79x128xi32, #tpu.memory_space<hbm>> -> memref<79x128xi32, #tpu.memory_space<hbm>>
      %dma_wait3A_46 = arith.constant 0 : i32
      %dma_wait3A_47 = arith.constant 0 : i32
      %dma_wait3A_48 = tpu.memref_slice %arg3[%arg1, %dma_wait3A_46, %dma_wait3A_47] : memref<16x79x128xi32, #tpu.memory_space<hbm>> -> memref<1x79x128xi32, #tpu.memory_space<hbm>>
      %dma_wait3A_49 = tpu.memref_squeeze %dma_wait3A_48 : memref<1x79x128xi32, #tpu.memory_space<hbm>> -> memref<79x128xi32, #tpu.memory_space<hbm>>
      tpu.wait_dma2 semaphore(%run_scoped3A : memref<!tpu.dma_semaphore, #tpu.memory_space<semaphore_mem>>) src(%dma_wait3A_49 : memref<79x128xi32, #tpu.memory_space<hbm>>) dst(%arg7 : memref<79x128xi32, #tpu.memory_space<vmem>>)
      tpu.yield
    }) : () -> ()
    "tpu.region"() ({
      %run_scoped3A = tpu.sem_alloc : memref<!tpu.dma_semaphore, #tpu.memory_space<semaphore_mem>>
      %dma_start3A = arith.constant 0 : i32
      %dma_start3A_36 = arith.constant 0 : i32
      %dma_start3A_37 = tpu.memref_slice %arg4[%arg1, %dma_start3A, %dma_start3A_36] : memref<16x79x128xi32, #tpu.memory_space<hbm>> -> memref<1x79x128xi32, #tpu.memory_space<hbm>>
      %dma_start3A_38 = tpu.memref_squeeze %dma_start3A_37 : memref<1x79x128xi32, #tpu.memory_space<hbm>> -> memref<79x128xi32, #tpu.memory_space<hbm>>
      %dma_start3A_39 = arith.constant 0 : i32
      %dma_start3A_40 = arith.constant 0 : i32
      %dma_start3A_41 = tpu.memref_slice %arg4[%arg1, %dma_start3A_39, %dma_start3A_40] : memref<16x79x128xi32, #tpu.memory_space<hbm>> -> memref<1x79x128xi32, #tpu.memory_space<hbm>>
      %dma_start3A_42 = tpu.memref_squeeze %dma_start3A_41 : memref<1x79x128xi32, #tpu.memory_space<hbm>> -> memref<79x128xi32, #tpu.memory_space<hbm>>
      tpu.enqueue_dma source(%dma_start3A_42 : memref<79x128xi32, #tpu.memory_space<hbm>>) target(%arg8 : memref<79x128xi32, #tpu.memory_space<vmem>>) target_semaphore(%run_scoped3A : memref<!tpu.dma_semaphore, #tpu.memory_space<semaphore_mem>>)
      %dma_wait3A = arith.constant 0 : i32
      %dma_wait3A_43 = arith.constant 0 : i32
      %dma_wait3A_44 = tpu.memref_slice %arg4[%arg1, %dma_wait3A, %dma_wait3A_43] : memref<16x79x128xi32, #tpu.memory_space<hbm>> -> memref<1x79x128xi32, #tpu.memory_space<hbm>>
      %dma_wait3A_45 = tpu.memref_squeeze %dma_wait3A_44 : memref<1x79x128xi32, #tpu.memory_space<hbm>> -> memref<79x128xi32, #tpu.memory_space<hbm>>
      %dma_wait3A_46 = arith.constant 0 : i32
      %dma_wait3A_47 = arith.constant 0 : i32
      %dma_wait3A_48 = tpu.memref_slice %arg4[%arg1, %dma_wait3A_46, %dma_wait3A_47] : memref<16x79x128xi32, #tpu.memory_space<hbm>> -> memref<1x79x128xi32, #tpu.memory_space<hbm>>
      %dma_wait3A_49 = tpu.memref_squeeze %dma_wait3A_48 : memref<1x79x128xi32, #tpu.memory_space<hbm>> -> memref<79x128xi32, #tpu.memory_space<hbm>>
      tpu.wait_dma2 semaphore(%run_scoped3A : memref<!tpu.dma_semaphore, #tpu.memory_space<semaphore_mem>>) src(%dma_wait3A_49 : memref<79x128xi32, #tpu.memory_space<hbm>>) dst(%arg8 : memref<79x128xi32, #tpu.memory_space<vmem>>)
      tpu.yield
    }) : () -> ()
    %mul3A = arith.constant 2 : i32
    %mul3A_0 = arith.muli %mul3A, %arg0 : i32
    %add3A = arith.constant 0 : i32
    %add3A_1 = arith.addi %mul3A_0, %add3A : i32
    %mul3A_2 = arith.constant 640 : i32
    %mul3A_3 = arith.muli %arg1, %mul3A_2 : i32
    %mul3A_4 = arith.constant 640 : i32
    %mul3A_5 = arith.muli %arg1, %mul3A_4 : i32
    "tpu.region"() ({
      %run_scoped3A = tpu.sem_alloc : memref<!tpu.dma_semaphore, #tpu.memory_space<semaphore_mem>>
      %dma_start3A = arith.constant 0 : i32
      %dma_start3A_36 = tpu.memref_slice %arg10[%mul3A_5, %dma_start3A] : memref<10240x128xf32, #tpu.memory_space<vmem_shared>> -> memref<640x128xf32, #tpu.memory_space<vmem_shared>>
      %dma_start3A_37 = arith.constant 0 : i32
      %dma_start3A_38 = tpu.memref_slice %arg5[%mul3A_3, %dma_start3A_37] : memref<10240x128xf32, #tpu.memory_space<hbm>> -> memref<640x128xf32, #tpu.memory_space<hbm>>
      tpu.enqueue_dma source(%dma_start3A_38 : memref<640x128xf32, #tpu.memory_space<hbm>>) target(%dma_start3A_36 : memref<640x128xf32, #tpu.memory_space<vmem_shared>>) target_semaphore(%run_scoped3A : memref<!tpu.dma_semaphore, #tpu.memory_space<semaphore_mem>>)
      %dma_wait3A = arith.constant 0 : i32
      %dma_wait3A_39 = tpu.memref_slice %arg10[%mul3A_5, %dma_wait3A] : memref<10240x128xf32, #tpu.memory_space<vmem_shared>> -> memref<640x128xf32, #tpu.memory_space<vmem_shared>>
      %dma_wait3A_40 = arith.constant 0 : i32
      %dma_wait3A_41 = tpu.memref_slice %arg5[%mul3A_3, %dma_wait3A_40] : memref<10240x128xf32, #tpu.memory_space<hbm>> -> memref<640x128xf32, #tpu.memory_space<hbm>>
      tpu.wait_dma2 semaphore(%run_scoped3A : memref<!tpu.dma_semaphore, #tpu.memory_space<semaphore_mem>>) src(%dma_wait3A_41 : memref<640x128xf32, #tpu.memory_space<hbm>>) dst(%dma_wait3A_39 : memref<640x128xf32, #tpu.memory_space<vmem_shared>>)
      tpu.yield
    }) : () -> ()
    %barrier3A = arith.constant 0 : index
    tpu.barrier barrier_id(%barrier3A)
    %scan3A = arith.constant 0 : i32
    %scan3A_6 = arith.constant 79 : i32
    %scan3A_7 = arith.addi %scan3A, %scan3A_6 : i32
    %scan3A_8 = arith.constant 1 : i32
    scf.for %scan3A_36 = %scan3A to %scan3A_7 step %scan3A_8  : i32 {
      %mul3A_37 = arith.constant 1 : i32
      %mul3A_38 = arith.muli %scan3A_36, %mul3A_37 : i32
      %add3A_39 = arith.constant 0 : i32
      %add3A_40 = arith.addi %add3A_39, %mul3A_38 : i32
      "tpu.region"() ({
        %run_scoped3A = tpu.sem_alloc : memref<!tpu.dma_semaphore, #tpu.memory_space<semaphore_mem>>
        %dma_start3A = arith.constant 0 : i32
        %dma_start3A_41 = tpu.memref_slice %arg7[%add3A_40, %dma_start3A] : memref<79x128xi32, #tpu.memory_space<vmem>> -> memref<1x128xi32, #tpu.memory_space<vmem>>
        %dma_start3A_42 = tpu.memref_squeeze %dma_start3A_41 : memref<1x128xi32, #tpu.memory_space<vmem>> -> memref<128xi32, #tpu.memory_space<vmem>>
        %dma_start3A_43 = arith.constant 0 : i32
        %dma_start3A_44 = arith.constant 0 : i32
        %dma_start3A_45 = tpu.memref_slice %arg2[%add3A_1, %dma_start3A_43, %dma_start3A_44] : memref<4x10240x128xf32, #tpu.memory_space<hbm>> -> memref<1x10240x128xf32, #tpu.memory_space<hbm>>
        %dma_start3A_46 = tpu.memref_squeeze %dma_start3A_45 : memref<1x10240x128xf32, #tpu.memory_space<hbm>> -> memref<10240x128xf32, #tpu.memory_space<hbm>>
        %dma_start3A_47 = arith.constant 0 : i32
        %dma_start3A_48 = arith.constant 0 : i32
        %dma_start3A_49 = tpu.memref_slice %dma_start3A_46[%dma_start3A_47, %dma_start3A_48] : memref<10240x128xf32, #tpu.memory_space<hbm>> -> memref<10240x128xf32, #tpu.memory_space<hbm>>
        tpu.enqueue_indirect_dma source(%dma_start3A_49 : memref<10240x128xf32, #tpu.memory_space<hbm>>) target(%arg9 : memref<128x128xf32, #tpu.memory_space<vmem>>) offsets(%dma_start3A_42 : memref<128xi32, #tpu.memory_space<vmem>>) semaphore(%run_scoped3A : memref<!tpu.dma_semaphore, #tpu.memory_space<semaphore_mem>>)
        %dma_wait3A = arith.constant 0 : i32
        %dma_wait3A_50 = tpu.memref_slice %arg7[%add3A_40, %dma_wait3A] : memref<79x128xi32, #tpu.memory_space<vmem>> -> memref<1x128xi32, #tpu.memory_space<vmem>>
        %dma_wait3A_51 = tpu.memref_squeeze %dma_wait3A_50 : memref<1x128xi32, #tpu.memory_space<vmem>> -> memref<128xi32, #tpu.memory_space<vmem>>
        %dma_wait3A_52 = arith.constant 0 : i32
        %dma_wait3A_53 = arith.constant 0 : i32
        %dma_wait3A_54 = tpu.memref_slice %arg2[%add3A_1, %dma_wait3A_52, %dma_wait3A_53] : memref<4x10240x128xf32, #tpu.memory_space<hbm>> -> memref<1x10240x128xf32, #tpu.memory_space<hbm>>
        %dma_wait3A_55 = tpu.memref_squeeze %dma_wait3A_54 : memref<1x10240x128xf32, #tpu.memory_space<hbm>> -> memref<10240x128xf32, #tpu.memory_space<hbm>>
        %dma_wait3A_56 = arith.constant 0 : i32
        %dma_wait3A_57 = arith.constant 0 : i32
        %dma_wait3A_58 = tpu.memref_slice %dma_wait3A_55[%dma_wait3A_56, %dma_wait3A_57] : memref<10240x128xf32, #tpu.memory_space<hbm>> -> memref<10240x128xf32, #tpu.memory_space<hbm>>
        tpu.wait_indirect_dma semaphore(%run_scoped3A : memref<!tpu.dma_semaphore, #tpu.memory_space<semaphore_mem>>) src(%dma_wait3A_58 : memref<10240x128xf32, #tpu.memory_space<hbm>>) dst(%arg9 : memref<128x128xf32, #tpu.memory_space<vmem>>)
        tpu.yield
      }) : () -> ()
      "tpu.region"() ({
        %run_scoped3A = tpu.sem_alloc : memref<!tpu.dma_semaphore, #tpu.memory_space<semaphore_mem>>
        %dma_start3A = arith.constant 0 : i32
        %dma_start3A_41 = tpu.memref_slice %arg8[%add3A_40, %dma_start3A] : memref<79x128xi32, #tpu.memory_space<vmem>> -> memref<1x128xi32, #tpu.memory_space<vmem>>
        %dma_start3A_42 = tpu.memref_squeeze %dma_start3A_41 : memref<1x128xi32, #tpu.memory_space<vmem>> -> memref<128xi32, #tpu.memory_space<vmem>>
        %dma_start3A_43 = arith.constant 0 : i32
        %dma_start3A_44 = arith.constant 0 : i32
        %dma_start3A_45 = tpu.memref_slice %arg10[%dma_start3A_43, %dma_start3A_44] : memref<10240x128xf32, #tpu.memory_space<vmem_shared>> -> memref<10240x128xf32, #tpu.memory_space<vmem_shared>>
        tpu.enqueue_indirect_dma source(%arg9 : memref<128x128xf32, #tpu.memory_space<vmem>>) target(%dma_start3A_45 : memref<10240x128xf32, #tpu.memory_space<vmem_shared>>) offsets(%dma_start3A_42 : memref<128xi32, #tpu.memory_space<vmem>>) semaphore(%run_scoped3A : memref<!tpu.dma_semaphore, #tpu.memory_space<semaphore_mem>>) {add = true}
        %dma_wait3A = arith.constant 0 : i32
        %dma_wait3A_46 = tpu.memref_slice %arg8[%add3A_40, %dma_wait3A] : memref<79x128xi32, #tpu.memory_space<vmem>> -> memref<1x128xi32, #tpu.memory_space<vmem>>
        %dma_wait3A_47 = tpu.memref_squeeze %dma_wait3A_46 : memref<1x128xi32, #tpu.memory_space<vmem>> -> memref<128xi32, #tpu.memory_space<vmem>>
        %dma_wait3A_48 = arith.constant 0 : i32
        %dma_wait3A_49 = arith.constant 0 : i32
        %dma_wait3A_50 = tpu.memref_slice %arg10[%dma_wait3A_48, %dma_wait3A_49] : memref<10240x128xf32, #tpu.memory_space<vmem_shared>> -> memref<10240x128xf32, #tpu.memory_space<vmem_shared>>
        tpu.wait_indirect_dma semaphore(%run_scoped3A : memref<!tpu.dma_semaphore, #tpu.memory_space<semaphore_mem>>) src(%arg9 : memref<128x128xf32, #tpu.memory_space<vmem>>) dst(%dma_wait3A_50 : memref<10240x128xf32, #tpu.memory_space<vmem_shared>>)
        tpu.yield
      }) : () -> ()
    }
    %scan3A_9 = arith.constant 79 : i32
    %barrier3A_10 = arith.constant 0 : index
    tpu.barrier barrier_id(%barrier3A_10)
    %mul3A_11 = arith.constant 640 : i32
    %mul3A_12 = arith.muli %arg1, %mul3A_11 : i32
    %mul3A_13 = arith.constant 640 : i32
    %mul3A_14 = arith.muli %arg1, %mul3A_13 : i32
    "tpu.region"() ({
      %run_scoped3A = tpu.sem_alloc : memref<!tpu.dma_semaphore, #tpu.memory_space<semaphore_mem>>
      %dma_start3A = arith.constant 0 : i32
      %dma_start3A_36 = arith.constant 0 : i32
      %dma_start3A_37 = tpu.memref_slice %arg6[%add3A_1, %dma_start3A, %dma_start3A_36] : memref<4x10240x128xf32, #tpu.memory_space<hbm>> -> memref<1x10240x128xf32, #tpu.memory_space<hbm>>
      %dma_start3A_38 = tpu.memref_squeeze %dma_start3A_37 : memref<1x10240x128xf32, #tpu.memory_space<hbm>> -> memref<10240x128xf32, #tpu.memory_space<hbm>>
      %dma_start3A_39 = arith.constant 0 : i32
      %dma_start3A_40 = tpu.memref_slice %dma_start3A_38[%mul3A_14, %dma_start3A_39] : memref<10240x128xf32, #tpu.memory_space<hbm>> -> memref<640x128xf32, #tpu.memory_space<hbm>>
      %dma_start3A_41 = arith.constant 0 : i32
      %dma_start3A_42 = tpu.memref_slice %arg10[%mul3A_12, %dma_start3A_41] : memref<10240x128xf32, #tpu.memory_space<vmem_shared>> -> memref<640x128xf32, #tpu.memory_space<vmem_shared>>
      tpu.enqueue_dma source(%dma_start3A_42 : memref<640x128xf32, #tpu.memory_space<vmem_shared>>) target(%dma_start3A_40 : memref<640x128xf32, #tpu.memory_space<hbm>>) target_semaphore(%run_scoped3A : memref<!tpu.dma_semaphore, #tpu.memory_space<semaphore_mem>>)
      %dma_wait3A = arith.constant 0 : i32
      %dma_wait3A_43 = arith.constant 0 : i32
      %dma_wait3A_44 = tpu.memref_slice %arg6[%add3A_1, %dma_wait3A, %dma_wait3A_43] : memref<4x10240x128xf32, #tpu.memory_space<hbm>> -> memref<1x10240x128xf32, #tpu.memory_space<hbm>>
      %dma_wait3A_45 = tpu.memref_squeeze %dma_wait3A_44 : memref<1x10240x128xf32, #tpu.memory_space<hbm>> -> memref<10240x128xf32, #tpu.memory_space<hbm>>
      %dma_wait3A_46 = arith.constant 0 : i32
      %dma_wait3A_47 = tpu.memref_slice %dma_wait3A_45[%mul3A_14, %dma_wait3A_46] : memref<10240x128xf32, #tpu.memory_space<hbm>> -> memref<640x128xf32, #tpu.memory_space<hbm>>
      %dma_wait3A_48 = arith.constant 0 : i32
      %dma_wait3A_49 = tpu.memref_slice %arg10[%mul3A_12, %dma_wait3A_48] : memref<10240x128xf32, #tpu.memory_space<vmem_shared>> -> memref<640x128xf32, #tpu.memory_space<vmem_shared>>
      tpu.wait_dma2 semaphore(%run_scoped3A : memref<!tpu.dma_semaphore, #tpu.memory_space<semaphore_mem>>) src(%dma_wait3A_49 : memref<640x128xf32, #tpu.memory_space<vmem_shared>>) dst(%dma_wait3A_47 : memref<640x128xf32, #tpu.memory_space<hbm>>)
      tpu.yield
    }) : () -> ()
    %barrier3A_15 = arith.constant 0 : index
    tpu.barrier barrier_id(%barrier3A_15)
    %mul3A_16 = arith.constant 2 : i32
    %mul3A_17 = arith.muli %mul3A_16, %arg0 : i32
    %add3A_18 = arith.constant 1 : i32
    %add3A_19 = arith.addi %mul3A_17, %add3A_18 : i32
    %mul3A_20 = arith.constant 640 : i32
    %mul3A_21 = arith.muli %arg1, %mul3A_20 : i32
    %mul3A_22 = arith.constant 640 : i32
    %mul3A_23 = arith.muli %arg1, %mul3A_22 : i32
    "tpu.region"() ({
      %run_scoped3A = tpu.sem_alloc : memref<!tpu.dma_semaphore, #tpu.memory_space<semaphore_mem>>
      %dma_start3A = arith.constant 0 : i32
      %dma_start3A_36 = tpu.memref_slice %arg10[%mul3A_23, %dma_start3A] : memref<10240x128xf32, #tpu.memory_space<vmem_shared>> -> memref<640x128xf32, #tpu.memory_space<vmem_shared>>
      %dma_start3A_37 = arith.constant 0 : i32
      %dma_start3A_38 = tpu.memref_slice %arg5[%mul3A_21, %dma_start3A_37] : memref<10240x128xf32, #tpu.memory_space<hbm>> -> memref<640x128xf32, #tpu.memory_space<hbm>>
      tpu.enqueue_dma source(%dma_start3A_38 : memref<640x128xf32, #tpu.memory_space<hbm>>) target(%dma_start3A_36 : memref<640x128xf32, #tpu.memory_space<vmem_shared>>) target_semaphore(%run_scoped3A : memref<!tpu.dma_semaphore, #tpu.memory_space<semaphore_mem>>)
      %dma_wait3A = arith.constant 0 : i32
      %dma_wait3A_39 = tpu.memref_slice %arg10[%mul3A_23, %dma_wait3A] : memref<10240x128xf32, #tpu.memory_space<vmem_shared>> -> memref<640x128xf32, #tpu.memory_space<vmem_shared>>
      %dma_wait3A_40 = arith.constant 0 : i32
      %dma_wait3A_41 = tpu.memref_slice %arg5[%mul3A_21, %dma_wait3A_40] : memref<10240x128xf32, #tpu.memory_space<hbm>> -> memref<640x128xf32, #tpu.memory_space<hbm>>
      tpu.wait_dma2 semaphore(%run_scoped3A : memref<!tpu.dma_semaphore, #tpu.memory_space<semaphore_mem>>) src(%dma_wait3A_41 : memref<640x128xf32, #tpu.memory_space<hbm>>) dst(%dma_wait3A_39 : memref<640x128xf32, #tpu.memory_space<vmem_shared>>)
      tpu.yield
    }) : () -> ()
    %barrier3A_24 = arith.constant 0 : index
    tpu.barrier barrier_id(%barrier3A_24)
    %scan3A_25 = arith.constant 0 : i32
    %scan3A_26 = arith.constant 79 : i32
    %scan3A_27 = arith.addi %scan3A_25, %scan3A_26 : i32
    %scan3A_28 = arith.constant 1 : i32
    scf.for %scan3A_36 = %scan3A_25 to %scan3A_27 step %scan3A_28  : i32 {
      %mul3A_37 = arith.constant 1 : i32
      %mul3A_38 = arith.muli %scan3A_36, %mul3A_37 : i32
      %add3A_39 = arith.constant 0 : i32
      %add3A_40 = arith.addi %add3A_39, %mul3A_38 : i32
      "tpu.region"() ({
        %run_scoped3A = tpu.sem_alloc : memref<!tpu.dma_semaphore, #tpu.memory_space<semaphore_mem>>
        %dma_start3A = arith.constant 0 : i32
        %dma_start3A_41 = tpu.memref_slice %arg7[%add3A_40, %dma_start3A] : memref<79x128xi32, #tpu.memory_space<vmem>> -> memref<1x128xi32, #tpu.memory_space<vmem>>
        %dma_start3A_42 = tpu.memref_squeeze %dma_start3A_41 : memref<1x128xi32, #tpu.memory_space<vmem>> -> memref<128xi32, #tpu.memory_space<vmem>>
        %dma_start3A_43 = arith.constant 0 : i32
        %dma_start3A_44 = arith.constant 0 : i32
        %dma_start3A_45 = tpu.memref_slice %arg2[%add3A_19, %dma_start3A_43, %dma_start3A_44] : memref<4x10240x128xf32, #tpu.memory_space<hbm>> -> memref<1x10240x128xf32, #tpu.memory_space<hbm>>
        %dma_start3A_46 = tpu.memref_squeeze %dma_start3A_45 : memref<1x10240x128xf32, #tpu.memory_space<hbm>> -> memref<10240x128xf32, #tpu.memory_space<hbm>>
        %dma_start3A_47 = arith.constant 0 : i32
        %dma_start3A_48 = arith.constant 0 : i32
        %dma_start3A_49 = tpu.memref_slice %dma_start3A_46[%dma_start3A_47, %dma_start3A_48] : memref<10240x128xf32, #tpu.memory_space<hbm>> -> memref<10240x128xf32, #tpu.memory_space<hbm>>
        tpu.enqueue_indirect_dma source(%dma_start3A_49 : memref<10240x128xf32, #tpu.memory_space<hbm>>) target(%arg9 : memref<128x128xf32, #tpu.memory_space<vmem>>) offsets(%dma_start3A_42 : memref<128xi32, #tpu.memory_space<vmem>>) semaphore(%run_scoped3A : memref<!tpu.dma_semaphore, #tpu.memory_space<semaphore_mem>>)
        %dma_wait3A = arith.constant 0 : i32
        %dma_wait3A_50 = tpu.memref_slice %arg7[%add3A_40, %dma_wait3A] : memref<79x128xi32, #tpu.memory_space<vmem>> -> memref<1x128xi32, #tpu.memory_space<vmem>>
        %dma_wait3A_51 = tpu.memref_squeeze %dma_wait3A_50 : memref<1x128xi32, #tpu.memory_space<vmem>> -> memref<128xi32, #tpu.memory_space<vmem>>
        %dma_wait3A_52 = arith.constant 0 : i32
        %dma_wait3A_53 = arith.constant 0 : i32
        %dma_wait3A_54 = tpu.memref_slice %arg2[%add3A_19, %dma_wait3A_52, %dma_wait3A_53] : memref<4x10240x128xf32, #tpu.memory_space<hbm>> -> memref<1x10240x128xf32, #tpu.memory_space<hbm>>
        %dma_wait3A_55 = tpu.memref_squeeze %dma_wait3A_54 : memref<1x10240x128xf32, #tpu.memory_space<hbm>> -> memref<10240x128xf32, #tpu.memory_space<hbm>>
        %dma_wait3A_56 = arith.constant 0 : i32
        %dma_wait3A_57 = arith.constant 0 : i32
        %dma_wait3A_58 = tpu.memref_slice %dma_wait3A_55[%dma_wait3A_56, %dma_wait3A_57] : memref<10240x128xf32, #tpu.memory_space<hbm>> -> memref<10240x128xf32, #tpu.memory_space<hbm>>
        tpu.wait_indirect_dma semaphore(%run_scoped3A : memref<!tpu.dma_semaphore, #tpu.memory_space<semaphore_mem>>) src(%dma_wait3A_58 : memref<10240x128xf32, #tpu.memory_space<hbm>>) dst(%arg9 : memref<128x128xf32, #tpu.memory_space<vmem>>)
        tpu.yield
      }) : () -> ()
      "tpu.region"() ({
        %run_scoped3A = tpu.sem_alloc : memref<!tpu.dma_semaphore, #tpu.memory_space<semaphore_mem>>
        %dma_start3A = arith.constant 0 : i32
        %dma_start3A_41 = tpu.memref_slice %arg8[%add3A_40, %dma_start3A] : memref<79x128xi32, #tpu.memory_space<vmem>> -> memref<1x128xi32, #tpu.memory_space<vmem>>
        %dma_start3A_42 = tpu.memref_squeeze %dma_start3A_41 : memref<1x128xi32, #tpu.memory_space<vmem>> -> memref<128xi32, #tpu.memory_space<vmem>>
        %dma_start3A_43 = arith.constant 0 : i32
        %dma_start3A_44 = arith.constant 0 : i32
        %dma_start3A_45 = tpu.memref_slice %arg10[%dma_start3A_43, %dma_start3A_44] : memref<10240x128xf32, #tpu.memory_space<vmem_shared>> -> memref<10240x128xf32, #tpu.memory_space<vmem_shared>>
        tpu.enqueue_indirect_dma source(%arg9 : memref<128x128xf32, #tpu.memory_space<vmem>>) target(%dma_start3A_45 : memref<10240x128xf32, #tpu.memory_space<vmem_shared>>) offsets(%dma_start3A_42 : memref<128xi32, #tpu.memory_space<vmem>>) semaphore(%run_scoped3A : memref<!tpu.dma_semaphore, #tpu.memory_space<semaphore_mem>>) {add = true}
        %dma_wait3A = arith.constant 0 : i32
        %dma_wait3A_46 = tpu.memref_slice %arg8[%add3A_40, %dma_wait3A] : memref<79x128xi32, #tpu.memory_space<vmem>> -> memref<1x128xi32, #tpu.memory_space<vmem>>
        %dma_wait3A_47 = tpu.memref_squeeze %dma_wait3A_46 : memref<1x128xi32, #tpu.memory_space<vmem>> -> memref<128xi32, #tpu.memory_space<vmem>>
        %dma_wait3A_48 = arith.constant 0 : i32
        %dma_wait3A_49 = arith.constant 0 : i32
        %dma_wait3A_50 = tpu.memref_slice %arg10[%dma_wait3A_48, %dma_wait3A_49] : memref<10240x128xf32, #tpu.memory_space<vmem_shared>> -> memref<10240x128xf32, #tpu.memory_space<vmem_shared>>
        tpu.wait_indirect_dma semaphore(%run_scoped3A : memref<!tpu.dma_semaphore, #tpu.memory_space<semaphore_mem>>) src(%arg9 : memref<128x128xf32, #tpu.memory_space<vmem>>) dst(%dma_wait3A_50 : memref<10240x128xf32, #tpu.memory_space<vmem_shared>>)
        tpu.yield
      }) : () -> ()
    }
    %scan3A_29 = arith.constant 79 : i32
    %barrier3A_30 = arith.constant 0 : index
    tpu.barrier barrier_id(%barrier3A_30)
    %mul3A_31 = arith.constant 640 : i32
    %mul3A_32 = arith.muli %arg1, %mul3A_31 : i32
    %mul3A_33 = arith.constant 640 : i32
    %mul3A_34 = arith.muli %arg1, %mul3A_33 : i32
    "tpu.region"() ({
      %run_scoped3A = tpu.sem_alloc : memref<!tpu.dma_semaphore, #tpu.memory_space<semaphore_mem>>
      %dma_start3A = arith.constant 0 : i32
      %dma_start3A_36 = arith.constant 0 : i32
      %dma_start3A_37 = tpu.memref_slice %arg6[%add3A_19, %dma_start3A, %dma_start3A_36] : memref<4x10240x128xf32, #tpu.memory_space<hbm>> -> memref<1x10240x128xf32, #tpu.memory_space<hbm>>
      %dma_start3A_38 = tpu.memref_squeeze %dma_start3A_37 : memref<1x10240x128xf32, #tpu.memory_space<hbm>> -> memref<10240x128xf32, #tpu.memory_space<hbm>>
      %dma_start3A_39 = arith.constant 0 : i32
      %dma_start3A_40 = tpu.memref_slice %dma_start3A_38[%mul3A_34, %dma_start3A_39] : memref<10240x128xf32, #tpu.memory_space<hbm>> -> memref<640x128xf32, #tpu.memory_space<hbm>>
      %dma_start3A_41 = arith.constant 0 : i32
      %dma_start3A_42 = tpu.memref_slice %arg10[%mul3A_32, %dma_start3A_41] : memref<10240x128xf32, #tpu.memory_space<vmem_shared>> -> memref<640x128xf32, #tpu.memory_space<vmem_shared>>
      tpu.enqueue_dma source(%dma_start3A_42 : memref<640x128xf32, #tpu.memory_space<vmem_shared>>) target(%dma_start3A_40 : memref<640x128xf32, #tpu.memory_space<hbm>>) target_semaphore(%run_scoped3A : memref<!tpu.dma_semaphore, #tpu.memory_space<semaphore_mem>>)
      %dma_wait3A = arith.constant 0 : i32
      %dma_wait3A_43 = arith.constant 0 : i32
      %dma_wait3A_44 = tpu.memref_slice %arg6[%add3A_19, %dma_wait3A, %dma_wait3A_43] : memref<4x10240x128xf32, #tpu.memory_space<hbm>> -> memref<1x10240x128xf32, #tpu.memory_space<hbm>>
      %dma_wait3A_45 = tpu.memref_squeeze %dma_wait3A_44 : memref<1x10240x128xf32, #tpu.memory_space<hbm>> -> memref<10240x128xf32, #tpu.memory_space<hbm>>
      %dma_wait3A_46 = arith.constant 0 : i32
      %dma_wait3A_47 = tpu.memref_slice %dma_wait3A_45[%mul3A_34, %dma_wait3A_46] : memref<10240x128xf32, #tpu.memory_space<hbm>> -> memref<640x128xf32, #tpu.memory_space<hbm>>
      %dma_wait3A_48 = arith.constant 0 : i32
      %dma_wait3A_49 = tpu.memref_slice %arg10[%mul3A_32, %dma_wait3A_48] : memref<10240x128xf32, #tpu.memory_space<vmem_shared>> -> memref<640x128xf32, #tpu.memory_space<vmem_shared>>
      tpu.wait_dma2 semaphore(%run_scoped3A : memref<!tpu.dma_semaphore, #tpu.memory_space<semaphore_mem>>) src(%dma_wait3A_49 : memref<640x128xf32, #tpu.memory_space<vmem_shared>>) dst(%dma_wait3A_47 : memref<640x128xf32, #tpu.memory_space<hbm>>)
      tpu.yield
    }) : () -> ()
    %barrier3A_35 = arith.constant 0 : index
    tpu.barrier barrier_id(%barrier3A_35)
    return
  }
}

#map = affine_map<(d0, d1) -> (0, 0, 0)>
#map1 = affine_map<(d0, d1) -> (0, 0)>
module attributes {stable_mosaic.version = 14 : i64} {
  func.func @_sc_segsum(%arg0: i32, %arg1: i32, %arg2: memref<4x10240x128xf32, #tpu.memory_space<hbm>>, %arg3: memref<16x79x128xi32, #tpu.memory_space<hbm>>, %arg4: memref<16x79x128xi32, #tpu.memory_space<hbm>>, %arg5: memref<10240x128xf32, #tpu.memory_space<hbm>>, %arg6: memref<4x10240x128xf32, #tpu.memory_space<hbm>>, %arg7: memref<79x128xi32, #tpu.memory_space<vmem>>, %arg8: memref<79x128xi32, #tpu.memory_space<vmem>>, %arg9: memref<128x128xf32, #tpu.memory_space<vmem>>, %arg10: memref<10240x128xf32, #tpu.memory_space<vmem_shared>>) attributes {dimension_semantics = [#tpu.dimension_semantics<core_parallel>, #tpu.dimension_semantics<subcore_parallel>], iteration_bounds = array<i64: 2, 16>, scalar_prefetch = 0 : i64, scratch_operands = 4 : i64, tpu.core_type = #tpu.core_type<sc_vector_subcore>, window_params = [{transform_indices = #map}, {transform_indices = #map}, {transform_indices = #map}, {transform_indices = #map1}, {transform_indices = #map}]} {
    "tpu.region"() ({
      %run_scoped3A = tpu.sem_alloc : memref<!tpu.dma_semaphore, #tpu.memory_space<semaphore_mem>>
      %dma_start3A = arith.constant 0 : i32
      %dma_start3A_36 = arith.constant 0 : i32
      %dma_start3A_37 = tpu.memref_slice %arg3[%arg1, %dma_start3A, %dma_start3A_36] : memref<16x79x128xi32, #tpu.memory_space<hbm>> -> memref<1x79x128xi32, #tpu.memory_space<hbm>>
      %dma_start3A_38 = tpu.memref_squeeze %dma_start3A_37 : memref<1x79x128xi32, #tpu.memory_space<hbm>> -> memref<79x128xi32, #tpu.memory_space<hbm>>
      %dma_start3A_39 = arith.constant 0 : i32
      %dma_start3A_40 = arith.constant 0 : i32
      %dma_start3A_41 = tpu.memref_slice %arg3[%arg1, %dma_start3A_39, %dma_start3A_40] : memref<16x79x128xi32, #tpu.memory_space<hbm>> -> memref<1x79x128xi32, #tpu.memory_space<hbm>>
      %dma_start3A_42 = tpu.memref_squeeze %dma_start3A_41 : memref<1x79x128xi32, #tpu.memory_space<hbm>> -> memref<79x128xi32, #tpu.memory_space<hbm>>
      tpu.enqueue_dma source(%dma_start3A_42 : memref<79x128xi32, #tpu.memory_space<hbm>>) target(%arg7 : memref<79x128xi32, #tpu.memory_space<vmem>>) target_semaphore(%run_scoped3A : memref<!tpu.dma_semaphore, #tpu.memory_space<semaphore_mem>>)
      %dma_wait3A = arith.constant 0 : i32
      %dma_wait3A_43 = arith.constant 0 : i32
      %dma_wait3A_44 = tpu.memref_slice %arg3[%arg1, %dma_wait3A, %dma_wait3A_43] : memref<16x79x128xi32, #tpu.memory_space<hbm>> -> memref<1x79x128xi32, #tpu.memory_space<hbm>>
      %dma_wait3A_45 = tpu.memref_squeeze %dma_wait3A_44 : memref<1x79x128xi32, #tpu.memory_space<hbm>> -> memref<79x128xi32, #tpu.memory_space<hbm>>
      %dma_wait3A_46 = arith.constant 0 : i32
      %dma_wait3A_47 = arith.constant 0 : i32
      %dma_wait3A_48 = tpu.memref_slice %arg3[%arg1, %dma_wait3A_46, %dma_wait3A_47] : memref<16x79x128xi32, #tpu.memory_space<hbm>> -> memref<1x79x128xi32, #tpu.memory_space<hbm>>
      %dma_wait3A_49 = tpu.memref_squeeze %dma_wait3A_48 : memref<1x79x128xi32, #tpu.memory_space<hbm>> -> memref<79x128xi32, #tpu.memory_space<hbm>>
      tpu.wait_dma2 semaphore(%run_scoped3A : memref<!tpu.dma_semaphore, #tpu.memory_space<semaphore_mem>>) src(%dma_wait3A_49 : memref<79x128xi32, #tpu.memory_space<hbm>>) dst(%arg7 : memref<79x128xi32, #tpu.memory_space<vmem>>)
      tpu.yield
    }) : () -> ()
    "tpu.region"() ({
      %run_scoped3A = tpu.sem_alloc : memref<!tpu.dma_semaphore, #tpu.memory_space<semaphore_mem>>
      %dma_start3A = arith.constant 0 : i32
      %dma_start3A_36 = arith.constant 0 : i32
      %dma_start3A_37 = tpu.memref_slice %arg4[%arg1, %dma_start3A, %dma_start3A_36] : memref<16x79x128xi32, #tpu.memory_space<hbm>> -> memref<1x79x128xi32, #tpu.memory_space<hbm>>
      %dma_start3A_38 = tpu.memref_squeeze %dma_start3A_37 : memref<1x79x128xi32, #tpu.memory_space<hbm>> -> memref<79x128xi32, #tpu.memory_space<hbm>>
      %dma_start3A_39 = arith.constant 0 : i32
      %dma_start3A_40 = arith.constant 0 : i32
      %dma_start3A_41 = tpu.memref_slice %arg4[%arg1, %dma_start3A_39, %dma_start3A_40] : memref<16x79x128xi32, #tpu.memory_space<hbm>> -> memref<1x79x128xi32, #tpu.memory_space<hbm>>
      %dma_start3A_42 = tpu.memref_squeeze %dma_start3A_41 : memref<1x79x128xi32, #tpu.memory_space<hbm>> -> memref<79x128xi32, #tpu.memory_space<hbm>>
      tpu.enqueue_dma source(%dma_start3A_42 : memref<79x128xi32, #tpu.memory_space<hbm>>) target(%arg8 : memref<79x128xi32, #tpu.memory_space<vmem>>) target_semaphore(%run_scoped3A : memref<!tpu.dma_semaphore, #tpu.memory_space<semaphore_mem>>)
      %dma_wait3A = arith.constant 0 : i32
      %dma_wait3A_43 = arith.constant 0 : i32
      %dma_wait3A_44 = tpu.memref_slice %arg4[%arg1, %dma_wait3A, %dma_wait3A_43] : memref<16x79x128xi32, #tpu.memory_space<hbm>> -> memref<1x79x128xi32, #tpu.memory_space<hbm>>
      %dma_wait3A_45 = tpu.memref_squeeze %dma_wait3A_44 : memref<1x79x128xi32, #tpu.memory_space<hbm>> -> memref<79x128xi32, #tpu.memory_space<hbm>>
      %dma_wait3A_46 = arith.constant 0 : i32
      %dma_wait3A_47 = arith.constant 0 : i32
      %dma_wait3A_48 = tpu.memref_slice %arg4[%arg1, %dma_wait3A_46, %dma_wait3A_47] : memref<16x79x128xi32, #tpu.memory_space<hbm>> -> memref<1x79x128xi32, #tpu.memory_space<hbm>>
      %dma_wait3A_49 = tpu.memref_squeeze %dma_wait3A_48 : memref<1x79x128xi32, #tpu.memory_space<hbm>> -> memref<79x128xi32, #tpu.memory_space<hbm>>
      tpu.wait_dma2 semaphore(%run_scoped3A : memref<!tpu.dma_semaphore, #tpu.memory_space<semaphore_mem>>) src(%dma_wait3A_49 : memref<79x128xi32, #tpu.memory_space<hbm>>) dst(%arg8 : memref<79x128xi32, #tpu.memory_space<vmem>>)
      tpu.yield
    }) : () -> ()
    %mul3A = arith.constant 2 : i32
    %mul3A_0 = arith.muli %mul3A, %arg0 : i32
    %add3A = arith.constant 0 : i32
    %add3A_1 = arith.addi %mul3A_0, %add3A : i32
    %mul3A_2 = arith.constant 640 : i32
    %mul3A_3 = arith.muli %arg1, %mul3A_2 : i32
    %mul3A_4 = arith.constant 640 : i32
    %mul3A_5 = arith.muli %arg1, %mul3A_4 : i32
    "tpu.region"() ({
      %run_scoped3A = tpu.sem_alloc : memref<!tpu.dma_semaphore, #tpu.memory_space<semaphore_mem>>
      %dma_start3A = arith.constant 0 : i32
      %dma_start3A_36 = tpu.memref_slice %arg10[%mul3A_5, %dma_start3A] : memref<10240x128xf32, #tpu.memory_space<vmem_shared>> -> memref<640x128xf32, #tpu.memory_space<vmem_shared>>
      %dma_start3A_37 = arith.constant 0 : i32
      %dma_start3A_38 = tpu.memref_slice %arg5[%mul3A_3, %dma_start3A_37] : memref<10240x128xf32, #tpu.memory_space<hbm>> -> memref<640x128xf32, #tpu.memory_space<hbm>>
      tpu.enqueue_dma source(%dma_start3A_38 : memref<640x128xf32, #tpu.memory_space<hbm>>) target(%dma_start3A_36 : memref<640x128xf32, #tpu.memory_space<vmem_shared>>) target_semaphore(%run_scoped3A : memref<!tpu.dma_semaphore, #tpu.memory_space<semaphore_mem>>)
      %dma_wait3A = arith.constant 0 : i32
      %dma_wait3A_39 = tpu.memref_slice %arg10[%mul3A_5, %dma_wait3A] : memref<10240x128xf32, #tpu.memory_space<vmem_shared>> -> memref<640x128xf32, #tpu.memory_space<vmem_shared>>
      %dma_wait3A_40 = arith.constant 0 : i32
      %dma_wait3A_41 = tpu.memref_slice %arg5[%mul3A_3, %dma_wait3A_40] : memref<10240x128xf32, #tpu.memory_space<hbm>> -> memref<640x128xf32, #tpu.memory_space<hbm>>
      tpu.wait_dma2 semaphore(%run_scoped3A : memref<!tpu.dma_semaphore, #tpu.memory_space<semaphore_mem>>) src(%dma_wait3A_41 : memref<640x128xf32, #tpu.memory_space<hbm>>) dst(%dma_wait3A_39 : memref<640x128xf32, #tpu.memory_space<vmem_shared>>)
      tpu.yield
    }) : () -> ()
    %barrier3A = arith.constant 0 : index
    tpu.barrier barrier_id(%barrier3A)
    %scan3A = arith.constant 0 : i32
    %scan3A_6 = arith.constant 79 : i32
    %scan3A_7 = arith.addi %scan3A, %scan3A_6 : i32
    %scan3A_8 = arith.constant 1 : i32
    scf.for %scan3A_36 = %scan3A to %scan3A_7 step %scan3A_8  : i32 {
      %mul3A_37 = arith.constant 1 : i32
      %mul3A_38 = arith.muli %scan3A_36, %mul3A_37 : i32
      %add3A_39 = arith.constant 0 : i32
      %add3A_40 = arith.addi %add3A_39, %mul3A_38 : i32
      "tpu.region"() ({
        %run_scoped3A = tpu.sem_alloc : memref<!tpu.dma_semaphore, #tpu.memory_space<semaphore_mem>>
        %dma_start3A = arith.constant 0 : i32
        %dma_start3A_41 = tpu.memref_slice %arg7[%add3A_40, %dma_start3A] : memref<79x128xi32, #tpu.memory_space<vmem>> -> memref<1x128xi32, #tpu.memory_space<vmem>>
        %dma_start3A_42 = tpu.memref_squeeze %dma_start3A_41 : memref<1x128xi32, #tpu.memory_space<vmem>> -> memref<128xi32, #tpu.memory_space<vmem>>
        %dma_start3A_43 = arith.constant 0 : i32
        %dma_start3A_44 = arith.constant 0 : i32
        %dma_start3A_45 = tpu.memref_slice %arg2[%add3A_1, %dma_start3A_43, %dma_start3A_44] : memref<4x10240x128xf32, #tpu.memory_space<hbm>> -> memref<1x10240x128xf32, #tpu.memory_space<hbm>>
        %dma_start3A_46 = tpu.memref_squeeze %dma_start3A_45 : memref<1x10240x128xf32, #tpu.memory_space<hbm>> -> memref<10240x128xf32, #tpu.memory_space<hbm>>
        %dma_start3A_47 = arith.constant 0 : i32
        %dma_start3A_48 = arith.constant 0 : i32
        %dma_start3A_49 = tpu.memref_slice %dma_start3A_46[%dma_start3A_47, %dma_start3A_48] : memref<10240x128xf32, #tpu.memory_space<hbm>> -> memref<10240x128xf32, #tpu.memory_space<hbm>>
        tpu.enqueue_indirect_dma source(%dma_start3A_49 : memref<10240x128xf32, #tpu.memory_space<hbm>>) target(%arg9 : memref<128x128xf32, #tpu.memory_space<vmem>>) offsets(%dma_start3A_42 : memref<128xi32, #tpu.memory_space<vmem>>) semaphore(%run_scoped3A : memref<!tpu.dma_semaphore, #tpu.memory_space<semaphore_mem>>)
        %dma_wait3A = arith.constant 0 : i32
        %dma_wait3A_50 = tpu.memref_slice %arg7[%add3A_40, %dma_wait3A] : memref<79x128xi32, #tpu.memory_space<vmem>> -> memref<1x128xi32, #tpu.memory_space<vmem>>
        %dma_wait3A_51 = tpu.memref_squeeze %dma_wait3A_50 : memref<1x128xi32, #tpu.memory_space<vmem>> -> memref<128xi32, #tpu.memory_space<vmem>>
        %dma_wait3A_52 = arith.constant 0 : i32
        %dma_wait3A_53 = arith.constant 0 : i32
        %dma_wait3A_54 = tpu.memref_slice %arg2[%add3A_1, %dma_wait3A_52, %dma_wait3A_53] : memref<4x10240x128xf32, #tpu.memory_space<hbm>> -> memref<1x10240x128xf32, #tpu.memory_space<hbm>>
        %dma_wait3A_55 = tpu.memref_squeeze %dma_wait3A_54 : memref<1x10240x128xf32, #tpu.memory_space<hbm>> -> memref<10240x128xf32, #tpu.memory_space<hbm>>
        %dma_wait3A_56 = arith.constant 0 : i32
        %dma_wait3A_57 = arith.constant 0 : i32
        %dma_wait3A_58 = tpu.memref_slice %dma_wait3A_55[%dma_wait3A_56, %dma_wait3A_57] : memref<10240x128xf32, #tpu.memory_space<hbm>> -> memref<10240x128xf32, #tpu.memory_space<hbm>>
        tpu.wait_indirect_dma semaphore(%run_scoped3A : memref<!tpu.dma_semaphore, #tpu.memory_space<semaphore_mem>>) src(%dma_wait3A_58 : memref<10240x128xf32, #tpu.memory_space<hbm>>) dst(%arg9 : memref<128x128xf32, #tpu.memory_space<vmem>>)
        tpu.yield
      }) : () -> ()
      "tpu.region"() ({
        %run_scoped3A = tpu.sem_alloc : memref<!tpu.dma_semaphore, #tpu.memory_space<semaphore_mem>>
        %dma_start3A = arith.constant 0 : i32
        %dma_start3A_41 = tpu.memref_slice %arg8[%add3A_40, %dma_start3A] : memref<79x128xi32, #tpu.memory_space<vmem>> -> memref<1x128xi32, #tpu.memory_space<vmem>>
        %dma_start3A_42 = tpu.memref_squeeze %dma_start3A_41 : memref<1x128xi32, #tpu.memory_space<vmem>> -> memref<128xi32, #tpu.memory_space<vmem>>
        %dma_start3A_43 = arith.constant 0 : i32
        %dma_start3A_44 = arith.constant 0 : i32
        %dma_start3A_45 = tpu.memref_slice %arg10[%dma_start3A_43, %dma_start3A_44] : memref<10240x128xf32, #tpu.memory_space<vmem_shared>> -> memref<10240x128xf32, #tpu.memory_space<vmem_shared>>
        tpu.enqueue_indirect_dma source(%arg9 : memref<128x128xf32, #tpu.memory_space<vmem>>) target(%dma_start3A_45 : memref<10240x128xf32, #tpu.memory_space<vmem_shared>>) offsets(%dma_start3A_42 : memref<128xi32, #tpu.memory_space<vmem>>) semaphore(%run_scoped3A : memref<!tpu.dma_semaphore, #tpu.memory_space<semaphore_mem>>) {add = true}
        %dma_wait3A = arith.constant 0 : i32
        %dma_wait3A_46 = tpu.memref_slice %arg8[%add3A_40, %dma_wait3A] : memref<79x128xi32, #tpu.memory_space<vmem>> -> memref<1x128xi32, #tpu.memory_space<vmem>>
        %dma_wait3A_47 = tpu.memref_squeeze %dma_wait3A_46 : memref<1x128xi32, #tpu.memory_space<vmem>> -> memref<128xi32, #tpu.memory_space<vmem>>
        %dma_wait3A_48 = arith.constant 0 : i32
        %dma_wait3A_49 = arith.constant 0 : i32
        %dma_wait3A_50 = tpu.memref_slice %arg10[%dma_wait3A_48, %dma_wait3A_49] : memref<10240x128xf32, #tpu.memory_space<vmem_shared>> -> memref<10240x128xf32, #tpu.memory_space<vmem_shared>>
        tpu.wait_indirect_dma semaphore(%run_scoped3A : memref<!tpu.dma_semaphore, #tpu.memory_space<semaphore_mem>>) src(%arg9 : memref<128x128xf32, #tpu.memory_space<vmem>>) dst(%dma_wait3A_50 : memref<10240x128xf32, #tpu.memory_space<vmem_shared>>)
        tpu.yield
      }) : () -> ()
    }
    %scan3A_9 = arith.constant 79 : i32
    %barrier3A_10 = arith.constant 0 : index
    tpu.barrier barrier_id(%barrier3A_10)
    %mul3A_11 = arith.constant 640 : i32
    %mul3A_12 = arith.muli %arg1, %mul3A_11 : i32
    %mul3A_13 = arith.constant 640 : i32
    %mul3A_14 = arith.muli %arg1, %mul3A_13 : i32
    "tpu.region"() ({
      %run_scoped3A = tpu.sem_alloc : memref<!tpu.dma_semaphore, #tpu.memory_space<semaphore_mem>>
      %dma_start3A = arith.constant 0 : i32
      %dma_start3A_36 = arith.constant 0 : i32
      %dma_start3A_37 = tpu.memref_slice %arg6[%add3A_1, %dma_start3A, %dma_start3A_36] : memref<4x10240x128xf32, #tpu.memory_space<hbm>> -> memref<1x10240x128xf32, #tpu.memory_space<hbm>>
      %dma_start3A_38 = tpu.memref_squeeze %dma_start3A_37 : memref<1x10240x128xf32, #tpu.memory_space<hbm>> -> memref<10240x128xf32, #tpu.memory_space<hbm>>
      %dma_start3A_39 = arith.constant 0 : i32
      %dma_start3A_40 = tpu.memref_slice %dma_start3A_38[%mul3A_14, %dma_start3A_39] : memref<10240x128xf32, #tpu.memory_space<hbm>> -> memref<640x128xf32, #tpu.memory_space<hbm>>
      %dma_start3A_41 = arith.constant 0 : i32
      %dma_start3A_42 = tpu.memref_slice %arg10[%mul3A_12, %dma_start3A_41] : memref<10240x128xf32, #tpu.memory_space<vmem_shared>> -> memref<640x128xf32, #tpu.memory_space<vmem_shared>>
      tpu.enqueue_dma source(%dma_start3A_42 : memref<640x128xf32, #tpu.memory_space<vmem_shared>>) target(%dma_start3A_40 : memref<640x128xf32, #tpu.memory_space<hbm>>) target_semaphore(%run_scoped3A : memref<!tpu.dma_semaphore, #tpu.memory_space<semaphore_mem>>)
      %dma_wait3A = arith.constant 0 : i32
      %dma_wait3A_43 = arith.constant 0 : i32
      %dma_wait3A_44 = tpu.memref_slice %arg6[%add3A_1, %dma_wait3A, %dma_wait3A_43] : memref<4x10240x128xf32, #tpu.memory_space<hbm>> -> memref<1x10240x128xf32, #tpu.memory_space<hbm>>
      %dma_wait3A_45 = tpu.memref_squeeze %dma_wait3A_44 : memref<1x10240x128xf32, #tpu.memory_space<hbm>> -> memref<10240x128xf32, #tpu.memory_space<hbm>>
      %dma_wait3A_46 = arith.constant 0 : i32
      %dma_wait3A_47 = tpu.memref_slice %dma_wait3A_45[%mul3A_14, %dma_wait3A_46] : memref<10240x128xf32, #tpu.memory_space<hbm>> -> memref<640x128xf32, #tpu.memory_space<hbm>>
      %dma_wait3A_48 = arith.constant 0 : i32
      %dma_wait3A_49 = tpu.memref_slice %arg10[%mul3A_12, %dma_wait3A_48] : memref<10240x128xf32, #tpu.memory_space<vmem_shared>> -> memref<640x128xf32, #tpu.memory_space<vmem_shared>>
      tpu.wait_dma2 semaphore(%run_scoped3A : memref<!tpu.dma_semaphore, #tpu.memory_space<semaphore_mem>>) src(%dma_wait3A_49 : memref<640x128xf32, #tpu.memory_space<vmem_shared>>) dst(%dma_wait3A_47 : memref<640x128xf32, #tpu.memory_space<hbm>>)
      tpu.yield
    }) : () -> ()
    %barrier3A_15 = arith.constant 0 : index
    tpu.barrier barrier_id(%barrier3A_15)
    %mul3A_16 = arith.constant 2 : i32
    %mul3A_17 = arith.muli %mul3A_16, %arg0 : i32
    %add3A_18 = arith.constant 1 : i32
    %add3A_19 = arith.addi %mul3A_17, %add3A_18 : i32
    %mul3A_20 = arith.constant 640 : i32
    %mul3A_21 = arith.muli %arg1, %mul3A_20 : i32
    %mul3A_22 = arith.constant 640 : i32
    %mul3A_23 = arith.muli %arg1, %mul3A_22 : i32
    "tpu.region"() ({
      %run_scoped3A = tpu.sem_alloc : memref<!tpu.dma_semaphore, #tpu.memory_space<semaphore_mem>>
      %dma_start3A = arith.constant 0 : i32
      %dma_start3A_36 = tpu.memref_slice %arg10[%mul3A_23, %dma_start3A] : memref<10240x128xf32, #tpu.memory_space<vmem_shared>> -> memref<640x128xf32, #tpu.memory_space<vmem_shared>>
      %dma_start3A_37 = arith.constant 0 : i32
      %dma_start3A_38 = tpu.memref_slice %arg5[%mul3A_21, %dma_start3A_37] : memref<10240x128xf32, #tpu.memory_space<hbm>> -> memref<640x128xf32, #tpu.memory_space<hbm>>
      tpu.enqueue_dma source(%dma_start3A_38 : memref<640x128xf32, #tpu.memory_space<hbm>>) target(%dma_start3A_36 : memref<640x128xf32, #tpu.memory_space<vmem_shared>>) target_semaphore(%run_scoped3A : memref<!tpu.dma_semaphore, #tpu.memory_space<semaphore_mem>>)
      %dma_wait3A = arith.constant 0 : i32
      %dma_wait3A_39 = tpu.memref_slice %arg10[%mul3A_23, %dma_wait3A] : memref<10240x128xf32, #tpu.memory_space<vmem_shared>> -> memref<640x128xf32, #tpu.memory_space<vmem_shared>>
      %dma_wait3A_40 = arith.constant 0 : i32
      %dma_wait3A_41 = tpu.memref_slice %arg5[%mul3A_21, %dma_wait3A_40] : memref<10240x128xf32, #tpu.memory_space<hbm>> -> memref<640x128xf32, #tpu.memory_space<hbm>>
      tpu.wait_dma2 semaphore(%run_scoped3A : memref<!tpu.dma_semaphore, #tpu.memory_space<semaphore_mem>>) src(%dma_wait3A_41 : memref<640x128xf32, #tpu.memory_space<hbm>>) dst(%dma_wait3A_39 : memref<640x128xf32, #tpu.memory_space<vmem_shared>>)
      tpu.yield
    }) : () -> ()
    %barrier3A_24 = arith.constant 0 : index
    tpu.barrier barrier_id(%barrier3A_24)
    %scan3A_25 = arith.constant 0 : i32
    %scan3A_26 = arith.constant 79 : i32
    %scan3A_27 = arith.addi %scan3A_25, %scan3A_26 : i32
    %scan3A_28 = arith.constant 1 : i32
    scf.for %scan3A_36 = %scan3A_25 to %scan3A_27 step %scan3A_28  : i32 {
      %mul3A_37 = arith.constant 1 : i32
      %mul3A_38 = arith.muli %scan3A_36, %mul3A_37 : i32
      %add3A_39 = arith.constant 0 : i32
      %add3A_40 = arith.addi %add3A_39, %mul3A_38 : i32
      "tpu.region"() ({
        %run_scoped3A = tpu.sem_alloc : memref<!tpu.dma_semaphore, #tpu.memory_space<semaphore_mem>>
        %dma_start3A = arith.constant 0 : i32
        %dma_start3A_41 = tpu.memref_slice %arg7[%add3A_40, %dma_start3A] : memref<79x128xi32, #tpu.memory_space<vmem>> -> memref<1x128xi32, #tpu.memory_space<vmem>>
        %dma_start3A_42 = tpu.memref_squeeze %dma_start3A_41 : memref<1x128xi32, #tpu.memory_space<vmem>> -> memref<128xi32, #tpu.memory_space<vmem>>
        %dma_start3A_43 = arith.constant 0 : i32
        %dma_start3A_44 = arith.constant 0 : i32
        %dma_start3A_45 = tpu.memref_slice %arg2[%add3A_19, %dma_start3A_43, %dma_start3A_44] : memref<4x10240x128xf32, #tpu.memory_space<hbm>> -> memref<1x10240x128xf32, #tpu.memory_space<hbm>>
        %dma_start3A_46 = tpu.memref_squeeze %dma_start3A_45 : memref<1x10240x128xf32, #tpu.memory_space<hbm>> -> memref<10240x128xf32, #tpu.memory_space<hbm>>
        %dma_start3A_47 = arith.constant 0 : i32
        %dma_start3A_48 = arith.constant 0 : i32
        %dma_start3A_49 = tpu.memref_slice %dma_start3A_46[%dma_start3A_47, %dma_start3A_48] : memref<10240x128xf32, #tpu.memory_space<hbm>> -> memref<10240x128xf32, #tpu.memory_space<hbm>>
        tpu.enqueue_indirect_dma source(%dma_start3A_49 : memref<10240x128xf32, #tpu.memory_space<hbm>>) target(%arg9 : memref<128x128xf32, #tpu.memory_space<vmem>>) offsets(%dma_start3A_42 : memref<128xi32, #tpu.memory_space<vmem>>) semaphore(%run_scoped3A : memref<!tpu.dma_semaphore, #tpu.memory_space<semaphore_mem>>)
        %dma_wait3A = arith.constant 0 : i32
        %dma_wait3A_50 = tpu.memref_slice %arg7[%add3A_40, %dma_wait3A] : memref<79x128xi32, #tpu.memory_space<vmem>> -> memref<1x128xi32, #tpu.memory_space<vmem>>
        %dma_wait3A_51 = tpu.memref_squeeze %dma_wait3A_50 : memref<1x128xi32, #tpu.memory_space<vmem>> -> memref<128xi32, #tpu.memory_space<vmem>>
        %dma_wait3A_52 = arith.constant 0 : i32
        %dma_wait3A_53 = arith.constant 0 : i32
        %dma_wait3A_54 = tpu.memref_slice %arg2[%add3A_19, %dma_wait3A_52, %dma_wait3A_53] : memref<4x10240x128xf32, #tpu.memory_space<hbm>> -> memref<1x10240x128xf32, #tpu.memory_space<hbm>>
        %dma_wait3A_55 = tpu.memref_squeeze %dma_wait3A_54 : memref<1x10240x128xf32, #tpu.memory_space<hbm>> -> memref<10240x128xf32, #tpu.memory_space<hbm>>
        %dma_wait3A_56 = arith.constant 0 : i32
        %dma_wait3A_57 = arith.constant 0 : i32
        %dma_wait3A_58 = tpu.memref_slice %dma_wait3A_55[%dma_wait3A_56, %dma_wait3A_57] : memref<10240x128xf32, #tpu.memory_space<hbm>> -> memref<10240x128xf32, #tpu.memory_space<hbm>>
        tpu.wait_indirect_dma semaphore(%run_scoped3A : memref<!tpu.dma_semaphore, #tpu.memory_space<semaphore_mem>>) src(%dma_wait3A_58 : memref<10240x128xf32, #tpu.memory_space<hbm>>) dst(%arg9 : memref<128x128xf32, #tpu.memory_space<vmem>>)
        tpu.yield
      }) : () -> ()
      "tpu.region"() ({
        %run_scoped3A = tpu.sem_alloc : memref<!tpu.dma_semaphore, #tpu.memory_space<semaphore_mem>>
        %dma_start3A = arith.constant 0 : i32
        %dma_start3A_41 = tpu.memref_slice %arg8[%add3A_40, %dma_start3A] : memref<79x128xi32, #tpu.memory_space<vmem>> -> memref<1x128xi32, #tpu.memory_space<vmem>>
        %dma_start3A_42 = tpu.memref_squeeze %dma_start3A_41 : memref<1x128xi32, #tpu.memory_space<vmem>> -> memref<128xi32, #tpu.memory_space<vmem>>
        %dma_start3A_43 = arith.constant 0 : i32
        %dma_start3A_44 = arith.constant 0 : i32
        %dma_start3A_45 = tpu.memref_slice %arg10[%dma_start3A_43, %dma_start3A_44] : memref<10240x128xf32, #tpu.memory_space<vmem_shared>> -> memref<10240x128xf32, #tpu.memory_space<vmem_shared>>
        tpu.enqueue_indirect_dma source(%arg9 : memref<128x128xf32, #tpu.memory_space<vmem>>) target(%dma_start3A_45 : memref<10240x128xf32, #tpu.memory_space<vmem_shared>>) offsets(%dma_start3A_42 : memref<128xi32, #tpu.memory_space<vmem>>) semaphore(%run_scoped3A : memref<!tpu.dma_semaphore, #tpu.memory_space<semaphore_mem>>) {add = true}
        %dma_wait3A = arith.constant 0 : i32
        %dma_wait3A_46 = tpu.memref_slice %arg8[%add3A_40, %dma_wait3A] : memref<79x128xi32, #tpu.memory_space<vmem>> -> memref<1x128xi32, #tpu.memory_space<vmem>>
        %dma_wait3A_47 = tpu.memref_squeeze %dma_wait3A_46 : memref<1x128xi32, #tpu.memory_space<vmem>> -> memref<128xi32, #tpu.memory_space<vmem>>
        %dma_wait3A_48 = arith.constant 0 : i32
        %dma_wait3A_49 = arith.constant 0 : i32
        %dma_wait3A_50 = tpu.memref_slice %arg10[%dma_wait3A_48, %dma_wait3A_49] : memref<10240x128xf32, #tpu.memory_space<vmem_shared>> -> memref<10240x128xf32, #tpu.memory_space<vmem_shared>>
        tpu.wait_indirect_dma semaphore(%run_scoped3A : memref<!tpu.dma_semaphore, #tpu.memory_space<semaphore_mem>>) src(%arg9 : memref<128x128xf32, #tpu.memory_space<vmem>>) dst(%dma_wait3A_50 : memref<10240x128xf32, #tpu.memory_space<vmem_shared>>)
        tpu.yield
      }) : () -> ()
    }
    %scan3A_29 = arith.constant 79 : i32
    %barrier3A_30 = arith.constant 0 : index
    tpu.barrier barrier_id(%barrier3A_30)
    %mul3A_31 = arith.constant 640 : i32
    %mul3A_32 = arith.muli %arg1, %mul3A_31 : i32
    %mul3A_33 = arith.constant 640 : i32
    %mul3A_34 = arith.muli %arg1, %mul3A_33 : i32
    "tpu.region"() ({
      %run_scoped3A = tpu.sem_alloc : memref<!tpu.dma_semaphore, #tpu.memory_space<semaphore_mem>>
      %dma_start3A = arith.constant 0 : i32
      %dma_start3A_36 = arith.constant 0 : i32
      %dma_start3A_37 = tpu.memref_slice %arg6[%add3A_19, %dma_start3A, %dma_start3A_36] : memref<4x10240x128xf32, #tpu.memory_space<hbm>> -> memref<1x10240x128xf32, #tpu.memory_space<hbm>>
      %dma_start3A_38 = tpu.memref_squeeze %dma_start3A_37 : memref<1x10240x128xf32, #tpu.memory_space<hbm>> -> memref<10240x128xf32, #tpu.memory_space<hbm>>
      %dma_start3A_39 = arith.constant 0 : i32
      %dma_start3A_40 = tpu.memref_slice %dma_start3A_38[%mul3A_34, %dma_start3A_39] : memref<10240x128xf32, #tpu.memory_space<hbm>> -> memref<640x128xf32, #tpu.memory_space<hbm>>
      %dma_start3A_41 = arith.constant 0 : i32
      %dma_start3A_42 = tpu.memref_slice %arg10[%mul3A_32, %dma_start3A_41] : memref<10240x128xf32, #tpu.memory_space<vmem_shared>> -> memref<640x128xf32, #tpu.memory_space<vmem_shared>>
      tpu.enqueue_dma source(%dma_start3A_42 : memref<640x128xf32, #tpu.memory_space<vmem_shared>>) target(%dma_start3A_40 : memref<640x128xf32, #tpu.memory_space<hbm>>) target_semaphore(%run_scoped3A : memref<!tpu.dma_semaphore, #tpu.memory_space<semaphore_mem>>)
      %dma_wait3A = arith.constant 0 : i32
      %dma_wait3A_43 = arith.constant 0 : i32
      %dma_wait3A_44 = tpu.memref_slice %arg6[%add3A_19, %dma_wait3A, %dma_wait3A_43] : memref<4x10240x128xf32, #tpu.memory_space<hbm>> -> memref<1x10240x128xf32, #tpu.memory_space<hbm>>
      %dma_wait3A_45 = tpu.memref_squeeze %dma_wait3A_44 : memref<1x10240x128xf32, #tpu.memory_space<hbm>> -> memref<10240x128xf32, #tpu.memory_space<hbm>>
      %dma_wait3A_46 = arith.constant 0 : i32
      %dma_wait3A_47 = tpu.memref_slice %dma_wait3A_45[%mul3A_34, %dma_wait3A_46] : memref<10240x128xf32, #tpu.memory_space<hbm>> -> memref<640x128xf32, #tpu.memory_space<hbm>>
      %dma_wait3A_48 = arith.constant 0 : i32
      %dma_wait3A_49 = tpu.memref_slice %arg10[%mul3A_32, %dma_wait3A_48] : memref<10240x128xf32, #tpu.memory_space<vmem_shared>> -> memref<640x128xf32, #tpu.memory_space<vmem_shared>>
      tpu.wait_dma2 semaphore(%run_scoped3A : memref<!tpu.dma_semaphore, #tpu.memory_space<semaphore_mem>>) src(%dma_wait3A_49 : memref<640x128xf32, #tpu.memory_space<vmem_shared>>) dst(%dma_wait3A_47 : memref<640x128xf32, #tpu.memory_space<hbm>>)
      tpu.yield
    }) : () -> ()
    %barrier3A_35 = arith.constant 0 : index
    tpu.barrier barrier_id(%barrier3A_35)
    return
  }
}

#map = affine_map<(d0, d1) -> (0, 0, 0)>
#map1 = affine_map<(d0, d1) -> (0, 0)>
module attributes {stable_mosaic.version = 14 : i64} {
  func.func @_sc_segsum(%arg0: i32, %arg1: i32, %arg2: memref<4x10240x128xf32, #tpu.memory_space<hbm>>, %arg3: memref<16x79x128xi32, #tpu.memory_space<hbm>>, %arg4: memref<16x79x128xi32, #tpu.memory_space<hbm>>, %arg5: memref<10240x128xf32, #tpu.memory_space<hbm>>, %arg6: memref<4x10240x128xf32, #tpu.memory_space<hbm>>, %arg7: memref<79x128xi32, #tpu.memory_space<vmem>>, %arg8: memref<79x128xi32, #tpu.memory_space<vmem>>, %arg9: memref<128x128xf32, #tpu.memory_space<vmem>>, %arg10: memref<10240x128xf32, #tpu.memory_space<vmem_shared>>) attributes {dimension_semantics = [#tpu.dimension_semantics<core_parallel>, #tpu.dimension_semantics<subcore_parallel>], iteration_bounds = array<i64: 2, 16>, scalar_prefetch = 0 : i64, scratch_operands = 4 : i64, tpu.core_type = #tpu.core_type<sc_vector_subcore>, window_params = [{transform_indices = #map}, {transform_indices = #map}, {transform_indices = #map}, {transform_indices = #map1}, {transform_indices = #map}]} {
    "tpu.region"() ({
      %run_scoped3A = tpu.sem_alloc : memref<!tpu.dma_semaphore, #tpu.memory_space<semaphore_mem>>
      %dma_start3A = arith.constant 0 : i32
      %dma_start3A_36 = arith.constant 0 : i32
      %dma_start3A_37 = tpu.memref_slice %arg3[%arg1, %dma_start3A, %dma_start3A_36] : memref<16x79x128xi32, #tpu.memory_space<hbm>> -> memref<1x79x128xi32, #tpu.memory_space<hbm>>
      %dma_start3A_38 = tpu.memref_squeeze %dma_start3A_37 : memref<1x79x128xi32, #tpu.memory_space<hbm>> -> memref<79x128xi32, #tpu.memory_space<hbm>>
      %dma_start3A_39 = arith.constant 0 : i32
      %dma_start3A_40 = arith.constant 0 : i32
      %dma_start3A_41 = tpu.memref_slice %arg3[%arg1, %dma_start3A_39, %dma_start3A_40] : memref<16x79x128xi32, #tpu.memory_space<hbm>> -> memref<1x79x128xi32, #tpu.memory_space<hbm>>
      %dma_start3A_42 = tpu.memref_squeeze %dma_start3A_41 : memref<1x79x128xi32, #tpu.memory_space<hbm>> -> memref<79x128xi32, #tpu.memory_space<hbm>>
      tpu.enqueue_dma source(%dma_start3A_42 : memref<79x128xi32, #tpu.memory_space<hbm>>) target(%arg7 : memref<79x128xi32, #tpu.memory_space<vmem>>) target_semaphore(%run_scoped3A : memref<!tpu.dma_semaphore, #tpu.memory_space<semaphore_mem>>)
      %dma_wait3A = arith.constant 0 : i32
      %dma_wait3A_43 = arith.constant 0 : i32
      %dma_wait3A_44 = tpu.memref_slice %arg3[%arg1, %dma_wait3A, %dma_wait3A_43] : memref<16x79x128xi32, #tpu.memory_space<hbm>> -> memref<1x79x128xi32, #tpu.memory_space<hbm>>
      %dma_wait3A_45 = tpu.memref_squeeze %dma_wait3A_44 : memref<1x79x128xi32, #tpu.memory_space<hbm>> -> memref<79x128xi32, #tpu.memory_space<hbm>>
      %dma_wait3A_46 = arith.constant 0 : i32
      %dma_wait3A_47 = arith.constant 0 : i32
      %dma_wait3A_48 = tpu.memref_slice %arg3[%arg1, %dma_wait3A_46, %dma_wait3A_47] : memref<16x79x128xi32, #tpu.memory_space<hbm>> -> memref<1x79x128xi32, #tpu.memory_space<hbm>>
      %dma_wait3A_49 = tpu.memref_squeeze %dma_wait3A_48 : memref<1x79x128xi32, #tpu.memory_space<hbm>> -> memref<79x128xi32, #tpu.memory_space<hbm>>
      tpu.wait_dma2 semaphore(%run_scoped3A : memref<!tpu.dma_semaphore, #tpu.memory_space<semaphore_mem>>) src(%dma_wait3A_49 : memref<79x128xi32, #tpu.memory_space<hbm>>) dst(%arg7 : memref<79x128xi32, #tpu.memory_space<vmem>>)
      tpu.yield
    }) : () -> ()
    "tpu.region"() ({
      %run_scoped3A = tpu.sem_alloc : memref<!tpu.dma_semaphore, #tpu.memory_space<semaphore_mem>>
      %dma_start3A = arith.constant 0 : i32
      %dma_start3A_36 = arith.constant 0 : i32
      %dma_start3A_37 = tpu.memref_slice %arg4[%arg1, %dma_start3A, %dma_start3A_36] : memref<16x79x128xi32, #tpu.memory_space<hbm>> -> memref<1x79x128xi32, #tpu.memory_space<hbm>>
      %dma_start3A_38 = tpu.memref_squeeze %dma_start3A_37 : memref<1x79x128xi32, #tpu.memory_space<hbm>> -> memref<79x128xi32, #tpu.memory_space<hbm>>
      %dma_start3A_39 = arith.constant 0 : i32
      %dma_start3A_40 = arith.constant 0 : i32
      %dma_start3A_41 = tpu.memref_slice %arg4[%arg1, %dma_start3A_39, %dma_start3A_40] : memref<16x79x128xi32, #tpu.memory_space<hbm>> -> memref<1x79x128xi32, #tpu.memory_space<hbm>>
      %dma_start3A_42 = tpu.memref_squeeze %dma_start3A_41 : memref<1x79x128xi32, #tpu.memory_space<hbm>> -> memref<79x128xi32, #tpu.memory_space<hbm>>
      tpu.enqueue_dma source(%dma_start3A_42 : memref<79x128xi32, #tpu.memory_space<hbm>>) target(%arg8 : memref<79x128xi32, #tpu.memory_space<vmem>>) target_semaphore(%run_scoped3A : memref<!tpu.dma_semaphore, #tpu.memory_space<semaphore_mem>>)
      %dma_wait3A = arith.constant 0 : i32
      %dma_wait3A_43 = arith.constant 0 : i32
      %dma_wait3A_44 = tpu.memref_slice %arg4[%arg1, %dma_wait3A, %dma_wait3A_43] : memref<16x79x128xi32, #tpu.memory_space<hbm>> -> memref<1x79x128xi32, #tpu.memory_space<hbm>>
      %dma_wait3A_45 = tpu.memref_squeeze %dma_wait3A_44 : memref<1x79x128xi32, #tpu.memory_space<hbm>> -> memref<79x128xi32, #tpu.memory_space<hbm>>
      %dma_wait3A_46 = arith.constant 0 : i32
      %dma_wait3A_47 = arith.constant 0 : i32
      %dma_wait3A_48 = tpu.memref_slice %arg4[%arg1, %dma_wait3A_46, %dma_wait3A_47] : memref<16x79x128xi32, #tpu.memory_space<hbm>> -> memref<1x79x128xi32, #tpu.memory_space<hbm>>
      %dma_wait3A_49 = tpu.memref_squeeze %dma_wait3A_48 : memref<1x79x128xi32, #tpu.memory_space<hbm>> -> memref<79x128xi32, #tpu.memory_space<hbm>>
      tpu.wait_dma2 semaphore(%run_scoped3A : memref<!tpu.dma_semaphore, #tpu.memory_space<semaphore_mem>>) src(%dma_wait3A_49 : memref<79x128xi32, #tpu.memory_space<hbm>>) dst(%arg8 : memref<79x128xi32, #tpu.memory_space<vmem>>)
      tpu.yield
    }) : () -> ()
    %mul3A = arith.constant 2 : i32
    %mul3A_0 = arith.muli %mul3A, %arg0 : i32
    %add3A = arith.constant 0 : i32
    %add3A_1 = arith.addi %mul3A_0, %add3A : i32
    %mul3A_2 = arith.constant 640 : i32
    %mul3A_3 = arith.muli %arg1, %mul3A_2 : i32
    %mul3A_4 = arith.constant 640 : i32
    %mul3A_5 = arith.muli %arg1, %mul3A_4 : i32
    "tpu.region"() ({
      %run_scoped3A = tpu.sem_alloc : memref<!tpu.dma_semaphore, #tpu.memory_space<semaphore_mem>>
      %dma_start3A = arith.constant 0 : i32
      %dma_start3A_36 = tpu.memref_slice %arg10[%mul3A_5, %dma_start3A] : memref<10240x128xf32, #tpu.memory_space<vmem_shared>> -> memref<640x128xf32, #tpu.memory_space<vmem_shared>>
      %dma_start3A_37 = arith.constant 0 : i32
      %dma_start3A_38 = tpu.memref_slice %arg5[%mul3A_3, %dma_start3A_37] : memref<10240x128xf32, #tpu.memory_space<hbm>> -> memref<640x128xf32, #tpu.memory_space<hbm>>
      tpu.enqueue_dma source(%dma_start3A_38 : memref<640x128xf32, #tpu.memory_space<hbm>>) target(%dma_start3A_36 : memref<640x128xf32, #tpu.memory_space<vmem_shared>>) target_semaphore(%run_scoped3A : memref<!tpu.dma_semaphore, #tpu.memory_space<semaphore_mem>>)
      %dma_wait3A = arith.constant 0 : i32
      %dma_wait3A_39 = tpu.memref_slice %arg10[%mul3A_5, %dma_wait3A] : memref<10240x128xf32, #tpu.memory_space<vmem_shared>> -> memref<640x128xf32, #tpu.memory_space<vmem_shared>>
      %dma_wait3A_40 = arith.constant 0 : i32
      %dma_wait3A_41 = tpu.memref_slice %arg5[%mul3A_3, %dma_wait3A_40] : memref<10240x128xf32, #tpu.memory_space<hbm>> -> memref<640x128xf32, #tpu.memory_space<hbm>>
      tpu.wait_dma2 semaphore(%run_scoped3A : memref<!tpu.dma_semaphore, #tpu.memory_space<semaphore_mem>>) src(%dma_wait3A_41 : memref<640x128xf32, #tpu.memory_space<hbm>>) dst(%dma_wait3A_39 : memref<640x128xf32, #tpu.memory_space<vmem_shared>>)
      tpu.yield
    }) : () -> ()
    %barrier3A = arith.constant 0 : index
    tpu.barrier barrier_id(%barrier3A)
    %scan3A = arith.constant 0 : i32
    %scan3A_6 = arith.constant 79 : i32
    %scan3A_7 = arith.addi %scan3A, %scan3A_6 : i32
    %scan3A_8 = arith.constant 1 : i32
    scf.for %scan3A_36 = %scan3A to %scan3A_7 step %scan3A_8  : i32 {
      %mul3A_37 = arith.constant 1 : i32
      %mul3A_38 = arith.muli %scan3A_36, %mul3A_37 : i32
      %add3A_39 = arith.constant 0 : i32
      %add3A_40 = arith.addi %add3A_39, %mul3A_38 : i32
      "tpu.region"() ({
        %run_scoped3A = tpu.sem_alloc : memref<!tpu.dma_semaphore, #tpu.memory_space<semaphore_mem>>
        %dma_start3A = arith.constant 0 : i32
        %dma_start3A_41 = tpu.memref_slice %arg7[%add3A_40, %dma_start3A] : memref<79x128xi32, #tpu.memory_space<vmem>> -> memref<1x128xi32, #tpu.memory_space<vmem>>
        %dma_start3A_42 = tpu.memref_squeeze %dma_start3A_41 : memref<1x128xi32, #tpu.memory_space<vmem>> -> memref<128xi32, #tpu.memory_space<vmem>>
        %dma_start3A_43 = arith.constant 0 : i32
        %dma_start3A_44 = arith.constant 0 : i32
        %dma_start3A_45 = tpu.memref_slice %arg2[%add3A_1, %dma_start3A_43, %dma_start3A_44] : memref<4x10240x128xf32, #tpu.memory_space<hbm>> -> memref<1x10240x128xf32, #tpu.memory_space<hbm>>
        %dma_start3A_46 = tpu.memref_squeeze %dma_start3A_45 : memref<1x10240x128xf32, #tpu.memory_space<hbm>> -> memref<10240x128xf32, #tpu.memory_space<hbm>>
        %dma_start3A_47 = arith.constant 0 : i32
        %dma_start3A_48 = arith.constant 0 : i32
        %dma_start3A_49 = tpu.memref_slice %dma_start3A_46[%dma_start3A_47, %dma_start3A_48] : memref<10240x128xf32, #tpu.memory_space<hbm>> -> memref<10240x128xf32, #tpu.memory_space<hbm>>
        tpu.enqueue_indirect_dma source(%dma_start3A_49 : memref<10240x128xf32, #tpu.memory_space<hbm>>) target(%arg9 : memref<128x128xf32, #tpu.memory_space<vmem>>) offsets(%dma_start3A_42 : memref<128xi32, #tpu.memory_space<vmem>>) semaphore(%run_scoped3A : memref<!tpu.dma_semaphore, #tpu.memory_space<semaphore_mem>>)
        %dma_wait3A = arith.constant 0 : i32
        %dma_wait3A_50 = tpu.memref_slice %arg7[%add3A_40, %dma_wait3A] : memref<79x128xi32, #tpu.memory_space<vmem>> -> memref<1x128xi32, #tpu.memory_space<vmem>>
        %dma_wait3A_51 = tpu.memref_squeeze %dma_wait3A_50 : memref<1x128xi32, #tpu.memory_space<vmem>> -> memref<128xi32, #tpu.memory_space<vmem>>
        %dma_wait3A_52 = arith.constant 0 : i32
        %dma_wait3A_53 = arith.constant 0 : i32
        %dma_wait3A_54 = tpu.memref_slice %arg2[%add3A_1, %dma_wait3A_52, %dma_wait3A_53] : memref<4x10240x128xf32, #tpu.memory_space<hbm>> -> memref<1x10240x128xf32, #tpu.memory_space<hbm>>
        %dma_wait3A_55 = tpu.memref_squeeze %dma_wait3A_54 : memref<1x10240x128xf32, #tpu.memory_space<hbm>> -> memref<10240x128xf32, #tpu.memory_space<hbm>>
        %dma_wait3A_56 = arith.constant 0 : i32
        %dma_wait3A_57 = arith.constant 0 : i32
        %dma_wait3A_58 = tpu.memref_slice %dma_wait3A_55[%dma_wait3A_56, %dma_wait3A_57] : memref<10240x128xf32, #tpu.memory_space<hbm>> -> memref<10240x128xf32, #tpu.memory_space<hbm>>
        tpu.wait_indirect_dma semaphore(%run_scoped3A : memref<!tpu.dma_semaphore, #tpu.memory_space<semaphore_mem>>) src(%dma_wait3A_58 : memref<10240x128xf32, #tpu.memory_space<hbm>>) dst(%arg9 : memref<128x128xf32, #tpu.memory_space<vmem>>)
        tpu.yield
      }) : () -> ()
      "tpu.region"() ({
        %run_scoped3A = tpu.sem_alloc : memref<!tpu.dma_semaphore, #tpu.memory_space<semaphore_mem>>
        %dma_start3A = arith.constant 0 : i32
        %dma_start3A_41 = tpu.memref_slice %arg8[%add3A_40, %dma_start3A] : memref<79x128xi32, #tpu.memory_space<vmem>> -> memref<1x128xi32, #tpu.memory_space<vmem>>
        %dma_start3A_42 = tpu.memref_squeeze %dma_start3A_41 : memref<1x128xi32, #tpu.memory_space<vmem>> -> memref<128xi32, #tpu.memory_space<vmem>>
        %dma_start3A_43 = arith.constant 0 : i32
        %dma_start3A_44 = arith.constant 0 : i32
        %dma_start3A_45 = tpu.memref_slice %arg10[%dma_start3A_43, %dma_start3A_44] : memref<10240x128xf32, #tpu.memory_space<vmem_shared>> -> memref<10240x128xf32, #tpu.memory_space<vmem_shared>>
        tpu.enqueue_indirect_dma source(%arg9 : memref<128x128xf32, #tpu.memory_space<vmem>>) target(%dma_start3A_45 : memref<10240x128xf32, #tpu.memory_space<vmem_shared>>) offsets(%dma_start3A_42 : memref<128xi32, #tpu.memory_space<vmem>>) semaphore(%run_scoped3A : memref<!tpu.dma_semaphore, #tpu.memory_space<semaphore_mem>>) {add = true}
        %dma_wait3A = arith.constant 0 : i32
        %dma_wait3A_46 = tpu.memref_slice %arg8[%add3A_40, %dma_wait3A] : memref<79x128xi32, #tpu.memory_space<vmem>> -> memref<1x128xi32, #tpu.memory_space<vmem>>
        %dma_wait3A_47 = tpu.memref_squeeze %dma_wait3A_46 : memref<1x128xi32, #tpu.memory_space<vmem>> -> memref<128xi32, #tpu.memory_space<vmem>>
        %dma_wait3A_48 = arith.constant 0 : i32
        %dma_wait3A_49 = arith.constant 0 : i32
        %dma_wait3A_50 = tpu.memref_slice %arg10[%dma_wait3A_48, %dma_wait3A_49] : memref<10240x128xf32, #tpu.memory_space<vmem_shared>> -> memref<10240x128xf32, #tpu.memory_space<vmem_shared>>
        tpu.wait_indirect_dma semaphore(%run_scoped3A : memref<!tpu.dma_semaphore, #tpu.memory_space<semaphore_mem>>) src(%arg9 : memref<128x128xf32, #tpu.memory_space<vmem>>) dst(%dma_wait3A_50 : memref<10240x128xf32, #tpu.memory_space<vmem_shared>>)
        tpu.yield
      }) : () -> ()
    }
    %scan3A_9 = arith.constant 79 : i32
    %barrier3A_10 = arith.constant 0 : index
    tpu.barrier barrier_id(%barrier3A_10)
    %mul3A_11 = arith.constant 640 : i32
    %mul3A_12 = arith.muli %arg1, %mul3A_11 : i32
    %mul3A_13 = arith.constant 640 : i32
    %mul3A_14 = arith.muli %arg1, %mul3A_13 : i32
    "tpu.region"() ({
      %run_scoped3A = tpu.sem_alloc : memref<!tpu.dma_semaphore, #tpu.memory_space<semaphore_mem>>
      %dma_start3A = arith.constant 0 : i32
      %dma_start3A_36 = arith.constant 0 : i32
      %dma_start3A_37 = tpu.memref_slice %arg6[%add3A_1, %dma_start3A, %dma_start3A_36] : memref<4x10240x128xf32, #tpu.memory_space<hbm>> -> memref<1x10240x128xf32, #tpu.memory_space<hbm>>
      %dma_start3A_38 = tpu.memref_squeeze %dma_start3A_37 : memref<1x10240x128xf32, #tpu.memory_space<hbm>> -> memref<10240x128xf32, #tpu.memory_space<hbm>>
      %dma_start3A_39 = arith.constant 0 : i32
      %dma_start3A_40 = tpu.memref_slice %dma_start3A_38[%mul3A_14, %dma_start3A_39] : memref<10240x128xf32, #tpu.memory_space<hbm>> -> memref<640x128xf32, #tpu.memory_space<hbm>>
      %dma_start3A_41 = arith.constant 0 : i32
      %dma_start3A_42 = tpu.memref_slice %arg10[%mul3A_12, %dma_start3A_41] : memref<10240x128xf32, #tpu.memory_space<vmem_shared>> -> memref<640x128xf32, #tpu.memory_space<vmem_shared>>
      tpu.enqueue_dma source(%dma_start3A_42 : memref<640x128xf32, #tpu.memory_space<vmem_shared>>) target(%dma_start3A_40 : memref<640x128xf32, #tpu.memory_space<hbm>>) target_semaphore(%run_scoped3A : memref<!tpu.dma_semaphore, #tpu.memory_space<semaphore_mem>>)
      %dma_wait3A = arith.constant 0 : i32
      %dma_wait3A_43 = arith.constant 0 : i32
      %dma_wait3A_44 = tpu.memref_slice %arg6[%add3A_1, %dma_wait3A, %dma_wait3A_43] : memref<4x10240x128xf32, #tpu.memory_space<hbm>> -> memref<1x10240x128xf32, #tpu.memory_space<hbm>>
      %dma_wait3A_45 = tpu.memref_squeeze %dma_wait3A_44 : memref<1x10240x128xf32, #tpu.memory_space<hbm>> -> memref<10240x128xf32, #tpu.memory_space<hbm>>
      %dma_wait3A_46 = arith.constant 0 : i32
      %dma_wait3A_47 = tpu.memref_slice %dma_wait3A_45[%mul3A_14, %dma_wait3A_46] : memref<10240x128xf32, #tpu.memory_space<hbm>> -> memref<640x128xf32, #tpu.memory_space<hbm>>
      %dma_wait3A_48 = arith.constant 0 : i32
      %dma_wait3A_49 = tpu.memref_slice %arg10[%mul3A_12, %dma_wait3A_48] : memref<10240x128xf32, #tpu.memory_space<vmem_shared>> -> memref<640x128xf32, #tpu.memory_space<vmem_shared>>
      tpu.wait_dma2 semaphore(%run_scoped3A : memref<!tpu.dma_semaphore, #tpu.memory_space<semaphore_mem>>) src(%dma_wait3A_49 : memref<640x128xf32, #tpu.memory_space<vmem_shared>>) dst(%dma_wait3A_47 : memref<640x128xf32, #tpu.memory_space<hbm>>)
      tpu.yield
    }) : () -> ()
    %barrier3A_15 = arith.constant 0 : index
    tpu.barrier barrier_id(%barrier3A_15)
    %mul3A_16 = arith.constant 2 : i32
    %mul3A_17 = arith.muli %mul3A_16, %arg0 : i32
    %add3A_18 = arith.constant 1 : i32
    %add3A_19 = arith.addi %mul3A_17, %add3A_18 : i32
    %mul3A_20 = arith.constant 640 : i32
    %mul3A_21 = arith.muli %arg1, %mul3A_20 : i32
    %mul3A_22 = arith.constant 640 : i32
    %mul3A_23 = arith.muli %arg1, %mul3A_22 : i32
    "tpu.region"() ({
      %run_scoped3A = tpu.sem_alloc : memref<!tpu.dma_semaphore, #tpu.memory_space<semaphore_mem>>
      %dma_start3A = arith.constant 0 : i32
      %dma_start3A_36 = tpu.memref_slice %arg10[%mul3A_23, %dma_start3A] : memref<10240x128xf32, #tpu.memory_space<vmem_shared>> -> memref<640x128xf32, #tpu.memory_space<vmem_shared>>
      %dma_start3A_37 = arith.constant 0 : i32
      %dma_start3A_38 = tpu.memref_slice %arg5[%mul3A_21, %dma_start3A_37] : memref<10240x128xf32, #tpu.memory_space<hbm>> -> memref<640x128xf32, #tpu.memory_space<hbm>>
      tpu.enqueue_dma source(%dma_start3A_38 : memref<640x128xf32, #tpu.memory_space<hbm>>) target(%dma_start3A_36 : memref<640x128xf32, #tpu.memory_space<vmem_shared>>) target_semaphore(%run_scoped3A : memref<!tpu.dma_semaphore, #tpu.memory_space<semaphore_mem>>)
      %dma_wait3A = arith.constant 0 : i32
      %dma_wait3A_39 = tpu.memref_slice %arg10[%mul3A_23, %dma_wait3A] : memref<10240x128xf32, #tpu.memory_space<vmem_shared>> -> memref<640x128xf32, #tpu.memory_space<vmem_shared>>
      %dma_wait3A_40 = arith.constant 0 : i32
      %dma_wait3A_41 = tpu.memref_slice %arg5[%mul3A_21, %dma_wait3A_40] : memref<10240x128xf32, #tpu.memory_space<hbm>> -> memref<640x128xf32, #tpu.memory_space<hbm>>
      tpu.wait_dma2 semaphore(%run_scoped3A : memref<!tpu.dma_semaphore, #tpu.memory_space<semaphore_mem>>) src(%dma_wait3A_41 : memref<640x128xf32, #tpu.memory_space<hbm>>) dst(%dma_wait3A_39 : memref<640x128xf32, #tpu.memory_space<vmem_shared>>)
      tpu.yield
    }) : () -> ()
    %barrier3A_24 = arith.constant 0 : index
    tpu.barrier barrier_id(%barrier3A_24)
    %scan3A_25 = arith.constant 0 : i32
    %scan3A_26 = arith.constant 79 : i32
    %scan3A_27 = arith.addi %scan3A_25, %scan3A_26 : i32
    %scan3A_28 = arith.constant 1 : i32
    scf.for %scan3A_36 = %scan3A_25 to %scan3A_27 step %scan3A_28  : i32 {
      %mul3A_37 = arith.constant 1 : i32
      %mul3A_38 = arith.muli %scan3A_36, %mul3A_37 : i32
      %add3A_39 = arith.constant 0 : i32
      %add3A_40 = arith.addi %add3A_39, %mul3A_38 : i32
      "tpu.region"() ({
        %run_scoped3A = tpu.sem_alloc : memref<!tpu.dma_semaphore, #tpu.memory_space<semaphore_mem>>
        %dma_start3A = arith.constant 0 : i32
        %dma_start3A_41 = tpu.memref_slice %arg7[%add3A_40, %dma_start3A] : memref<79x128xi32, #tpu.memory_space<vmem>> -> memref<1x128xi32, #tpu.memory_space<vmem>>
        %dma_start3A_42 = tpu.memref_squeeze %dma_start3A_41 : memref<1x128xi32, #tpu.memory_space<vmem>> -> memref<128xi32, #tpu.memory_space<vmem>>
        %dma_start3A_43 = arith.constant 0 : i32
        %dma_start3A_44 = arith.constant 0 : i32
        %dma_start3A_45 = tpu.memref_slice %arg2[%add3A_19, %dma_start3A_43, %dma_start3A_44] : memref<4x10240x128xf32, #tpu.memory_space<hbm>> -> memref<1x10240x128xf32, #tpu.memory_space<hbm>>
        %dma_start3A_46 = tpu.memref_squeeze %dma_start3A_45 : memref<1x10240x128xf32, #tpu.memory_space<hbm>> -> memref<10240x128xf32, #tpu.memory_space<hbm>>
        %dma_start3A_47 = arith.constant 0 : i32
        %dma_start3A_48 = arith.constant 0 : i32
        %dma_start3A_49 = tpu.memref_slice %dma_start3A_46[%dma_start3A_47, %dma_start3A_48] : memref<10240x128xf32, #tpu.memory_space<hbm>> -> memref<10240x128xf32, #tpu.memory_space<hbm>>
        tpu.enqueue_indirect_dma source(%dma_start3A_49 : memref<10240x128xf32, #tpu.memory_space<hbm>>) target(%arg9 : memref<128x128xf32, #tpu.memory_space<vmem>>) offsets(%dma_start3A_42 : memref<128xi32, #tpu.memory_space<vmem>>) semaphore(%run_scoped3A : memref<!tpu.dma_semaphore, #tpu.memory_space<semaphore_mem>>)
        %dma_wait3A = arith.constant 0 : i32
        %dma_wait3A_50 = tpu.memref_slice %arg7[%add3A_40, %dma_wait3A] : memref<79x128xi32, #tpu.memory_space<vmem>> -> memref<1x128xi32, #tpu.memory_space<vmem>>
        %dma_wait3A_51 = tpu.memref_squeeze %dma_wait3A_50 : memref<1x128xi32, #tpu.memory_space<vmem>> -> memref<128xi32, #tpu.memory_space<vmem>>
        %dma_wait3A_52 = arith.constant 0 : i32
        %dma_wait3A_53 = arith.constant 0 : i32
        %dma_wait3A_54 = tpu.memref_slice %arg2[%add3A_19, %dma_wait3A_52, %dma_wait3A_53] : memref<4x10240x128xf32, #tpu.memory_space<hbm>> -> memref<1x10240x128xf32, #tpu.memory_space<hbm>>
        %dma_wait3A_55 = tpu.memref_squeeze %dma_wait3A_54 : memref<1x10240x128xf32, #tpu.memory_space<hbm>> -> memref<10240x128xf32, #tpu.memory_space<hbm>>
        %dma_wait3A_56 = arith.constant 0 : i32
        %dma_wait3A_57 = arith.constant 0 : i32
        %dma_wait3A_58 = tpu.memref_slice %dma_wait3A_55[%dma_wait3A_56, %dma_wait3A_57] : memref<10240x128xf32, #tpu.memory_space<hbm>> -> memref<10240x128xf32, #tpu.memory_space<hbm>>
        tpu.wait_indirect_dma semaphore(%run_scoped3A : memref<!tpu.dma_semaphore, #tpu.memory_space<semaphore_mem>>) src(%dma_wait3A_58 : memref<10240x128xf32, #tpu.memory_space<hbm>>) dst(%arg9 : memref<128x128xf32, #tpu.memory_space<vmem>>)
        tpu.yield
      }) : () -> ()
      "tpu.region"() ({
        %run_scoped3A = tpu.sem_alloc : memref<!tpu.dma_semaphore, #tpu.memory_space<semaphore_mem>>
        %dma_start3A = arith.constant 0 : i32
        %dma_start3A_41 = tpu.memref_slice %arg8[%add3A_40, %dma_start3A] : memref<79x128xi32, #tpu.memory_space<vmem>> -> memref<1x128xi32, #tpu.memory_space<vmem>>
        %dma_start3A_42 = tpu.memref_squeeze %dma_start3A_41 : memref<1x128xi32, #tpu.memory_space<vmem>> -> memref<128xi32, #tpu.memory_space<vmem>>
        %dma_start3A_43 = arith.constant 0 : i32
        %dma_start3A_44 = arith.constant 0 : i32
        %dma_start3A_45 = tpu.memref_slice %arg10[%dma_start3A_43, %dma_start3A_44] : memref<10240x128xf32, #tpu.memory_space<vmem_shared>> -> memref<10240x128xf32, #tpu.memory_space<vmem_shared>>
        tpu.enqueue_indirect_dma source(%arg9 : memref<128x128xf32, #tpu.memory_space<vmem>>) target(%dma_start3A_45 : memref<10240x128xf32, #tpu.memory_space<vmem_shared>>) offsets(%dma_start3A_42 : memref<128xi32, #tpu.memory_space<vmem>>) semaphore(%run_scoped3A : memref<!tpu.dma_semaphore, #tpu.memory_space<semaphore_mem>>) {add = true}
        %dma_wait3A = arith.constant 0 : i32
        %dma_wait3A_46 = tpu.memref_slice %arg8[%add3A_40, %dma_wait3A] : memref<79x128xi32, #tpu.memory_space<vmem>> -> memref<1x128xi32, #tpu.memory_space<vmem>>
        %dma_wait3A_47 = tpu.memref_squeeze %dma_wait3A_46 : memref<1x128xi32, #tpu.memory_space<vmem>> -> memref<128xi32, #tpu.memory_space<vmem>>
        %dma_wait3A_48 = arith.constant 0 : i32
        %dma_wait3A_49 = arith.constant 0 : i32
        %dma_wait3A_50 = tpu.memref_slice %arg10[%dma_wait3A_48, %dma_wait3A_49] : memref<10240x128xf32, #tpu.memory_space<vmem_shared>> -> memref<10240x128xf32, #tpu.memory_space<vmem_shared>>
        tpu.wait_indirect_dma semaphore(%run_scoped3A : memref<!tpu.dma_semaphore, #tpu.memory_space<semaphore_mem>>) src(%arg9 : memref<128x128xf32, #tpu.memory_space<vmem>>) dst(%dma_wait3A_50 : memref<10240x128xf32, #tpu.memory_space<vmem_shared>>)
        tpu.yield
      }) : () -> ()
    }
    %scan3A_29 = arith.constant 79 : i32
    %barrier3A_30 = arith.constant 0 : index
    tpu.barrier barrier_id(%barrier3A_30)
    %mul3A_31 = arith.constant 640 : i32
    %mul3A_32 = arith.muli %arg1, %mul3A_31 : i32
    %mul3A_33 = arith.constant 640 : i32
    %mul3A_34 = arith.muli %arg1, %mul3A_33 : i32
    "tpu.region"() ({
      %run_scoped3A = tpu.sem_alloc : memref<!tpu.dma_semaphore, #tpu.memory_space<semaphore_mem>>
      %dma_start3A = arith.constant 0 : i32
      %dma_start3A_36 = arith.constant 0 : i32
      %dma_start3A_37 = tpu.memref_slice %arg6[%add3A_19, %dma_start3A, %dma_start3A_36] : memref<4x10240x128xf32, #tpu.memory_space<hbm>> -> memref<1x10240x128xf32, #tpu.memory_space<hbm>>
      %dma_start3A_38 = tpu.memref_squeeze %dma_start3A_37 : memref<1x10240x128xf32, #tpu.memory_space<hbm>> -> memref<10240x128xf32, #tpu.memory_space<hbm>>
      %dma_start3A_39 = arith.constant 0 : i32
      %dma_start3A_40 = tpu.memref_slice %dma_start3A_38[%mul3A_34, %dma_start3A_39] : memref<10240x128xf32, #tpu.memory_space<hbm>> -> memref<640x128xf32, #tpu.memory_space<hbm>>
      %dma_start3A_41 = arith.constant 0 : i32
      %dma_start3A_42 = tpu.memref_slice %arg10[%mul3A_32, %dma_start3A_41] : memref<10240x128xf32, #tpu.memory_space<vmem_shared>> -> memref<640x128xf32, #tpu.memory_space<vmem_shared>>
      tpu.enqueue_dma source(%dma_start3A_42 : memref<640x128xf32, #tpu.memory_space<vmem_shared>>) target(%dma_start3A_40 : memref<640x128xf32, #tpu.memory_space<hbm>>) target_semaphore(%run_scoped3A : memref<!tpu.dma_semaphore, #tpu.memory_space<semaphore_mem>>)
      %dma_wait3A = arith.constant 0 : i32
      %dma_wait3A_43 = arith.constant 0 : i32
      %dma_wait3A_44 = tpu.memref_slice %arg6[%add3A_19, %dma_wait3A, %dma_wait3A_43] : memref<4x10240x128xf32, #tpu.memory_space<hbm>> -> memref<1x10240x128xf32, #tpu.memory_space<hbm>>
      %dma_wait3A_45 = tpu.memref_squeeze %dma_wait3A_44 : memref<1x10240x128xf32, #tpu.memory_space<hbm>> -> memref<10240x128xf32, #tpu.memory_space<hbm>>
      %dma_wait3A_46 = arith.constant 0 : i32
      %dma_wait3A_47 = tpu.memref_slice %dma_wait3A_45[%mul3A_34, %dma_wait3A_46] : memref<10240x128xf32, #tpu.memory_space<hbm>> -> memref<640x128xf32, #tpu.memory_space<hbm>>
      %dma_wait3A_48 = arith.constant 0 : i32
      %dma_wait3A_49 = tpu.memref_slice %arg10[%mul3A_32, %dma_wait3A_48] : memref<10240x128xf32, #tpu.memory_space<vmem_shared>> -> memref<640x128xf32, #tpu.memory_space<vmem_shared>>
      tpu.wait_dma2 semaphore(%run_scoped3A : memref<!tpu.dma_semaphore, #tpu.memory_space<semaphore_mem>>) src(%dma_wait3A_49 : memref<640x128xf32, #tpu.memory_space<vmem_shared>>) dst(%dma_wait3A_47 : memref<640x128xf32, #tpu.memory_space<hbm>>)
      tpu.yield
    }) : () -> ()
    %barrier3A_35 = arith.constant 0 : index
    tpu.barrier barrier_id(%barrier3A_35)
    return
  }
}

#map = affine_map<(d0, d1) -> (0, 0, 0)>
#map1 = affine_map<(d0, d1) -> (0, 0)>
module attributes {stable_mosaic.version = 14 : i64} {
  func.func @_sc_segsum(%arg0: i32, %arg1: i32, %arg2: memref<4x10240x128xf32, #tpu.memory_space<hbm>>, %arg3: memref<16x79x128xi32, #tpu.memory_space<hbm>>, %arg4: memref<16x79x128xi32, #tpu.memory_space<hbm>>, %arg5: memref<10240x128xf32, #tpu.memory_space<hbm>>, %arg6: memref<4x10240x128xf32, #tpu.memory_space<hbm>>, %arg7: memref<79x128xi32, #tpu.memory_space<vmem>>, %arg8: memref<79x128xi32, #tpu.memory_space<vmem>>, %arg9: memref<128x128xf32, #tpu.memory_space<vmem>>, %arg10: memref<10240x128xf32, #tpu.memory_space<vmem_shared>>) attributes {dimension_semantics = [#tpu.dimension_semantics<core_parallel>, #tpu.dimension_semantics<subcore_parallel>], iteration_bounds = array<i64: 2, 16>, scalar_prefetch = 0 : i64, scratch_operands = 4 : i64, tpu.core_type = #tpu.core_type<sc_vector_subcore>, window_params = [{transform_indices = #map}, {transform_indices = #map}, {transform_indices = #map}, {transform_indices = #map1}, {transform_indices = #map}]} {
    "tpu.region"() ({
      %run_scoped3A = tpu.sem_alloc : memref<!tpu.dma_semaphore, #tpu.memory_space<semaphore_mem>>
      %dma_start3A = arith.constant 0 : i32
      %dma_start3A_36 = arith.constant 0 : i32
      %dma_start3A_37 = tpu.memref_slice %arg3[%arg1, %dma_start3A, %dma_start3A_36] : memref<16x79x128xi32, #tpu.memory_space<hbm>> -> memref<1x79x128xi32, #tpu.memory_space<hbm>>
      %dma_start3A_38 = tpu.memref_squeeze %dma_start3A_37 : memref<1x79x128xi32, #tpu.memory_space<hbm>> -> memref<79x128xi32, #tpu.memory_space<hbm>>
      %dma_start3A_39 = arith.constant 0 : i32
      %dma_start3A_40 = arith.constant 0 : i32
      %dma_start3A_41 = tpu.memref_slice %arg3[%arg1, %dma_start3A_39, %dma_start3A_40] : memref<16x79x128xi32, #tpu.memory_space<hbm>> -> memref<1x79x128xi32, #tpu.memory_space<hbm>>
      %dma_start3A_42 = tpu.memref_squeeze %dma_start3A_41 : memref<1x79x128xi32, #tpu.memory_space<hbm>> -> memref<79x128xi32, #tpu.memory_space<hbm>>
      tpu.enqueue_dma source(%dma_start3A_42 : memref<79x128xi32, #tpu.memory_space<hbm>>) target(%arg7 : memref<79x128xi32, #tpu.memory_space<vmem>>) target_semaphore(%run_scoped3A : memref<!tpu.dma_semaphore, #tpu.memory_space<semaphore_mem>>)
      %dma_wait3A = arith.constant 0 : i32
      %dma_wait3A_43 = arith.constant 0 : i32
      %dma_wait3A_44 = tpu.memref_slice %arg3[%arg1, %dma_wait3A, %dma_wait3A_43] : memref<16x79x128xi32, #tpu.memory_space<hbm>> -> memref<1x79x128xi32, #tpu.memory_space<hbm>>
      %dma_wait3A_45 = tpu.memref_squeeze %dma_wait3A_44 : memref<1x79x128xi32, #tpu.memory_space<hbm>> -> memref<79x128xi32, #tpu.memory_space<hbm>>
      %dma_wait3A_46 = arith.constant 0 : i32
      %dma_wait3A_47 = arith.constant 0 : i32
      %dma_wait3A_48 = tpu.memref_slice %arg3[%arg1, %dma_wait3A_46, %dma_wait3A_47] : memref<16x79x128xi32, #tpu.memory_space<hbm>> -> memref<1x79x128xi32, #tpu.memory_space<hbm>>
      %dma_wait3A_49 = tpu.memref_squeeze %dma_wait3A_48 : memref<1x79x128xi32, #tpu.memory_space<hbm>> -> memref<79x128xi32, #tpu.memory_space<hbm>>
      tpu.wait_dma2 semaphore(%run_scoped3A : memref<!tpu.dma_semaphore, #tpu.memory_space<semaphore_mem>>) src(%dma_wait3A_49 : memref<79x128xi32, #tpu.memory_space<hbm>>) dst(%arg7 : memref<79x128xi32, #tpu.memory_space<vmem>>)
      tpu.yield
    }) : () -> ()
    "tpu.region"() ({
      %run_scoped3A = tpu.sem_alloc : memref<!tpu.dma_semaphore, #tpu.memory_space<semaphore_mem>>
      %dma_start3A = arith.constant 0 : i32
      %dma_start3A_36 = arith.constant 0 : i32
      %dma_start3A_37 = tpu.memref_slice %arg4[%arg1, %dma_start3A, %dma_start3A_36] : memref<16x79x128xi32, #tpu.memory_space<hbm>> -> memref<1x79x128xi32, #tpu.memory_space<hbm>>
      %dma_start3A_38 = tpu.memref_squeeze %dma_start3A_37 : memref<1x79x128xi32, #tpu.memory_space<hbm>> -> memref<79x128xi32, #tpu.memory_space<hbm>>
      %dma_start3A_39 = arith.constant 0 : i32
      %dma_start3A_40 = arith.constant 0 : i32
      %dma_start3A_41 = tpu.memref_slice %arg4[%arg1, %dma_start3A_39, %dma_start3A_40] : memref<16x79x128xi32, #tpu.memory_space<hbm>> -> memref<1x79x128xi32, #tpu.memory_space<hbm>>
      %dma_start3A_42 = tpu.memref_squeeze %dma_start3A_41 : memref<1x79x128xi32, #tpu.memory_space<hbm>> -> memref<79x128xi32, #tpu.memory_space<hbm>>
      tpu.enqueue_dma source(%dma_start3A_42 : memref<79x128xi32, #tpu.memory_space<hbm>>) target(%arg8 : memref<79x128xi32, #tpu.memory_space<vmem>>) target_semaphore(%run_scoped3A : memref<!tpu.dma_semaphore, #tpu.memory_space<semaphore_mem>>)
      %dma_wait3A = arith.constant 0 : i32
      %dma_wait3A_43 = arith.constant 0 : i32
      %dma_wait3A_44 = tpu.memref_slice %arg4[%arg1, %dma_wait3A, %dma_wait3A_43] : memref<16x79x128xi32, #tpu.memory_space<hbm>> -> memref<1x79x128xi32, #tpu.memory_space<hbm>>
      %dma_wait3A_45 = tpu.memref_squeeze %dma_wait3A_44 : memref<1x79x128xi32, #tpu.memory_space<hbm>> -> memref<79x128xi32, #tpu.memory_space<hbm>>
      %dma_wait3A_46 = arith.constant 0 : i32
      %dma_wait3A_47 = arith.constant 0 : i32
      %dma_wait3A_48 = tpu.memref_slice %arg4[%arg1, %dma_wait3A_46, %dma_wait3A_47] : memref<16x79x128xi32, #tpu.memory_space<hbm>> -> memref<1x79x128xi32, #tpu.memory_space<hbm>>
      %dma_wait3A_49 = tpu.memref_squeeze %dma_wait3A_48 : memref<1x79x128xi32, #tpu.memory_space<hbm>> -> memref<79x128xi32, #tpu.memory_space<hbm>>
      tpu.wait_dma2 semaphore(%run_scoped3A : memref<!tpu.dma_semaphore, #tpu.memory_space<semaphore_mem>>) src(%dma_wait3A_49 : memref<79x128xi32, #tpu.memory_space<hbm>>) dst(%arg8 : memref<79x128xi32, #tpu.memory_space<vmem>>)
      tpu.yield
    }) : () -> ()
    %mul3A = arith.constant 2 : i32
    %mul3A_0 = arith.muli %mul3A, %arg0 : i32
    %add3A = arith.constant 0 : i32
    %add3A_1 = arith.addi %mul3A_0, %add3A : i32
    %mul3A_2 = arith.constant 640 : i32
    %mul3A_3 = arith.muli %arg1, %mul3A_2 : i32
    %mul3A_4 = arith.constant 640 : i32
    %mul3A_5 = arith.muli %arg1, %mul3A_4 : i32
    "tpu.region"() ({
      %run_scoped3A = tpu.sem_alloc : memref<!tpu.dma_semaphore, #tpu.memory_space<semaphore_mem>>
      %dma_start3A = arith.constant 0 : i32
      %dma_start3A_36 = tpu.memref_slice %arg10[%mul3A_5, %dma_start3A] : memref<10240x128xf32, #tpu.memory_space<vmem_shared>> -> memref<640x128xf32, #tpu.memory_space<vmem_shared>>
      %dma_start3A_37 = arith.constant 0 : i32
      %dma_start3A_38 = tpu.memref_slice %arg5[%mul3A_3, %dma_start3A_37] : memref<10240x128xf32, #tpu.memory_space<hbm>> -> memref<640x128xf32, #tpu.memory_space<hbm>>
      tpu.enqueue_dma source(%dma_start3A_38 : memref<640x128xf32, #tpu.memory_space<hbm>>) target(%dma_start3A_36 : memref<640x128xf32, #tpu.memory_space<vmem_shared>>) target_semaphore(%run_scoped3A : memref<!tpu.dma_semaphore, #tpu.memory_space<semaphore_mem>>)
      %dma_wait3A = arith.constant 0 : i32
      %dma_wait3A_39 = tpu.memref_slice %arg10[%mul3A_5, %dma_wait3A] : memref<10240x128xf32, #tpu.memory_space<vmem_shared>> -> memref<640x128xf32, #tpu.memory_space<vmem_shared>>
      %dma_wait3A_40 = arith.constant 0 : i32
      %dma_wait3A_41 = tpu.memref_slice %arg5[%mul3A_3, %dma_wait3A_40] : memref<10240x128xf32, #tpu.memory_space<hbm>> -> memref<640x128xf32, #tpu.memory_space<hbm>>
      tpu.wait_dma2 semaphore(%run_scoped3A : memref<!tpu.dma_semaphore, #tpu.memory_space<semaphore_mem>>) src(%dma_wait3A_41 : memref<640x128xf32, #tpu.memory_space<hbm>>) dst(%dma_wait3A_39 : memref<640x128xf32, #tpu.memory_space<vmem_shared>>)
      tpu.yield
    }) : () -> ()
    %barrier3A = arith.constant 0 : index
    tpu.barrier barrier_id(%barrier3A)
    %scan3A = arith.constant 0 : i32
    %scan3A_6 = arith.constant 79 : i32
    %scan3A_7 = arith.addi %scan3A, %scan3A_6 : i32
    %scan3A_8 = arith.constant 1 : i32
    scf.for %scan3A_36 = %scan3A to %scan3A_7 step %scan3A_8  : i32 {
      %mul3A_37 = arith.constant 1 : i32
      %mul3A_38 = arith.muli %scan3A_36, %mul3A_37 : i32
      %add3A_39 = arith.constant 0 : i32
      %add3A_40 = arith.addi %add3A_39, %mul3A_38 : i32
      "tpu.region"() ({
        %run_scoped3A = tpu.sem_alloc : memref<!tpu.dma_semaphore, #tpu.memory_space<semaphore_mem>>
        %dma_start3A = arith.constant 0 : i32
        %dma_start3A_41 = tpu.memref_slice %arg7[%add3A_40, %dma_start3A] : memref<79x128xi32, #tpu.memory_space<vmem>> -> memref<1x128xi32, #tpu.memory_space<vmem>>
        %dma_start3A_42 = tpu.memref_squeeze %dma_start3A_41 : memref<1x128xi32, #tpu.memory_space<vmem>> -> memref<128xi32, #tpu.memory_space<vmem>>
        %dma_start3A_43 = arith.constant 0 : i32
        %dma_start3A_44 = arith.constant 0 : i32
        %dma_start3A_45 = tpu.memref_slice %arg2[%add3A_1, %dma_start3A_43, %dma_start3A_44] : memref<4x10240x128xf32, #tpu.memory_space<hbm>> -> memref<1x10240x128xf32, #tpu.memory_space<hbm>>
        %dma_start3A_46 = tpu.memref_squeeze %dma_start3A_45 : memref<1x10240x128xf32, #tpu.memory_space<hbm>> -> memref<10240x128xf32, #tpu.memory_space<hbm>>
        %dma_start3A_47 = arith.constant 0 : i32
        %dma_start3A_48 = arith.constant 0 : i32
        %dma_start3A_49 = tpu.memref_slice %dma_start3A_46[%dma_start3A_47, %dma_start3A_48] : memref<10240x128xf32, #tpu.memory_space<hbm>> -> memref<10240x128xf32, #tpu.memory_space<hbm>>
        tpu.enqueue_indirect_dma source(%dma_start3A_49 : memref<10240x128xf32, #tpu.memory_space<hbm>>) target(%arg9 : memref<128x128xf32, #tpu.memory_space<vmem>>) offsets(%dma_start3A_42 : memref<128xi32, #tpu.memory_space<vmem>>) semaphore(%run_scoped3A : memref<!tpu.dma_semaphore, #tpu.memory_space<semaphore_mem>>)
        %dma_wait3A = arith.constant 0 : i32
        %dma_wait3A_50 = tpu.memref_slice %arg7[%add3A_40, %dma_wait3A] : memref<79x128xi32, #tpu.memory_space<vmem>> -> memref<1x128xi32, #tpu.memory_space<vmem>>
        %dma_wait3A_51 = tpu.memref_squeeze %dma_wait3A_50 : memref<1x128xi32, #tpu.memory_space<vmem>> -> memref<128xi32, #tpu.memory_space<vmem>>
        %dma_wait3A_52 = arith.constant 0 : i32
        %dma_wait3A_53 = arith.constant 0 : i32
        %dma_wait3A_54 = tpu.memref_slice %arg2[%add3A_1, %dma_wait3A_52, %dma_wait3A_53] : memref<4x10240x128xf32, #tpu.memory_space<hbm>> -> memref<1x10240x128xf32, #tpu.memory_space<hbm>>
        %dma_wait3A_55 = tpu.memref_squeeze %dma_wait3A_54 : memref<1x10240x128xf32, #tpu.memory_space<hbm>> -> memref<10240x128xf32, #tpu.memory_space<hbm>>
        %dma_wait3A_56 = arith.constant 0 : i32
        %dma_wait3A_57 = arith.constant 0 : i32
        %dma_wait3A_58 = tpu.memref_slice %dma_wait3A_55[%dma_wait3A_56, %dma_wait3A_57] : memref<10240x128xf32, #tpu.memory_space<hbm>> -> memref<10240x128xf32, #tpu.memory_space<hbm>>
        tpu.wait_indirect_dma semaphore(%run_scoped3A : memref<!tpu.dma_semaphore, #tpu.memory_space<semaphore_mem>>) src(%dma_wait3A_58 : memref<10240x128xf32, #tpu.memory_space<hbm>>) dst(%arg9 : memref<128x128xf32, #tpu.memory_space<vmem>>)
        tpu.yield
      }) : () -> ()
      "tpu.region"() ({
        %run_scoped3A = tpu.sem_alloc : memref<!tpu.dma_semaphore, #tpu.memory_space<semaphore_mem>>
        %dma_start3A = arith.constant 0 : i32
        %dma_start3A_41 = tpu.memref_slice %arg8[%add3A_40, %dma_start3A] : memref<79x128xi32, #tpu.memory_space<vmem>> -> memref<1x128xi32, #tpu.memory_space<vmem>>
        %dma_start3A_42 = tpu.memref_squeeze %dma_start3A_41 : memref<1x128xi32, #tpu.memory_space<vmem>> -> memref<128xi32, #tpu.memory_space<vmem>>
        %dma_start3A_43 = arith.constant 0 : i32
        %dma_start3A_44 = arith.constant 0 : i32
        %dma_start3A_45 = tpu.memref_slice %arg10[%dma_start3A_43, %dma_start3A_44] : memref<10240x128xf32, #tpu.memory_space<vmem_shared>> -> memref<10240x128xf32, #tpu.memory_space<vmem_shared>>
        tpu.enqueue_indirect_dma source(%arg9 : memref<128x128xf32, #tpu.memory_space<vmem>>) target(%dma_start3A_45 : memref<10240x128xf32, #tpu.memory_space<vmem_shared>>) offsets(%dma_start3A_42 : memref<128xi32, #tpu.memory_space<vmem>>) semaphore(%run_scoped3A : memref<!tpu.dma_semaphore, #tpu.memory_space<semaphore_mem>>) {add = true}
        %dma_wait3A = arith.constant 0 : i32
        %dma_wait3A_46 = tpu.memref_slice %arg8[%add3A_40, %dma_wait3A] : memref<79x128xi32, #tpu.memory_space<vmem>> -> memref<1x128xi32, #tpu.memory_space<vmem>>
        %dma_wait3A_47 = tpu.memref_squeeze %dma_wait3A_46 : memref<1x128xi32, #tpu.memory_space<vmem>> -> memref<128xi32, #tpu.memory_space<vmem>>
        %dma_wait3A_48 = arith.constant 0 : i32
        %dma_wait3A_49 = arith.constant 0 : i32
        %dma_wait3A_50 = tpu.memref_slice %arg10[%dma_wait3A_48, %dma_wait3A_49] : memref<10240x128xf32, #tpu.memory_space<vmem_shared>> -> memref<10240x128xf32, #tpu.memory_space<vmem_shared>>
        tpu.wait_indirect_dma semaphore(%run_scoped3A : memref<!tpu.dma_semaphore, #tpu.memory_space<semaphore_mem>>) src(%arg9 : memref<128x128xf32, #tpu.memory_space<vmem>>) dst(%dma_wait3A_50 : memref<10240x128xf32, #tpu.memory_space<vmem_shared>>)
        tpu.yield
      }) : () -> ()
    }
    %scan3A_9 = arith.constant 79 : i32
    %barrier3A_10 = arith.constant 0 : index
    tpu.barrier barrier_id(%barrier3A_10)
    %mul3A_11 = arith.constant 640 : i32
    %mul3A_12 = arith.muli %arg1, %mul3A_11 : i32
    %mul3A_13 = arith.constant 640 : i32
    %mul3A_14 = arith.muli %arg1, %mul3A_13 : i32
    "tpu.region"() ({
      %run_scoped3A = tpu.sem_alloc : memref<!tpu.dma_semaphore, #tpu.memory_space<semaphore_mem>>
      %dma_start3A = arith.constant 0 : i32
      %dma_start3A_36 = arith.constant 0 : i32
      %dma_start3A_37 = tpu.memref_slice %arg6[%add3A_1, %dma_start3A, %dma_start3A_36] : memref<4x10240x128xf32, #tpu.memory_space<hbm>> -> memref<1x10240x128xf32, #tpu.memory_space<hbm>>
      %dma_start3A_38 = tpu.memref_squeeze %dma_start3A_37 : memref<1x10240x128xf32, #tpu.memory_space<hbm>> -> memref<10240x128xf32, #tpu.memory_space<hbm>>
      %dma_start3A_39 = arith.constant 0 : i32
      %dma_start3A_40 = tpu.memref_slice %dma_start3A_38[%mul3A_14, %dma_start3A_39] : memref<10240x128xf32, #tpu.memory_space<hbm>> -> memref<640x128xf32, #tpu.memory_space<hbm>>
      %dma_start3A_41 = arith.constant 0 : i32
      %dma_start3A_42 = tpu.memref_slice %arg10[%mul3A_12, %dma_start3A_41] : memref<10240x128xf32, #tpu.memory_space<vmem_shared>> -> memref<640x128xf32, #tpu.memory_space<vmem_shared>>
      tpu.enqueue_dma source(%dma_start3A_42 : memref<640x128xf32, #tpu.memory_space<vmem_shared>>) target(%dma_start3A_40 : memref<640x128xf32, #tpu.memory_space<hbm>>) target_semaphore(%run_scoped3A : memref<!tpu.dma_semaphore, #tpu.memory_space<semaphore_mem>>)
      %dma_wait3A = arith.constant 0 : i32
      %dma_wait3A_43 = arith.constant 0 : i32
      %dma_wait3A_44 = tpu.memref_slice %arg6[%add3A_1, %dma_wait3A, %dma_wait3A_43] : memref<4x10240x128xf32, #tpu.memory_space<hbm>> -> memref<1x10240x128xf32, #tpu.memory_space<hbm>>
      %dma_wait3A_45 = tpu.memref_squeeze %dma_wait3A_44 : memref<1x10240x128xf32, #tpu.memory_space<hbm>> -> memref<10240x128xf32, #tpu.memory_space<hbm>>
      %dma_wait3A_46 = arith.constant 0 : i32
      %dma_wait3A_47 = tpu.memref_slice %dma_wait3A_45[%mul3A_14, %dma_wait3A_46] : memref<10240x128xf32, #tpu.memory_space<hbm>> -> memref<640x128xf32, #tpu.memory_space<hbm>>
      %dma_wait3A_48 = arith.constant 0 : i32
      %dma_wait3A_49 = tpu.memref_slice %arg10[%mul3A_12, %dma_wait3A_48] : memref<10240x128xf32, #tpu.memory_space<vmem_shared>> -> memref<640x128xf32, #tpu.memory_space<vmem_shared>>
      tpu.wait_dma2 semaphore(%run_scoped3A : memref<!tpu.dma_semaphore, #tpu.memory_space<semaphore_mem>>) src(%dma_wait3A_49 : memref<640x128xf32, #tpu.memory_space<vmem_shared>>) dst(%dma_wait3A_47 : memref<640x128xf32, #tpu.memory_space<hbm>>)
      tpu.yield
    }) : () -> ()
    %barrier3A_15 = arith.constant 0 : index
    tpu.barrier barrier_id(%barrier3A_15)
    %mul3A_16 = arith.constant 2 : i32
    %mul3A_17 = arith.muli %mul3A_16, %arg0 : i32
    %add3A_18 = arith.constant 1 : i32
    %add3A_19 = arith.addi %mul3A_17, %add3A_18 : i32
    %mul3A_20 = arith.constant 640 : i32
    %mul3A_21 = arith.muli %arg1, %mul3A_20 : i32
    %mul3A_22 = arith.constant 640 : i32
    %mul3A_23 = arith.muli %arg1, %mul3A_22 : i32
    "tpu.region"() ({
      %run_scoped3A = tpu.sem_alloc : memref<!tpu.dma_semaphore, #tpu.memory_space<semaphore_mem>>
      %dma_start3A = arith.constant 0 : i32
      %dma_start3A_36 = tpu.memref_slice %arg10[%mul3A_23, %dma_start3A] : memref<10240x128xf32, #tpu.memory_space<vmem_shared>> -> memref<640x128xf32, #tpu.memory_space<vmem_shared>>
      %dma_start3A_37 = arith.constant 0 : i32
      %dma_start3A_38 = tpu.memref_slice %arg5[%mul3A_21, %dma_start3A_37] : memref<10240x128xf32, #tpu.memory_space<hbm>> -> memref<640x128xf32, #tpu.memory_space<hbm>>
      tpu.enqueue_dma source(%dma_start3A_38 : memref<640x128xf32, #tpu.memory_space<hbm>>) target(%dma_start3A_36 : memref<640x128xf32, #tpu.memory_space<vmem_shared>>) target_semaphore(%run_scoped3A : memref<!tpu.dma_semaphore, #tpu.memory_space<semaphore_mem>>)
      %dma_wait3A = arith.constant 0 : i32
      %dma_wait3A_39 = tpu.memref_slice %arg10[%mul3A_23, %dma_wait3A] : memref<10240x128xf32, #tpu.memory_space<vmem_shared>> -> memref<640x128xf32, #tpu.memory_space<vmem_shared>>
      %dma_wait3A_40 = arith.constant 0 : i32
      %dma_wait3A_41 = tpu.memref_slice %arg5[%mul3A_21, %dma_wait3A_40] : memref<10240x128xf32, #tpu.memory_space<hbm>> -> memref<640x128xf32, #tpu.memory_space<hbm>>
      tpu.wait_dma2 semaphore(%run_scoped3A : memref<!tpu.dma_semaphore, #tpu.memory_space<semaphore_mem>>) src(%dma_wait3A_41 : memref<640x128xf32, #tpu.memory_space<hbm>>) dst(%dma_wait3A_39 : memref<640x128xf32, #tpu.memory_space<vmem_shared>>)
      tpu.yield
    }) : () -> ()
    %barrier3A_24 = arith.constant 0 : index
    tpu.barrier barrier_id(%barrier3A_24)
    %scan3A_25 = arith.constant 0 : i32
    %scan3A_26 = arith.constant 79 : i32
    %scan3A_27 = arith.addi %scan3A_25, %scan3A_26 : i32
    %scan3A_28 = arith.constant 1 : i32
    scf.for %scan3A_36 = %scan3A_25 to %scan3A_27 step %scan3A_28  : i32 {
      %mul3A_37 = arith.constant 1 : i32
      %mul3A_38 = arith.muli %scan3A_36, %mul3A_37 : i32
      %add3A_39 = arith.constant 0 : i32
      %add3A_40 = arith.addi %add3A_39, %mul3A_38 : i32
      "tpu.region"() ({
        %run_scoped3A = tpu.sem_alloc : memref<!tpu.dma_semaphore, #tpu.memory_space<semaphore_mem>>
        %dma_start3A = arith.constant 0 : i32
        %dma_start3A_41 = tpu.memref_slice %arg7[%add3A_40, %dma_start3A] : memref<79x128xi32, #tpu.memory_space<vmem>> -> memref<1x128xi32, #tpu.memory_space<vmem>>
        %dma_start3A_42 = tpu.memref_squeeze %dma_start3A_41 : memref<1x128xi32, #tpu.memory_space<vmem>> -> memref<128xi32, #tpu.memory_space<vmem>>
        %dma_start3A_43 = arith.constant 0 : i32
        %dma_start3A_44 = arith.constant 0 : i32
        %dma_start3A_45 = tpu.memref_slice %arg2[%add3A_19, %dma_start3A_43, %dma_start3A_44] : memref<4x10240x128xf32, #tpu.memory_space<hbm>> -> memref<1x10240x128xf32, #tpu.memory_space<hbm>>
        %dma_start3A_46 = tpu.memref_squeeze %dma_start3A_45 : memref<1x10240x128xf32, #tpu.memory_space<hbm>> -> memref<10240x128xf32, #tpu.memory_space<hbm>>
        %dma_start3A_47 = arith.constant 0 : i32
        %dma_start3A_48 = arith.constant 0 : i32
        %dma_start3A_49 = tpu.memref_slice %dma_start3A_46[%dma_start3A_47, %dma_start3A_48] : memref<10240x128xf32, #tpu.memory_space<hbm>> -> memref<10240x128xf32, #tpu.memory_space<hbm>>
        tpu.enqueue_indirect_dma source(%dma_start3A_49 : memref<10240x128xf32, #tpu.memory_space<hbm>>) target(%arg9 : memref<128x128xf32, #tpu.memory_space<vmem>>) offsets(%dma_start3A_42 : memref<128xi32, #tpu.memory_space<vmem>>) semaphore(%run_scoped3A : memref<!tpu.dma_semaphore, #tpu.memory_space<semaphore_mem>>)
        %dma_wait3A = arith.constant 0 : i32
        %dma_wait3A_50 = tpu.memref_slice %arg7[%add3A_40, %dma_wait3A] : memref<79x128xi32, #tpu.memory_space<vmem>> -> memref<1x128xi32, #tpu.memory_space<vmem>>
        %dma_wait3A_51 = tpu.memref_squeeze %dma_wait3A_50 : memref<1x128xi32, #tpu.memory_space<vmem>> -> memref<128xi32, #tpu.memory_space<vmem>>
        %dma_wait3A_52 = arith.constant 0 : i32
        %dma_wait3A_53 = arith.constant 0 : i32
        %dma_wait3A_54 = tpu.memref_slice %arg2[%add3A_19, %dma_wait3A_52, %dma_wait3A_53] : memref<4x10240x128xf32, #tpu.memory_space<hbm>> -> memref<1x10240x128xf32, #tpu.memory_space<hbm>>
        %dma_wait3A_55 = tpu.memref_squeeze %dma_wait3A_54 : memref<1x10240x128xf32, #tpu.memory_space<hbm>> -> memref<10240x128xf32, #tpu.memory_space<hbm>>
        %dma_wait3A_56 = arith.constant 0 : i32
        %dma_wait3A_57 = arith.constant 0 : i32
        %dma_wait3A_58 = tpu.memref_slice %dma_wait3A_55[%dma_wait3A_56, %dma_wait3A_57] : memref<10240x128xf32, #tpu.memory_space<hbm>> -> memref<10240x128xf32, #tpu.memory_space<hbm>>
        tpu.wait_indirect_dma semaphore(%run_scoped3A : memref<!tpu.dma_semaphore, #tpu.memory_space<semaphore_mem>>) src(%dma_wait3A_58 : memref<10240x128xf32, #tpu.memory_space<hbm>>) dst(%arg9 : memref<128x128xf32, #tpu.memory_space<vmem>>)
        tpu.yield
      }) : () -> ()
      "tpu.region"() ({
        %run_scoped3A = tpu.sem_alloc : memref<!tpu.dma_semaphore, #tpu.memory_space<semaphore_mem>>
        %dma_start3A = arith.constant 0 : i32
        %dma_start3A_41 = tpu.memref_slice %arg8[%add3A_40, %dma_start3A] : memref<79x128xi32, #tpu.memory_space<vmem>> -> memref<1x128xi32, #tpu.memory_space<vmem>>
        %dma_start3A_42 = tpu.memref_squeeze %dma_start3A_41 : memref<1x128xi32, #tpu.memory_space<vmem>> -> memref<128xi32, #tpu.memory_space<vmem>>
        %dma_start3A_43 = arith.constant 0 : i32
        %dma_start3A_44 = arith.constant 0 : i32
        %dma_start3A_45 = tpu.memref_slice %arg10[%dma_start3A_43, %dma_start3A_44] : memref<10240x128xf32, #tpu.memory_space<vmem_shared>> -> memref<10240x128xf32, #tpu.memory_space<vmem_shared>>
        tpu.enqueue_indirect_dma source(%arg9 : memref<128x128xf32, #tpu.memory_space<vmem>>) target(%dma_start3A_45 : memref<10240x128xf32, #tpu.memory_space<vmem_shared>>) offsets(%dma_start3A_42 : memref<128xi32, #tpu.memory_space<vmem>>) semaphore(%run_scoped3A : memref<!tpu.dma_semaphore, #tpu.memory_space<semaphore_mem>>) {add = true}
        %dma_wait3A = arith.constant 0 : i32
        %dma_wait3A_46 = tpu.memref_slice %arg8[%add3A_40, %dma_wait3A] : memref<79x128xi32, #tpu.memory_space<vmem>> -> memref<1x128xi32, #tpu.memory_space<vmem>>
        %dma_wait3A_47 = tpu.memref_squeeze %dma_wait3A_46 : memref<1x128xi32, #tpu.memory_space<vmem>> -> memref<128xi32, #tpu.memory_space<vmem>>
        %dma_wait3A_48 = arith.constant 0 : i32
        %dma_wait3A_49 = arith.constant 0 : i32
        %dma_wait3A_50 = tpu.memref_slice %arg10[%dma_wait3A_48, %dma_wait3A_49] : memref<10240x128xf32, #tpu.memory_space<vmem_shared>> -> memref<10240x128xf32, #tpu.memory_space<vmem_shared>>
        tpu.wait_indirect_dma semaphore(%run_scoped3A : memref<!tpu.dma_semaphore, #tpu.memory_space<semaphore_mem>>) src(%arg9 : memref<128x128xf32, #tpu.memory_space<vmem>>) dst(%dma_wait3A_50 : memref<10240x128xf32, #tpu.memory_space<vmem_shared>>)
        tpu.yield
      }) : () -> ()
    }
    %scan3A_29 = arith.constant 79 : i32
    %barrier3A_30 = arith.constant 0 : index
    tpu.barrier barrier_id(%barrier3A_30)
    %mul3A_31 = arith.constant 640 : i32
    %mul3A_32 = arith.muli %arg1, %mul3A_31 : i32
    %mul3A_33 = arith.constant 640 : i32
    %mul3A_34 = arith.muli %arg1, %mul3A_33 : i32
    "tpu.region"() ({
      %run_scoped3A = tpu.sem_alloc : memref<!tpu.dma_semaphore, #tpu.memory_space<semaphore_mem>>
      %dma_start3A = arith.constant 0 : i32
      %dma_start3A_36 = arith.constant 0 : i32
      %dma_start3A_37 = tpu.memref_slice %arg6[%add3A_19, %dma_start3A, %dma_start3A_36] : memref<4x10240x128xf32, #tpu.memory_space<hbm>> -> memref<1x10240x128xf32, #tpu.memory_space<hbm>>
      %dma_start3A_38 = tpu.memref_squeeze %dma_start3A_37 : memref<1x10240x128xf32, #tpu.memory_space<hbm>> -> memref<10240x128xf32, #tpu.memory_space<hbm>>
      %dma_start3A_39 = arith.constant 0 : i32
      %dma_start3A_40 = tpu.memref_slice %dma_start3A_38[%mul3A_34, %dma_start3A_39] : memref<10240x128xf32, #tpu.memory_space<hbm>> -> memref<640x128xf32, #tpu.memory_space<hbm>>
      %dma_start3A_41 = arith.constant 0 : i32
      %dma_start3A_42 = tpu.memref_slice %arg10[%mul3A_32, %dma_start3A_41] : memref<10240x128xf32, #tpu.memory_space<vmem_shared>> -> memref<640x128xf32, #tpu.memory_space<vmem_shared>>
      tpu.enqueue_dma source(%dma_start3A_42 : memref<640x128xf32, #tpu.memory_space<vmem_shared>>) target(%dma_start3A_40 : memref<640x128xf32, #tpu.memory_space<hbm>>) target_semaphore(%run_scoped3A : memref<!tpu.dma_semaphore, #tpu.memory_space<semaphore_mem>>)
      %dma_wait3A = arith.constant 0 : i32
      %dma_wait3A_43 = arith.constant 0 : i32
      %dma_wait3A_44 = tpu.memref_slice %arg6[%add3A_19, %dma_wait3A, %dma_wait3A_43] : memref<4x10240x128xf32, #tpu.memory_space<hbm>> -> memref<1x10240x128xf32, #tpu.memory_space<hbm>>
      %dma_wait3A_45 = tpu.memref_squeeze %dma_wait3A_44 : memref<1x10240x128xf32, #tpu.memory_space<hbm>> -> memref<10240x128xf32, #tpu.memory_space<hbm>>
      %dma_wait3A_46 = arith.constant 0 : i32
      %dma_wait3A_47 = tpu.memref_slice %dma_wait3A_45[%mul3A_34, %dma_wait3A_46] : memref<10240x128xf32, #tpu.memory_space<hbm>> -> memref<640x128xf32, #tpu.memory_space<hbm>>
      %dma_wait3A_48 = arith.constant 0 : i32
      %dma_wait3A_49 = tpu.memref_slice %arg10[%mul3A_32, %dma_wait3A_48] : memref<10240x128xf32, #tpu.memory_space<vmem_shared>> -> memref<640x128xf32, #tpu.memory_space<vmem_shared>>
      tpu.wait_dma2 semaphore(%run_scoped3A : memref<!tpu.dma_semaphore, #tpu.memory_space<semaphore_mem>>) src(%dma_wait3A_49 : memref<640x128xf32, #tpu.memory_space<vmem_shared>>) dst(%dma_wait3A_47 : memref<640x128xf32, #tpu.memory_space<hbm>>)
      tpu.yield
    }) : () -> ()
    %barrier3A_35 = arith.constant 0 : index
    tpu.barrier barrier_id(%barrier3A_35)
    return
  }
}

module attributes {stable_mosaic.version = 14 : i64} {
  func.func @_enc_body(%arg0: i32, %arg1: memref<1024x256xf32, #tpu.memory_space<vmem>>, %arg2: memref<256x512xf32, #tpu.memory_space<vmem>>, %arg3: memref<1x512xf32, #tpu.memory_space<vmem>>, %arg4: memref<1x512xf32, #tpu.memory_space<vmem>>, %arg5: memref<1x512xf32, #tpu.memory_space<vmem>>, %arg6: memref<1024x512xf32, #tpu.memory_space<vmem>>) attributes {dimension_semantics = [#tpu.dimension_semantics<arbitrary>], iteration_bounds = array<i64: 10>, scalar_prefetch = 0 : i64, scratch_operands = 0 : i64, tpu.core_type = #tpu.core_type<tc>, window_params = [{transform_indices = @transform_0, window_bounds = array<i64: 1024, 256>}, {pipeline_mode = #tpu.pipeline_mode<synchronous>, transform_indices = @transform_1, window_bounds = array<i64: 256, 512>}, {pipeline_mode = #tpu.pipeline_mode<synchronous>, transform_indices = @transform_2, window_bounds = array<i64: 1, 512>}, {pipeline_mode = #tpu.pipeline_mode<synchronous>, transform_indices = @transform_3, window_bounds = array<i64: 1, 512>}, {pipeline_mode = #tpu.pipeline_mode<synchronous>, transform_indices = @transform_4, window_bounds = array<i64: 1, 512>}, {transform_indices = @transform_5, window_bounds = array<i64: 1024, 512>}]} {
    %get3A = arith.constant 0 : index
    %get3A_0 = arith.constant 0 : index
    %get3A_1 = vector.load %arg1[%get3A, %get3A_0] : memref<1024x256xf32, #tpu.memory_space<vmem>>, vector<1024x256xf32>
    %get3A_2 = arith.constant 0 : index
    %get3A_3 = arith.constant 0 : index
    %get3A_4 = vector.load %arg2[%get3A_2, %get3A_3] : memref<256x512xf32, #tpu.memory_space<vmem>>, vector<256x512xf32>
    %dot_general3A = arith.constant dense<0.000000e+00> : vector<1024x512xf32>
    %dot_general3A_5 = tpu.matmul %get3A_1, %get3A_4, %dot_general3A {dimension_numbers = #tpu.dot_dimension_numbers<[1], [0], [0], [1], [0, 0, 1, 1], [], []>, transpose_lhs_hint = false} : vector<1024x256xf32>, vector<256x512xf32>, vector<1024x512xf32> -> vector<1024x512xf32>
    %get3A_6 = arith.constant 0 : index
    %get3A_7 = arith.constant 0 : index
    %get3A_8 = vector.load %arg3[%get3A_6, %get3A_7] : memref<1x512xf32, #tpu.memory_space<vmem>>, vector<1x512xf32>
    %add3A = vector.broadcast %get3A_8 : vector<1x512xf32> to vector<1024x512xf32>
    %add3A_9 = arith.addf %dot_general3A_5, %add3A : vector<1024x512xf32>
    %max3A = arith.constant 0.000000e+00 : f32
    %max3A_10 = vector.broadcast %max3A : f32 to vector<1024x512xf32>
    %max3A_11 = arith.maximumf %add3A_9, %max3A_10 : vector<1024x512xf32>
    %get3A_12 = arith.constant 0 : index
    %get3A_13 = arith.constant 0 : index
    %get3A_14 = vector.load %arg4[%get3A_12, %get3A_13] : memref<1x512xf32, #tpu.memory_space<vmem>>, vector<1x512xf32>
    %get3A_15 = arith.constant 0 : index
    %get3A_16 = arith.constant 0 : index
    %get3A_17 = vector.load %arg5[%get3A_15, %get3A_16] : memref<1x512xf32, #tpu.memory_space<vmem>>, vector<1x512xf32>
    %reduce_sum3A = arith.constant dense<0.000000e+00> : vector<1024xf32>
    %reduce_sum3A_18 = vector.multi_reduction <add>, %max3A_11, %reduce_sum3A [1] : vector<1024x512xf32> to vector<1024xf32>
    %broadcast_in_dim3A = vector.shape_cast %reduce_sum3A_18 : vector<1024xf32> to vector<1024x1xf32>
    %div3A = arith.constant 5.120000e+02 : f32
    %div3A_19 = vector.broadcast %div3A : f32 to vector<1024x1xf32>
    %div3A_20 = arith.divf %broadcast_in_dim3A, %div3A_19 : vector<1024x1xf32>
    %sub3A = vector.broadcast %div3A_20 : vector<1024x1xf32> to vector<1024x512xf32>
    %sub3A_21 = arith.subf %max3A_11, %sub3A : vector<1024x512xf32>
    %integer_pow3A = arith.mulf %sub3A_21, %sub3A_21 : vector<1024x512xf32>
    %reduce_sum3A_22 = arith.constant dense<0.000000e+00> : vector<1024xf32>
    %reduce_sum3A_23 = vector.multi_reduction <add>, %integer_pow3A, %reduce_sum3A_22 [1] : vector<1024x512xf32> to vector<1024xf32>
    %broadcast_in_dim3A_24 = vector.shape_cast %reduce_sum3A_23 : vector<1024xf32> to vector<1024x1xf32>
    %div3A_25 = arith.constant 5.120000e+02 : f32
    %div3A_26 = vector.broadcast %div3A_25 : f32 to vector<1024x1xf32>
    %div3A_27 = arith.divf %broadcast_in_dim3A_24, %div3A_26 : vector<1024x1xf32>
    %sub3A_28 = vector.broadcast %div3A_20 : vector<1024x1xf32> to vector<1024x512xf32>
    %sub3A_29 = arith.subf %max3A_11, %sub3A_28 : vector<1024x512xf32>
    %add3A_30 = arith.constant 9.99999974E-6 : f32
    %add3A_31 = vector.broadcast %add3A_30 : f32 to vector<1024x1xf32>
    %add3A_32 = arith.addf %div3A_27, %add3A_31 : vector<1024x1xf32>
    %rsqrt3A = math.rsqrt %add3A_32 : vector<1024x1xf32>
    %mul3A = vector.broadcast %rsqrt3A : vector<1024x1xf32> to vector<1024x512xf32>
    %mul3A_33 = arith.mulf %sub3A_29, %mul3A : vector<1024x512xf32>
    %mul3A_34 = vector.broadcast %get3A_14 : vector<1x512xf32> to vector<1024x512xf32>
    %mul3A_35 = arith.mulf %mul3A_33, %mul3A_34 : vector<1024x512xf32>
    %add3A_36 = vector.broadcast %get3A_17 : vector<1x512xf32> to vector<1024x512xf32>
    %add3A_37 = arith.addf %mul3A_35, %add3A_36 : vector<1024x512xf32>
    %swap3A = arith.constant 0 : index
    %swap3A_38 = arith.constant 0 : index
    %swap3A_39 = vector.load %arg6[%swap3A, %swap3A_38] : memref<1024x512xf32, #tpu.memory_space<vmem>>, vector<1024x512xf32>
    tpu.vector_store %arg6[%swap3A, %swap3A_38], %add3A_37 {strides = array<i32>} : memref<1024x512xf32, #tpu.memory_space<vmem>>, vector<1024x512xf32>,
    return
  }
  func.func @transform_0(%arg0: i32) -> (i32, i32) {
    %c0_i32 = arith.constant 0 : i32
    %c0_i32_0 = arith.constant 0 : i32
    return %arg0, %c0_i32 : i32, i32
  }
  func.func @transform_1(%arg0: i32) -> (i32, i32) {
    %c0_i32 = arith.constant 0 : i32
    %c0_i32_0 = arith.constant 0 : i32
    %c0_i32_1 = arith.constant 0 : i32
    return %c0_i32, %c0_i32_0 : i32, i32
  }
  func.func @transform_2(%arg0: i32) -> (i32, i32) {
    %c0_i32 = arith.constant 0 : i32
    %c0_i32_0 = arith.constant 0 : i32
    %c0_i32_1 = arith.constant 0 : i32
    return %c0_i32, %c0_i32_0 : i32, i32
  }
  func.func @transform_3(%arg0: i32) -> (i32, i32) {
    %c0_i32 = arith.constant 0 : i32
    %c0_i32_0 = arith.constant 0 : i32
    %c0_i32_1 = arith.constant 0 : i32
    return %c0_i32, %c0_i32_0 : i32, i32
  }
  func.func @transform_4(%arg0: i32) -> (i32, i32) {
    %c0_i32 = arith.constant 0 : i32
    %c0_i32_0 = arith.constant 0 : i32
    %c0_i32_1 = arith.constant 0 : i32
    return %c0_i32, %c0_i32_0 : i32, i32
  }
  func.func @transform_5(%arg0: i32) -> (i32, i32) {
    %c0_i32 = arith.constant 0 : i32
    %c0_i32_0 = arith.constant 0 : i32
    return %arg0, %c0_i32 : i32, i32
  }
}

module attributes {stable_mosaic.version = 14 : i64} {
  func.func @_fused_body(%arg0: i32, %arg1: memref<1024x512xf32, #tpu.memory_space<vmem>>, %arg2: memref<1024x32xf32, #tpu.memory_space<vmem>>, %arg3: memref<512x512xf32, #tpu.memory_space<vmem>>, %arg4: memref<16x512xf32, #tpu.memory_space<vmem>>, %arg5: memref<512x512xf32, #tpu.memory_space<vmem>>, %arg6: memref<16x512xf32, #tpu.memory_space<vmem>>, %arg7: memref<1x512xf32, #tpu.memory_space<vmem>>, %arg8: memref<4x1024x128xf32, #tpu.memory_space<vmem>>, %arg9: memref<1024x512xf32, #tpu.memory_space<vmem>>) attributes {dimension_semantics = [#tpu.dimension_semantics<arbitrary>], iteration_bounds = array<i64: 10>, scalar_prefetch = 0 : i64, scratch_operands = 0 : i64, tpu.core_type = #tpu.core_type<tc>, window_params = [{transform_indices = @transform_0, window_bounds = array<i64: 1024, 512>}, {transform_indices = @transform_1, window_bounds = array<i64: 1024, 32>}, {pipeline_mode = #tpu.pipeline_mode<synchronous>, transform_indices = @transform_2, window_bounds = array<i64: 512, 512>}, {pipeline_mode = #tpu.pipeline_mode<synchronous>, transform_indices = @transform_3, window_bounds = array<i64: 16, 512>}, {pipeline_mode = #tpu.pipeline_mode<synchronous>, transform_indices = @transform_4, window_bounds = array<i64: 512, 512>}, {pipeline_mode = #tpu.pipeline_mode<synchronous>, transform_indices = @transform_5, window_bounds = array<i64: 16, 512>}, {pipeline_mode = #tpu.pipeline_mode<synchronous>, transform_indices = @transform_6, window_bounds = array<i64: 1, 512>}, {transform_indices = @transform_7, window_bounds = array<i64: 4, 1024, 128>}, {transform_indices = @transform_8, window_bounds = array<i64: 1024, 512>}]} {
    %get3A = arith.constant 0 : index
    %get3A_0 = arith.constant 16 : index
    %get3A_1 = vector.load %arg2[%get3A, %get3A_0] : memref<1024x32xf32, #tpu.memory_space<vmem>>, vector<1024x1xf32>
    %max3A = arith.constant 1.000000e+00 : f32
    %max3A_2 = vector.broadcast %max3A : f32 to vector<1024x1xf32>
    %max3A_3 = arith.maximumf %get3A_1, %max3A_2 : vector<1024x1xf32>
    %div3A = arith.constant 1.000000e+00 : f32
    %div3A_4 = vector.broadcast %div3A : f32 to vector<1024x1xf32>
    %div3A_5 = arith.divf %div3A_4, %max3A_3 : vector<1024x1xf32>
    %get3A_6 = arith.constant 0 : index
    %get3A_7 = arith.constant 0 : index
    %get3A_8 = vector.load %arg2[%get3A_6, %get3A_7] : memref<1024x32xf32, #tpu.memory_space<vmem>>, vector<1024x16xf32>
    %mul3A = vector.broadcast %div3A_5 : vector<1024x1xf32> to vector<1024x16xf32>
    %mul3A_9 = arith.mulf %get3A_8, %mul3A : vector<1024x16xf32>
    %get3A_10 = arith.constant 0 : index
    %get3A_11 = arith.constant 0 : index
    %get3A_12 = vector.load %arg1[%get3A_10, %get3A_11] : memref<1024x512xf32, #tpu.memory_space<vmem>>, vector<1024x512xf32>
    %get3A_13 = arith.constant 0 : index
    %get3A_14 = arith.constant 0 : index
    %get3A_15 = vector.load %arg3[%get3A_13, %get3A_14] : memref<512x512xf32, #tpu.memory_space<vmem>>, vector<512x512xf32>
    %dot_general3A = arith.constant dense<0.000000e+00> : vector<1024x512xf32>
    %dot_general3A_16 = tpu.matmul %get3A_12, %get3A_15, %dot_general3A {dimension_numbers = #tpu.dot_dimension_numbers<[1], [0], [0], [1], [0, 0, 1, 1], [], []>, transpose_lhs_hint = false} : vector<1024x512xf32>, vector<512x512xf32>, vector<1024x512xf32> -> vector<1024x512xf32>
    %get3A_17 = arith.constant 0 : index
    %get3A_18 = arith.constant 0 : index
    %get3A_19 = vector.load %arg4[%get3A_17, %get3A_18] : memref<16x512xf32, #tpu.memory_space<vmem>>, vector<16x512xf32>
    %dot_general3A_20 = arith.constant dense<0.000000e+00> : vector<1024x512xf32>
    %dot_general3A_21 = tpu.matmul %mul3A_9, %get3A_19, %dot_general3A_20 {dimension_numbers = #tpu.dot_dimension_numbers<[1], [0], [0], [1], [0, 0, 1, 1], [], []>, transpose_lhs_hint = false} : vector<1024x16xf32>, vector<16x512xf32>, vector<1024x512xf32> -> vector<1024x512xf32>
    %add3A = arith.addf %dot_general3A_16, %dot_general3A_21 : vector<1024x512xf32>
    %get3A_22 = arith.constant 0 : index
    %get3A_23 = arith.constant 0 : index
    %get3A_24 = vector.load %arg5[%get3A_22, %get3A_23] : memref<512x512xf32, #tpu.memory_space<vmem>>, vector<512x512xf32>
    %dot_general3A_25 = arith.constant dense<0.000000e+00> : vector<1024x512xf32>
    %dot_general3A_26 = tpu.matmul %get3A_12, %get3A_24, %dot_general3A_25 {dimension_numbers = #tpu.dot_dimension_numbers<[1], [0], [0], [1], [0, 0, 1, 1], [], []>, transpose_lhs_hint = false} : vector<1024x512xf32>, vector<512x512xf32>, vector<1024x512xf32> -> vector<1024x512xf32>
    %get3A_27 = arith.constant 0 : index
    %get3A_28 = arith.constant 0 : index
    %get3A_29 = vector.load %arg6[%get3A_27, %get3A_28] : memref<16x512xf32, #tpu.memory_space<vmem>>, vector<16x512xf32>
    %dot_general3A_30 = arith.constant dense<0.000000e+00> : vector<1024x512xf32>
    %dot_general3A_31 = tpu.matmul %mul3A_9, %get3A_29, %dot_general3A_30 {dimension_numbers = #tpu.dot_dimension_numbers<[1], [0], [0], [1], [0, 0, 1, 1], [], []>, transpose_lhs_hint = false} : vector<1024x16xf32>, vector<16x512xf32>, vector<1024x512xf32> -> vector<1024x512xf32>
    %add3A_32 = arith.addf %dot_general3A_26, %dot_general3A_31 : vector<1024x512xf32>
    %get3A_33 = arith.constant 0 : index
    %get3A_34 = arith.constant 0 : index
    %get3A_35 = vector.load %arg7[%get3A_33, %get3A_34] : memref<1x512xf32, #tpu.memory_space<vmem>>, vector<1x512xf32>
    %add3A_36 = vector.broadcast %get3A_35 : vector<1x512xf32> to vector<1024x512xf32>
    %add3A_37 = arith.addf %add3A_32, %add3A_36 : vector<1024x512xf32>
    %slice3A = vector.extract_strided_slice %add3A {offsets = [0, 0], sizes = [1024, 128], strides = [1, 1]} : vector<1024x512xf32> to vector<1024x128xf32>
    %swap3A = arith.constant 0 : index
    %swap3A_38 = arith.constant 0 : index
    %swap3A_39 = arith.constant 0 : index
    %swap3A_40 = vector.load %arg8[%swap3A, %swap3A_38, %swap3A_39] : memref<4x1024x128xf32, #tpu.memory_space<vmem>>, vector<1x1024x128xf32>
    %swap3A_41 = vector.shape_cast %swap3A_40 : vector<1x1024x128xf32> to vector<1024x128xf32>
    %swap3A_42 = vector.shape_cast %slice3A : vector<1024x128xf32> to vector<1x1024x128xf32>
    tpu.vector_store %arg8[%swap3A, %swap3A_38, %swap3A_39], %swap3A_42 {strides = array<i32>} : memref<4x1024x128xf32, #tpu.memory_space<vmem>>, vector<1x1024x128xf32>,
    %slice3A_43 = vector.extract_strided_slice %add3A {offsets = [0, 128], sizes = [1024, 128], strides = [1, 1]} : vector<1024x512xf32> to vector<1024x128xf32>
    %swap3A_44 = arith.constant 1 : index
    %swap3A_45 = arith.constant 0 : index
    %swap3A_46 = arith.constant 0 : index
    %swap3A_47 = vector.load %arg8[%swap3A_44, %swap3A_45, %swap3A_46] : memref<4x1024x128xf32, #tpu.memory_space<vmem>>, vector<1x1024x128xf32>
    %swap3A_48 = vector.shape_cast %swap3A_47 : vector<1x1024x128xf32> to vector<1024x128xf32>
    %swap3A_49 = vector.shape_cast %slice3A_43 : vector<1024x128xf32> to vector<1x1024x128xf32>
    tpu.vector_store %arg8[%swap3A_44, %swap3A_45, %swap3A_46], %swap3A_49 {strides = array<i32>} : memref<4x1024x128xf32, #tpu.memory_space<vmem>>, vector<1x1024x128xf32>,
    %slice3A_50 = vector.extract_strided_slice %add3A {offsets = [0, 256], sizes = [1024, 128], strides = [1, 1]} : vector<1024x512xf32> to vector<1024x128xf32>
    %swap3A_51 = arith.constant 2 : index
    %swap3A_52 = arith.constant 0 : index
    %swap3A_53 = arith.constant 0 : index
    %swap3A_54 = vector.load %arg8[%swap3A_51, %swap3A_52, %swap3A_53] : memref<4x1024x128xf32, #tpu.memory_space<vmem>>, vector<1x1024x128xf32>
    %swap3A_55 = vector.shape_cast %swap3A_54 : vector<1x1024x128xf32> to vector<1024x128xf32>
    %swap3A_56 = vector.shape_cast %slice3A_50 : vector<1024x128xf32> to vector<1x1024x128xf32>
    tpu.vector_store %arg8[%swap3A_51, %swap3A_52, %swap3A_53], %swap3A_56 {strides = array<i32>} : memref<4x1024x128xf32, #tpu.memory_space<vmem>>, vector<1x1024x128xf32>,
    %slice3A_57 = vector.extract_strided_slice %add3A {offsets = [0, 384], sizes = [1024, 128], strides = [1, 1]} : vector<1024x512xf32> to vector<1024x128xf32>
    %swap3A_58 = arith.constant 3 : index
    %swap3A_59 = arith.constant 0 : index
    %swap3A_60 = arith.constant 0 : index
    %swap3A_61 = vector.load %arg8[%swap3A_58, %swap3A_59, %swap3A_60] : memref<4x1024x128xf32, #tpu.memory_space<vmem>>, vector<1x1024x128xf32>
    %swap3A_62 = vector.shape_cast %swap3A_61 : vector<1x1024x128xf32> to vector<1024x128xf32>
    %swap3A_63 = vector.shape_cast %slice3A_57 : vector<1024x128xf32> to vector<1x1024x128xf32>
    tpu.vector_store %arg8[%swap3A_58, %swap3A_59, %swap3A_60], %swap3A_63 {strides = array<i32>} : memref<4x1024x128xf32, #tpu.memory_space<vmem>>, vector<1x1024x128xf32>,
    %swap3A_64 = arith.constant 0 : index
    %swap3A_65 = arith.constant 0 : index
    %swap3A_66 = vector.load %arg9[%swap3A_64, %swap3A_65] : memref<1024x512xf32, #tpu.memory_space<vmem>>, vector<1024x512xf32>
    tpu.vector_store %arg9[%swap3A_64, %swap3A_65], %add3A_37 {strides = array<i32>} : memref<1024x512xf32, #tpu.memory_space<vmem>>, vector<1024x512xf32>,
    return
  }
  func.func @transform_0(%arg0: i32) -> (i32, i32) {
    %c0_i32 = arith.constant 0 : i32
    %c0_i32_0 = arith.constant 0 : i32
    return %arg0, %c0_i32 : i32, i32
  }
  func.func @transform_1(%arg0: i32) -> (i32, i32) {
    %c0_i32 = arith.constant 0 : i32
    %c0_i32_0 = arith.constant 0 : i32
    return %arg0, %c0_i32 : i32, i32
  }
  func.func @transform_2(%arg0: i32) -> (i32, i32) {
    %c0_i32 = arith.constant 0 : i32
    %c0_i32_0 = arith.constant 0 : i32
    %c0_i32_1 = arith.constant 0 : i32
    return %c0_i32, %c0_i32_0 : i32, i32
  }
  func.func @transform_3(%arg0: i32) -> (i32, i32) {
    %c0_i32 = arith.constant 0 : i32
    %c0_i32_0 = arith.constant 0 : i32
    %c0_i32_1 = arith.constant 0 : i32
    return %c0_i32, %c0_i32_0 : i32, i32
  }
  func.func @transform_4(%arg0: i32) -> (i32, i32) {
    %c0_i32 = arith.constant 0 : i32
    %c0_i32_0 = arith.constant 0 : i32
    %c0_i32_1 = arith.constant 0 : i32
    return %c0_i32, %c0_i32_0 : i32, i32
  }
  func.func @transform_5(%arg0: i32) -> (i32, i32) {
    %c0_i32 = arith.constant 0 : i32
    %c0_i32_0 = arith.constant 0 : i32
    %c0_i32_1 = arith.constant 0 : i32
    return %c0_i32, %c0_i32_0 : i32, i32
  }
  func.func @transform_6(%arg0: i32) -> (i32, i32) {
    %c0_i32 = arith.constant 0 : i32
    %c0_i32_0 = arith.constant 0 : i32
    %c0_i32_1 = arith.constant 0 : i32
    return %c0_i32, %c0_i32_0 : i32, i32
  }
  func.func @transform_7(%arg0: i32) -> (i32, i32, i32) {
    %c0_i32 = arith.constant 0 : i32
    %c0_i32_0 = arith.constant 0 : i32
    %c0_i32_1 = arith.constant 0 : i32
    return %c0_i32, %arg0, %c0_i32_0 : i32, i32, i32
  }
  func.func @transform_8(%arg0: i32) -> (i32, i32) {
    %c0_i32 = arith.constant 0 : i32
    %c0_i32_0 = arith.constant 0 : i32
    return %arg0, %c0_i32 : i32, i32
  }
}

module attributes {stable_mosaic.version = 14 : i64} {
  func.func @_comb_body(%arg0: i32, %arg1: memref<1024x512xf32, #tpu.memory_space<vmem>>, %arg2: memref<1024x512xf32, #tpu.memory_space<vmem>>, %arg3: memref<4x1024x128xf32, #tpu.memory_space<vmem>>, %arg4: memref<1024x32xf32, #tpu.memory_space<vmem>>, %arg5: memref<1x512xf32, #tpu.memory_space<vmem>>, %arg6: memref<1x512xf32, #tpu.memory_space<vmem>>, %arg7: memref<1024x512xf32, #tpu.memory_space<vmem>>) attributes {dimension_semantics = [#tpu.dimension_semantics<arbitrary>], iteration_bounds = array<i64: 10>, scalar_prefetch = 0 : i64, scratch_operands = 0 : i64, tpu.core_type = #tpu.core_type<tc>, window_params = [{transform_indices = @transform_0, window_bounds = array<i64: 1024, 512>}, {transform_indices = @transform_1, window_bounds = array<i64: 1024, 512>}, {transform_indices = @transform_2, window_bounds = array<i64: 4, 1024, 128>}, {transform_indices = @transform_3, window_bounds = array<i64: 1024, 32>}, {pipeline_mode = #tpu.pipeline_mode<synchronous>, transform_indices = @transform_4, window_bounds = array<i64: 1, 512>}, {pipeline_mode = #tpu.pipeline_mode<synchronous>, transform_indices = @transform_5, window_bounds = array<i64: 1, 512>}, {transform_indices = @transform_6, window_bounds = array<i64: 1024, 512>}]} {
    %get3A = arith.constant 0 : index
    %get3A_0 = arith.constant 0 : index
    %get3A_1 = arith.constant 0 : index
    %get3A_2 = vector.load %arg3[%get3A, %get3A_0, %get3A_1] : memref<4x1024x128xf32, #tpu.memory_space<vmem>>, vector<1x1024x128xf32>
    %get3A_3 = vector.shape_cast %get3A_2 : vector<1x1024x128xf32> to vector<1024x128xf32>
    %get3A_4 = arith.constant 1 : index
    %get3A_5 = arith.constant 0 : index
    %get3A_6 = arith.constant 0 : index
    %get3A_7 = vector.load %arg3[%get3A_4, %get3A_5, %get3A_6] : memref<4x1024x128xf32, #tpu.memory_space<vmem>>, vector<1x1024x128xf32>
    %get3A_8 = vector.shape_cast %get3A_7 : vector<1x1024x128xf32> to vector<1024x128xf32>
    %get3A_9 = arith.constant 2 : index
    %get3A_10 = arith.constant 0 : index
    %get3A_11 = arith.constant 0 : index
    %get3A_12 = vector.load %arg3[%get3A_9, %get3A_10, %get3A_11] : memref<4x1024x128xf32, #tpu.memory_space<vmem>>, vector<1x1024x128xf32>
    %get3A_13 = vector.shape_cast %get3A_12 : vector<1x1024x128xf32> to vector<1024x128xf32>
    %get3A_14 = arith.constant 3 : index
    %get3A_15 = arith.constant 0 : index
    %get3A_16 = arith.constant 0 : index
    %get3A_17 = vector.load %arg3[%get3A_14, %get3A_15, %get3A_16] : memref<4x1024x128xf32, #tpu.memory_space<vmem>>, vector<1x1024x128xf32>
    %get3A_18 = vector.shape_cast %get3A_17 : vector<1x1024x128xf32> to vector<1024x128xf32>
    %concatenate3A = tpu.concatenate %get3A_3, %get3A_8, %get3A_13, %get3A_18 in 1 : vector<1024x128xf32>, vector<1024x128xf32>, vector<1024x128xf32>, vector<1024x128xf32> -> vector<1024x512xf32>
    %get3A_19 = arith.constant 0 : index
    %get3A_20 = arith.constant 16 : index
    %get3A_21 = vector.load %arg4[%get3A_19, %get3A_20] : memref<1024x32xf32, #tpu.memory_space<vmem>>, vector<1024x1xf32>
    %max3A = arith.constant 1.000000e+00 : f32
    %max3A_22 = vector.broadcast %max3A : f32 to vector<1024x1xf32>
    %max3A_23 = arith.maximumf %get3A_21, %max3A_22 : vector<1024x1xf32>
    %div3A = arith.constant 1.000000e+00 : f32
    %div3A_24 = vector.broadcast %div3A : f32 to vector<1024x1xf32>
    %div3A_25 = arith.divf %div3A_24, %max3A_23 : vector<1024x1xf32>
    %get3A_26 = arith.constant 0 : index
    %get3A_27 = arith.constant 0 : index
    %get3A_28 = vector.load %arg1[%get3A_26, %get3A_27] : memref<1024x512xf32, #tpu.memory_space<vmem>>, vector<1024x512xf32>
    %mul3A = vector.broadcast %div3A_25 : vector<1024x1xf32> to vector<1024x512xf32>
    %mul3A_29 = arith.mulf %concatenate3A, %mul3A : vector<1024x512xf32>
    %add3A = arith.addf %get3A_28, %mul3A_29 : vector<1024x512xf32>
    %get3A_30 = arith.constant 0 : index
    %get3A_31 = arith.constant 0 : index
    %get3A_32 = vector.load %arg2[%get3A_30, %get3A_31] : memref<1024x512xf32, #tpu.memory_space<vmem>>, vector<1024x512xf32>
    %add3A_33 = arith.addf %add3A, %get3A_32 : vector<1024x512xf32>
    %get3A_34 = arith.constant 0 : index
    %get3A_35 = arith.constant 0 : index
    %get3A_36 = vector.load %arg5[%get3A_34, %get3A_35] : memref<1x512xf32, #tpu.memory_space<vmem>>, vector<1x512xf32>
    %get3A_37 = arith.constant 0 : index
    %get3A_38 = arith.constant 0 : index
    %get3A_39 = vector.load %arg6[%get3A_37, %get3A_38] : memref<1x512xf32, #tpu.memory_space<vmem>>, vector<1x512xf32>
    %reduce_sum3A = arith.constant dense<0.000000e+00> : vector<1024xf32>
    %reduce_sum3A_40 = vector.multi_reduction <add>, %add3A_33, %reduce_sum3A [1] : vector<1024x512xf32> to vector<1024xf32>
    %broadcast_in_dim3A = vector.shape_cast %reduce_sum3A_40 : vector<1024xf32> to vector<1024x1xf32>
    %div3A_41 = arith.constant 5.120000e+02 : f32
    %div3A_42 = vector.broadcast %div3A_41 : f32 to vector<1024x1xf32>
    %div3A_43 = arith.divf %broadcast_in_dim3A, %div3A_42 : vector<1024x1xf32>
    %sub3A = vector.broadcast %div3A_43 : vector<1024x1xf32> to vector<1024x512xf32>
    %sub3A_44 = arith.subf %add3A_33, %sub3A : vector<1024x512xf32>
    %integer_pow3A = arith.mulf %sub3A_44, %sub3A_44 : vector<1024x512xf32>
    %reduce_sum3A_45 = arith.constant dense<0.000000e+00> : vector<1024xf32>
    %reduce_sum3A_46 = vector.multi_reduction <add>, %integer_pow3A, %reduce_sum3A_45 [1] : vector<1024x512xf32> to vector<1024xf32>
    %broadcast_in_dim3A_47 = vector.shape_cast %reduce_sum3A_46 : vector<1024xf32> to vector<1024x1xf32>
    %div3A_48 = arith.constant 5.120000e+02 : f32
    %div3A_49 = vector.broadcast %div3A_48 : f32 to vector<1024x1xf32>
    %div3A_50 = arith.divf %broadcast_in_dim3A_47, %div3A_49 : vector<1024x1xf32>
    %sub3A_51 = vector.broadcast %div3A_43 : vector<1024x1xf32> to vector<1024x512xf32>
    %sub3A_52 = arith.subf %add3A_33, %sub3A_51 : vector<1024x512xf32>
    %add3A_53 = arith.constant 9.99999974E-6 : f32
    %add3A_54 = vector.broadcast %add3A_53 : f32 to vector<1024x1xf32>
    %add3A_55 = arith.addf %div3A_50, %add3A_54 : vector<1024x1xf32>
    %rsqrt3A = math.rsqrt %add3A_55 : vector<1024x1xf32>
    %mul3A_56 = vector.broadcast %rsqrt3A : vector<1024x1xf32> to vector<1024x512xf32>
    %mul3A_57 = arith.mulf %sub3A_52, %mul3A_56 : vector<1024x512xf32>
    %mul3A_58 = vector.broadcast %get3A_36 : vector<1x512xf32> to vector<1024x512xf32>
    %mul3A_59 = arith.mulf %mul3A_57, %mul3A_58 : vector<1024x512xf32>
    %add3A_60 = vector.broadcast %get3A_39 : vector<1x512xf32> to vector<1024x512xf32>
    %add3A_61 = arith.addf %mul3A_59, %add3A_60 : vector<1024x512xf32>
    %max3A_62 = arith.constant 0.000000e+00 : f32
    %max3A_63 = vector.broadcast %max3A_62 : f32 to vector<1024x512xf32>
    %max3A_64 = arith.maximumf %add3A_61, %max3A_63 : vector<1024x512xf32>
    %swap3A = arith.constant 0 : index
    %swap3A_65 = arith.constant 0 : index
    %swap3A_66 = vector.load %arg7[%swap3A, %swap3A_65] : memref<1024x512xf32, #tpu.memory_space<vmem>>, vector<1024x512xf32>
    tpu.vector_store %arg7[%swap3A, %swap3A_65], %max3A_64 {strides = array<i32>} : memref<1024x512xf32, #tpu.memory_space<vmem>>, vector<1024x512xf32>,
    return
  }
  func.func @transform_0(%arg0: i32) -> (i32, i32) {
    %c0_i32 = arith.constant 0 : i32
    %c0_i32_0 = arith.constant 0 : i32
    return %arg0, %c0_i32 : i32, i32
  }
  func.func @transform_1(%arg0: i32) -> (i32, i32) {
    %c0_i32 = arith.constant 0 : i32
    %c0_i32_0 = arith.constant 0 : i32
    return %arg0, %c0_i32 : i32, i32
  }
  func.func @transform_2(%arg0: i32) -> (i32, i32, i32) {
    %c0_i32 = arith.constant 0 : i32
    %c0_i32_0 = arith.constant 0 : i32
    %c0_i32_1 = arith.constant 0 : i32
    return %c0_i32, %arg0, %c0_i32_0 : i32, i32, i32
  }
  func.func @transform_3(%arg0: i32) -> (i32, i32) {
    %c0_i32 = arith.constant 0 : i32
    %c0_i32_0 = arith.constant 0 : i32
    return %arg0, %c0_i32 : i32, i32
  }
  func.func @transform_4(%arg0: i32) -> (i32, i32) {
    %c0_i32 = arith.constant 0 : i32
    %c0_i32_0 = arith.constant 0 : i32
    %c0_i32_1 = arith.constant 0 : i32
    return %c0_i32, %c0_i32_0 : i32, i32
  }
  func.func @transform_5(%arg0: i32) -> (i32, i32) {
    %c0_i32 = arith.constant 0 : i32
    %c0_i32_0 = arith.constant 0 : i32
    %c0_i32_1 = arith.constant 0 : i32
    return %c0_i32, %c0_i32_0 : i32, i32
  }
  func.func @transform_6(%arg0: i32) -> (i32, i32) {
    %c0_i32 = arith.constant 0 : i32
    %c0_i32_0 = arith.constant 0 : i32
    return %arg0, %c0_i32 : i32, i32
  }
}

module attributes {stable_mosaic.version = 14 : i64} {
  func.func @_read_body(%arg0: i32, %arg1: memref<1024x512xf32, #tpu.memory_space<vmem>>, %arg2: memref<512x256xf32, #tpu.memory_space<vmem>>, %arg3: memref<1x256xf32, #tpu.memory_space<vmem>>, %arg4: memref<256x128xf32, #tpu.memory_space<vmem>>, %arg5: memref<1x128xf32, #tpu.memory_space<vmem>>, %arg6: memref<1024x128xf32, #tpu.memory_space<vmem>>) attributes {dimension_semantics = [#tpu.dimension_semantics<arbitrary>], iteration_bounds = array<i64: 10>, scalar_prefetch = 0 : i64, scratch_operands = 0 : i64, tpu.core_type = #tpu.core_type<tc>, window_params = [{transform_indices = @transform_0, window_bounds = array<i64: 1024, 512>}, {pipeline_mode = #tpu.pipeline_mode<synchronous>, transform_indices = @transform_1, window_bounds = array<i64: 512, 256>}, {pipeline_mode = #tpu.pipeline_mode<synchronous>, transform_indices = @transform_2, window_bounds = array<i64: 1, 256>}, {pipeline_mode = #tpu.pipeline_mode<synchronous>, transform_indices = @transform_3, window_bounds = array<i64: 256, 128>}, {pipeline_mode = #tpu.pipeline_mode<synchronous>, transform_indices = @transform_4, window_bounds = array<i64: 1, 128>}, {transform_indices = @transform_5, window_bounds = array<i64: 1024, 128>}]} {
    %get3A = arith.constant 0 : index
    %get3A_0 = arith.constant 0 : index
    %get3A_1 = vector.load %arg1[%get3A, %get3A_0] : memref<1024x512xf32, #tpu.memory_space<vmem>>, vector<1024x512xf32>
    %get3A_2 = arith.constant 0 : index
    %get3A_3 = arith.constant 0 : index
    %get3A_4 = vector.load %arg2[%get3A_2, %get3A_3] : memref<512x256xf32, #tpu.memory_space<vmem>>, vector<512x256xf32>
    %dot_general3A = arith.constant dense<0.000000e+00> : vector<1024x256xf32>
    %dot_general3A_5 = tpu.matmul %get3A_1, %get3A_4, %dot_general3A {dimension_numbers = #tpu.dot_dimension_numbers<[1], [0], [0], [1], [0, 0, 1, 1], [], []>, transpose_lhs_hint = false} : vector<1024x512xf32>, vector<512x256xf32>, vector<1024x256xf32> -> vector<1024x256xf32>
    %get3A_6 = arith.constant 0 : index
    %get3A_7 = arith.constant 0 : index
    %get3A_8 = vector.load %arg3[%get3A_6, %get3A_7] : memref<1x256xf32, #tpu.memory_space<vmem>>, vector<1x256xf32>
    %add3A = vector.broadcast %get3A_8 : vector<1x256xf32> to vector<1024x256xf32>
    %add3A_9 = arith.addf %dot_general3A_5, %add3A : vector<1024x256xf32>
    %max3A = arith.constant 0.000000e+00 : f32
    %max3A_10 = vector.broadcast %max3A : f32 to vector<1024x256xf32>
    %max3A_11 = arith.maximumf %add3A_9, %max3A_10 : vector<1024x256xf32>
    %get3A_12 = arith.constant 0 : index
    %get3A_13 = arith.constant 0 : index
    %get3A_14 = vector.load %arg4[%get3A_12, %get3A_13] : memref<256x128xf32, #tpu.memory_space<vmem>>, vector<256x128xf32>
    %dot_general3A_15 = arith.constant dense<0.000000e+00> : vector<1024x128xf32>
    %dot_general3A_16 = tpu.matmul %max3A_11, %get3A_14, %dot_general3A_15 {dimension_numbers = #tpu.dot_dimension_numbers<[1], [0], [0], [1], [0, 0, 1, 1], [], []>, transpose_lhs_hint = false} : vector<1024x256xf32>, vector<256x128xf32>, vector<1024x128xf32> -> vector<1024x128xf32>
    %get3A_17 = arith.constant 0 : index
    %get3A_18 = arith.constant 0 : index
    %get3A_19 = vector.load %arg5[%get3A_17, %get3A_18] : memref<1x128xf32, #tpu.memory_space<vmem>>, vector<1x128xf32>
    %add3A_20 = vector.broadcast %get3A_19 : vector<1x128xf32> to vector<1024x128xf32>
    %add3A_21 = arith.addf %dot_general3A_16, %add3A_20 : vector<1024x128xf32>
    %swap3A = arith.constant 0 : index
    %swap3A_22 = arith.constant 0 : index
    %swap3A_23 = vector.load %arg6[%swap3A, %swap3A_22] : memref<1024x128xf32, #tpu.memory_space<vmem>>, vector<1024x128xf32>
    tpu.vector_store %arg6[%swap3A, %swap3A_22], %add3A_21 {strides = array<i32>} : memref<1024x128xf32, #tpu.memory_space<vmem>>, vector<1024x128xf32>,
    return
  }
  func.func @transform_0(%arg0: i32) -> (i32, i32) {
    %c0_i32 = arith.constant 0 : i32
    %c0_i32_0 = arith.constant 0 : i32
    return %arg0, %c0_i32 : i32, i32
  }
  func.func @transform_1(%arg0: i32) -> (i32, i32) {
    %c0_i32 = arith.constant 0 : i32
    %c0_i32_0 = arith.constant 0 : i32
    %c0_i32_1 = arith.constant 0 : i32
    return %c0_i32, %c0_i32_0 : i32, i32
  }
  func.func @transform_2(%arg0: i32) -> (i32, i32) {
    %c0_i32 = arith.constant 0 : i32
    %c0_i32_0 = arith.constant 0 : i32
    %c0_i32_1 = arith.constant 0 : i32
    return %c0_i32, %c0_i32_0 : i32, i32
  }
  func.func @transform_3(%arg0: i32) -> (i32, i32) {
    %c0_i32 = arith.constant 0 : i32
    %c0_i32_0 = arith.constant 0 : i32
    %c0_i32_1 = arith.constant 0 : i32
    return %c0_i32, %c0_i32_0 : i32, i32
  }
  func.func @transform_4(%arg0: i32) -> (i32, i32) {
    %c0_i32 = arith.constant 0 : i32
    %c0_i32_0 = arith.constant 0 : i32
    %c0_i32_1 = arith.constant 0 : i32
    return %c0_i32, %c0_i32_0 : i32, i32
  }
  func.func @transform_5(%arg0: i32) -> (i32, i32) {
    %c0_i32 = arith.constant 0 : i32
    %c0_i32_0 = arith.constant 0 : i32
    return %arg0, %c0_i32 : i32, i32
  }
}

</mosaic_0001>

<sc_bundles>
// kernel: kernel.17.cloned.1.call-start
scs
__scs_entry_jumppad:
0x0: {  	(pc) =	sbr.rel $0x88, $3  }
0x1: {  	(tag) =	ssettag $0x0;
	lr =	simm.s32 $0x1  }
0x2: {  	[smem:$0x3F91] =	sst lr;
	_ =	strace $0xD0000000  }
0x3: {  	_ = 	snop  }
0x4: {  	_ = 	snop  }
0x5: {  	_ = 	snop  }
0x6: {  	_ = 	snop  }
0x7: {  	_ = 	snop  }
__scs_overlays_trampoline_lowered:
0x8: {  	[smem:$0x3FA0] =	sst s0  }
0x9: {  	[smem:$0x3FA1] =	sst s1  }
0xa: {  	[smem:$0x3FA2] =	sst s2  }
0xb: {  	[smem:$0x3FA3] =	sst s3  }
0xc: {  	[smem:$0x3FA4] =	sst s4  }
0xd: {  	[smem:$0x3FA5] =	sst s5  }
0xe: {  	[smem:$0x3FA6] =	sst s6  }
0xf: {  	[smem:$0x3FA7] =	sst s7  }
0x10: {  	[smem:$0x3FA8] =	sst s8  }
0x11: {  	[smem:$0x3FA9] =	sst s9;
	s0 =	simm.s32 @!p0 $0x0  }
0x12: {  	s1 =	sld [smem:$0x3F8F];
	s0 =	simm.s32 @p0 $0x1  }
0x13: {  	[smem:$0x3FAA] =	sst s0;
	s0 =	simm.s32 @!p1 $0x0  }
0x14: {  	s2 =	sld [smem:$0x3F8E];
	s0 =	simm.s32 @p1 $0x1  }
0x15: {  	[smem:$0x3FAB] =	sst s0;
	s0 =	simm.s32 @!p2 $0x0  }
0x16: {  	s3 =	sld [smem:$0x3FDB];
	s0 =	simm.s32 @p2 $0x1  }
0x17: {  	s4 =	simm.s32 $0x1BF5;
	[smem:$0x3FAD] =	sst s0  }
0x18: {  	s0 =	sld [smem:$0x3F90];
	_ =	swait.ge [sflag:s4], $0x0  }
0x19: {  	s7 =	sld [smem:$0x3F91]  }
0x1a: {  	s8 =	sadd.s32 $0xFFFFE003, lr  }
0x1b: {  	s9 =	sadd.s32 $0xFFFFFEF7, lr;
	s5 =	simm.s32 $0xFFFFFFFF;
	p2 =	slt.u32 s8, $0xFFFFF086  }
0x1c: {  	p1 =	slt.u32 s9, $0xF7A;
	s5 =	simm.s32 @!p2 $0x0  }
0x1d: {  	s5 =	simm.s32 @p1 $0x1;
	p0 =	seq.s32 s7, s2  }
0x1e: {  	s7 =	smul.u32 @!p0 $0xF7A, s2;
	p2 =	seq.s32 @!p0 s5, $0x0  }
0x1f: {  	s9 =	smul.u32 $0xF7A, s1;
	s8 =	simm.s32 @!p0 $0x1BF5;
	p2 =	por !p2, p0  }
0x20: {  	[sflag:s8] =	ssyncset.s32 @!p0 $0xFFFFF086;
	s6 =	sadd.s32 @!p0 s3, s7;
	s7 =	simm.s32 @!p0 $0x108  }
0x21: {  	s3 =	sadd.s32 s3, s9;
	s6 =	sadd.s32 @!p0 $0x88, s6;
	s7 =	simm.s32 @p2 $0x1082  }
0x22: {  	[simem:s7], [sflag:s8] =	dma.local @!p0 [hbm:s6], $0xF7A  }
0x23: {  	s9 =	sor.u32 $0xD0000000, s2;
	s6 =	simm.s32 $0x108;
	_ =	swait.ge @!p0 [sflag:s8], $0x0  }
0x24: {  	s3 =	sadd.s32 $0x88, s3;
	s6 =	simm.s32 @!p1 $0x1082;
	[sflag:s4] =	ssyncset.s32 $0xFFFFF086  }
0x25: {  	[simem:s6], [sflag:s4] =	dma.local [hbm:s3], $0xF7A  }
0x26: {  	[smem:$0x3F91] =	sst s1;
	(tag) =	ssettag s2;
	_ =	strace s9  }
0x27: {  	s1 =	sld [smem:$0x3FA1]  }
0x28: {  	s2 =	sld [smem:$0x3FA2]  }
0x29: {  	s4 =	sld [smem:$0x3FA4]  }
0x2a: {  	p0 =	seq.s32 s5, $0x0;
	s5 =	sld [smem:$0x3FA5]  }
0x2b: {  	s6 =	sld [smem:$0x3FA6]  }
0x2c: {  	s7 =	sld [smem:$0x3FA7]  }
0x2d: {  	s3 =	simm.s32 $0x108;
	s8 =	sld [smem:$0x3FA8]  }
0x2e: {  	s3 =	simm.s32 @!p0 $0x1082;
	s9 =	sld [smem:$0x3FA9]  }
0x2f: {  	lr =	sadd.s32 s0, s3;
	s0 =	sld [smem:$0x3FA0]  }
0x30: {  	s3 =	sld [smem:$0x3FA3]  }
0x31: {  	[smem:$0x3FAC] =	sst s10  }
0x32: {  	s10 =	sld [smem:$0x3FAA];
	_ =	sdelay $0x3  }
0x33: {  	p0 =	seq.s32 s10, $0x1;
	s10 =	sld [smem:$0x3FAC];
	_ =	sdelay $0x3  }
0x34: {  	[smem:$0x3FAC] =	sst s10  }
0x35: {  	s10 =	sld [smem:$0x3FAB];
	_ =	sdelay $0x3  }
0x36: {  	p1 =	seq.s32 s10, $0x1;
	s10 =	sld [smem:$0x3FAC];
	_ =	sdelay $0x3  }
0x37: {  	[smem:$0x3FAC] =	sst s10  }
0x38: {  	s10 =	sld [smem:$0x3FAD]  }
0x39: {  	_ = 	snop;
	(pc) =	sbr.ind lr, $3  }
0x3a: {  	_ = 	snop  }
0x3b: {  	_ = 	snop  }
0x3c: {  	p2 =	seq.s32 s10, $0x1;
	s10 =	sld [smem:$0x3FAC]  }
0x3d: {  	_ =	shalt  }
0x3e: {  	_ =	shalt  }
0x3f: {  	_ =	shalt  }
0x40: {  	_ =	shalt  }
0x41: {  	_ =	shalt  }
0x42: {  	_ =	shalt  }
0x43: {  	_ =	shalt  }
0x44: {  	_ =	shalt  }
0x45: {  	_ =	shalt  }
0x46: {  	_ =	shalt  }
0x47: {  	_ =	shalt  }
0x48: {  	_ =	shalt  }
0x49: {  	_ =	shalt  }
0x4a: {  	_ =	shalt  }
0x4b: {  	_ =	shalt  }
0x4c: {  	_ =	shalt  }
0x4d: {  	_ =	shalt  }
0x4e: {  	_ =	shalt  }
0x4f: {  	_ =	shalt  }
0x50: {  	_ =	shalt  }
0x51: {  	_ =	shalt  }
0x52: {  	_ =	shalt  }
0x53: {  	_ =	shalt  }
0x54: {  	_ =	shalt  }
0x55: {  	_ =	shalt  }
0x56: {  	_ =	shalt  }
0x57: {  	_ =	shalt  }
0x58: {  	_ =	shalt  }
0x59: {  	_ =	shalt  }
0x5a: {  	_ =	shalt  }
0x5b: {  	_ =	shalt  }
0x5c: {  	_ =	shalt  }
0x5d: {  	_ =	shalt  }
0x5e: {  	_ =	shalt  }
0x5f: {  	_ =	shalt  }
0x60: {  	_ =	shalt  }
0x61: {  	_ =	shalt  }
0x62: {  	_ =	shalt  }
0x63: {  	_ =	shalt  }
0x64: {  	_ =	shalt  }
0x65: {  	_ =	shalt  }
0x66: {  	_ =	shalt  }
0x67: {  	_ =	shalt  }
0x68: {  	_ =	shalt  }
0x69: {  	_ =	shalt  }
0x6a: {  	_ =	shalt  }
0x6b: {  	_ =	shalt  }
0x6c: {  	_ =	shalt  }
0x6d: {  	_ =	shalt  }
0x6e: {  	_ =	shalt  }
0x6f: {  	_ =	shalt  }
0x70: {  	_ =	shalt  }
0x71: {  	_ =	shalt  }
0x72: {  	_ =	shalt  }
0x73: {  	_ =	shalt  }
0x74: {  	_ =	shalt  }
0x75: {  	_ =	shalt  }
0x76: {  	_ =	shalt  }
0x77: {  	_ =	shalt  }
0x78: {  	_ =	shalt  }
0x79: {  	_ =	shalt  }
0x7a: {  	_ =	shalt  }
0x7b: {  	_ =	shalt  }
0x7c: {  	_ =	shalt  }
0x7d: {  	_ =	shalt  }
0x7e: {  	_ =	shalt  }
0x7f: {  	_ =	shalt  }
0x80: {  	_ =	shalt  }
0x81: {  	_ =	shalt  }
0x82: {  	_ =	shalt  }
0x83: {  	_ =	shalt  }
0x84: {  	_ =	shalt  }
0x85: {  	_ =	shalt  }
0x86: {  	_ =	shalt  }
0x87: {  	_ =	shalt  }
.Lfunc_end0:
.L_simem_size_0:
called_computation_lowered:
.L_overlay_start_0:
0x88: {  	s2 =	sld [smem:$0x3FD9]  }
0x89: {  	s3 =	sld [smem:$0x3FFE];
	_ =	sdelay $0x1  }
0x8a: {  	s1 =	srdreg.scid  }
0x8b: {  	s0 =	sand.u32 $0x1, s1  }
0x8c: {  	s16 =	sshll.u32 s0, $0xA;
	s2 =	sadd.s32 s3, s2  }
0x8d: {  	s2 =	sadd.s32 s2, s16  }
0x8e: {  	[smem:$0x3FB8] =	sst s2  }
0x8f: {  	_ = 	snop  }
0x90: {  	(tm) =	ssettm $0x1  }
0x91: {  	s17 =	sld [smem:$0x3FFB];
	_ =	sdelay $0x3  }
0x92: {  	_ =	strace s17  }
0x93: {  	s2 =	sld [smem:$0x3FFC];
	_ =	sdelay $0x3  }
0x94: {  	_ =	strace s2  }
0x95: {  	s2 =	sld [smem:$0x3FFD];
	_ =	sdelay $0x3  }
0x96: {  	_ =	strace s2  }
0x97: {  	_ =	strace $0x8FFFFFFF  }
0x98: {  	s18 =	sld [smem:$0x3FDB];
	_ =	sdelay $0x1  }
0x99: {  	s19 =	simm.s32 $_scs_section_size  }
0x9a: {  	s4 =	simm.s32 $_size__tile_overlayer_lowered;
	s5 =	simm.s32 $_tile_overlayer_lowered  }
0x9b: {  	s22 =	simm.s32 $0x1BFF;
	s21 =	sshll.u32 s5, $0x1;
	s2 =	sadd.s32 s19, s18  }
0x9c: {  	s6 =	simm.s32 $0x0;
	s20 =	sshll.u32 s4, $0x1;
	s4 =	sadd.s32 s21, s2  }
0x9d: {  	[timem:s6], [sflag:s22] =	dma.local [hbm:s4], s20  }
0x9e: {  	_ =	swait.ge [sflag:s22], s20  }
0x9f: {  	s3 =	ssub.s32 $0x0, s20;
	[sflag:s22] =	ssyncset.done $0x0  }
0xa0: {  	[sflag:s22] =	ssyncadd.s32 s3;
	_ =	sdelay $0x1  }
0xa1: {  	s23 =	simm.s32 $0x1B8B  }
0xa2: {  	_ =	swait.ge [sflag:s23], $0x1  }
0xa3: {  	[sflag:s23] =	ssyncset.done $0x0  }
0xa4: {  	s25 =	simm.s32 $0x1B8E;
	s24 =	sld [smem:$0x3FFE];
	[sflag:s23] =	ssyncadd.s32 $0xFFFFFFFF  }
0xa5: {  	s26 =	simm.s32 $execute0_lowered;
	[smem:$0x3FD2] =	sst s25  }
0xa6: {  	s4 =	sshll.u32 s26, $0x1;
	_ =	strace $0x80000046;
	[dreg:$0x1] =	wrdreg $0xFFFFFFFF  }
0xa7: {  	s28 =	simm.s32 $_size_execute0_lowered;
	s2 =	sadd.s32 s2, s4;
	[dreg:$0x0] =	wrdreg $0x0  }
0xa8: {  	s4 =	sshll.u32 s28, $0x1;
	[dreg:$0x2] =	wrdreg s2  }
0xa9: {  	[dreg:$0x3] =	wrdreg s4  }
0xaa: {  	[dreg:$0x4] =	wrdreg $0xC0  }
0xab: {  	_ =	task [dreg:s6], $0x5FFFF  }
0xac: {  	[dreg:$0x1] =	wrdreg $0xFFFFFFFF  }
0xad: {  	[dreg:$0x0] =	wrdreg $0x60  }
0xae: {  	[dreg:$0x2] =	wrdreg s24  }
0xaf: {  	[dreg:$0x3] =	wrdreg $0x68000  }
0xb0: {  	[dreg:$0x4] =	wrdreg $0x9  }
0xb1: {  	_ =	task.clear_ibuf [dreg:s6], $0x5FFFF;
	_ =	strace $0x90000046  }
0xb2: {  	s29 =	simm.s32 $0x9;
	_ =	strace $0x80000048  }
0xb3: {  	_ =	swait.ge [sflag:s29], $0x1  }
0xb4: {  	[sflag:s29] =	ssyncadd.s32 $0xFFFFFFFF  }
0xb5: {  	_ =	strace $0x90000048  }
0xb6: {  	_ =	sfence  }
0xb7: {  	s30 =	sld [smem:$0x0];
	_ =	sdelay $0x2  }
0xb8: {  	s31 =	sshll.u32 s1, $0xD;
	s1 =	sshrl.u32 s1, $0x2  }
0xb9: {  	s3 =	sand.u32 $0x4000, s31;
	s1 =	sadd.s32 s1, s30  }
0xba: {  	s0 =	sor.u32 s3, s0;
	s1 =	sshll.u32 s1, $0x11  }
0xbb: {  	s0 =	sor.u32 s1, s0  }
0xbc: {  	s0 =	sadd.s32 $0x8F2B, s0  }
0xbd: {  	[sflag:s0] =	ssyncadd.remote.s32 $0x1  }
0xbe: {  	_ =	sfence.sel $0xFFFF  }
0xbf: {  	[dreg:$0x0] =	wrdreg $0xFFFFFFFF;
	(pc) =	sbr.abs _section_cstart, $3  }
0xc0: {  	[dreg:$0x1] =	wrdreg $0xFFFFFFFF  }
0xc1: {  	_ =	task.clear_ibuf [dreg:s6], $0x2FFFF;
	_ =	strace $0x9FFFFFFF  }
0xc2: {  	(tm) =	ssettm $0x7FFFFFFF  }
0xc3: {  	_ =	shalt  }
tec
execute0_lowered:
.L_overlay_start_1:
0x0: {  	(tag) =	ssettag $0x1  }
0x1: {  	s1 =	srdreg.scid  }
0x2: {  	s1 =	sand.u32 $0x1, s1  }
0x3: {  	p0 =	seq.s32 s1, $0x1  }
.Ltmp0:
0x4: {  	_ = 	snop;
	(pc) =	sbr.rel @p0 .LBB2_4-.Ltmp0, $4  }
0x5: {  	s7 =	rddreg [dreg:$0x0]  }
0x6: {  	s2 =	rddreg [dreg:$0x1];
	s3 =	simm.s32 $0x0  }
0x7: {  	[smem:$0x7FF] =	sst s3  }
0x8: {  	s0 =	rddreg [dreg:$0x2];
	_ =	strace $0x80000047;
	s1 =	stileid.u32  }
0x9: {  	s4 =	smul.u32 $0x500, s1  }
0xa: {  	s5 =	sadd.s32 $0xBE00, s7  }
0xb: {  	s6 =	smul.u32 $0x50000, s1;
	s4 =	sadd.s32 s5, s4  }
0xc: {  	[tilespmem:s3], [sflag:$0x1] =	stream.linear.gather [hbm4b:s4+s3], $0x2780, $0x38;
	[tilespmem:$0x1A800] =	vst v63  }
0xd: {  	s11 =	smul.u32 $0x2800, s1;
	s26 =	sadd.s32 $0x10E00, s7;
	s4 =	simm.s32 $0x1  }
0xe: {  	s28 =	sshll.u32 s1, $0x6;
	s25 =	sshrl.u32 s6, $0x2;
	_ =	swait.ge [sflag:s4], $0x2780  }
0xf: {  	s9 =	sadd.s32 s26, s11;
	s8 =	sadd.s32 s25, s2;
	[sflag:s4] =	ssyncset.done $0x0  }
0x10: {  	s5 =	sor.u32 $0x1C01, s28;
	s6 =	sshrl.u32 s8, $0x3;
	[sflag:s4] =	ssyncadd.s32 $0xFFFFD880  }
0x11: {  	[spmem:s6], [sflag:s5] =	dma.local [hbm:s9], $0x2800  }
0x12: {  	_ =	swait.ge [sflag:s4], $0x2800  }
0x13: {  	s29 =	smul.u32 $0x27800, s1;
	[sflag:s4] =	ssyncset.done $0x0  }
0x14: {  	s30 =	sadd.s32 $0x4F2E00, s7;
	[sflag:s4] =	ssyncadd.s32 $0xFFFFD800  }
0x15: {  	s8 =	sadd.s32 s29, s30;
	s9 =	simm.s32 $0x2800;
	[bflag:$0x0] =	sbarrier.arrive $0xFFFF  }
0x16: {  	[tilespmem:s9], [sflag:$0x1] =	stream.linear.gather [hbm4b:s8+s3], $0x4000, $0x38;
	[tilespmem:$0x1A800] =	vst v63  }
0x17: {  	_ =	swait.ge [sflag:s4], $0x4000  }
0x18: {  	[sflag:s4] =	ssyncset.done $0x0  }
0x19: {  	s10 =	simm.s32 $0x80;
	s12 =	simm.s32 $0x0;
	[sflag:s4] =	ssyncadd.s32 $0xFFFFC000  }
0x1a: {  	[spmem:s2] =	stream.indirect.scatter.add.f32 [tilespmem:s9], [sflag:$0x1], $0x80, s12, s10, $0xb8;
	[tilespmem:$0x1A800] =	vst v63  }
0x1b: {  	s31 =	sadd.s32 s11, s7;
	_ =	swait.ge [sflag:s4], $0x4000  }
0x1c: {  	s11 =	simm.s32 $0x200;
	s7 =	sadd.s32 $0x38E00, s31;
	[sflag:s4] =	ssyncset.done $0x0  }
.LBB2_2:
0x1d: {  	p0 =	sne.s32 s11, $0x9C00;
	[sflag:s4] =	ssyncadd.s32 $0xFFFFC000;
	s8 =	sadd.s32 $0x800, s8  }
0x1e: {  	[tilespmem:s9], [sflag:$0x1] =	stream.linear.gather [hbm4b:s8+s3], $0x4000, $0x38;
	[tilespmem:$0x1A800] =	vst v63  }
0x1f: {  	s12 =	smov.u32 s11;
	s11 =	sadd.s32 $0x200, s11;
	_ =	swait.ge [sflag:s4], $0x4000  }
.Ltmp1:
0x20: {  	[sflag:s4] =	ssyncset.done $0x0;
	(pc) =	sbr.rel @p0 .LBB2_2-.Ltmp1, $4  }
0x21: {  	s12 =	sshra.s32 s12, $0x2;
	[sflag:s4] =	ssyncadd.s32 $0xFFFFC000  }
0x22: {  	[spmem:s2] =	stream.indirect.scatter.add.f32 [tilespmem:s9], [sflag:$0x1], $0x80, s12, s10, $0xb8;
	[tilespmem:$0x1A800] =	vst v63  }
0x23: {  	_ =	swait.ge [sflag:s4], $0x4000  }
0x24: {  	[sflag:s4] =	ssyncset.done $0x0  }
0x25: {  	[sflag:s4] =	ssyncadd.s32 $0xFFFFC000  }
0x26: {  	s2 =	simm.s32 $0x1;
	[bflag:$0x0] =	sbarrier.arrive $0xFFFF  }
0x27: {  	[hbm:s7], [sflag:s5] =	dma.local [spmem:s6], $0x2800  }
0x28: {  	_ =	swait.ge [sflag:s2], $0x2800  }
0x29: {  	[sflag:s2] =	ssyncset.done $0x0  }
0x2a: {  	[sflag:s2] =	ssyncadd.s32 $0xFFFFD800  }
.LBB2_4:
0x2b: {  	_ =	sfence.sel $0x180000  }
0x2c: {  	[bflag:$0x0] =	sbarrier.arrive $0xFFFF  }
0x2d: {  	p0 =	sne.s32 s1, $0x0;
	_ =	strace $0x90000047  }
0x2e: {  	s0 =	sadd.s32 @!p0 $0x100000, s0;
	[bflag:$0x2] =	sbarrier.arrive $0xFFFF  }
0x2f: {  	[sflag:s0] =	ssyncadd.tile.s32 @!p0 $0x1;
	_ =	shalt  }
.Lfunc_end2:
_tile_overlayer_lowered:
.L_overlay_start_2:
0x30: {  	(tag) =	ssettag $0x2  }
0x31: {  	s0 =	rddreg [dreg:$0x0];
	s2 =	stileid.u32  }
0x32: {  	s1 =	rddreg [dreg:$0x1];
	p0 =	sne.s32 s2, $0x0  }
0x33: {  	s3 =	rddreg [dreg:$0x2];
	[bflag:$0x3] =	sbarrier.arrive $0xFFFF;
	s2 =	simm.s32 @!p0 $0x1C01  }
0x34: {  	[timem:s3], [sflag:s2] =	dma.local @!p0 [hbm:s0], s1  }
0x35: {  	s0 =	simm.s32 @!p0 $0x1  }
0x36: {  	_ =	swait.ge @!p0 [sflag:s0], s1  }
0x37: {  	s1 =	ssub.s32 @!p0 $0x0, s1;
	[sflag:s0] =	ssyncset.done @!p0 $0x0  }
0x38: {  	[sflag:s0] =	ssyncadd.s32 @!p0 s1  }
0x39: {  	[bflag:$0x3] =	sbarrier.arrive $0xFFFF  }
0x3a: {  	_ =	shalt  }

// kernel: kernel.20.cloned.1.call-start
scs
__scs_entry_jumppad:
0x0: {  	(pc) =	sbr.rel $0x88, $3  }
0x1: {  	(tag) =	ssettag $0x0;
	lr =	simm.s32 $0x1  }
0x2: {  	[smem:$0x3F91] =	sst lr;
	_ =	strace $0xD0000000  }
0x3: {  	_ = 	snop  }
0x4: {  	_ = 	snop  }
0x5: {  	_ = 	snop  }
0x6: {  	_ = 	snop  }
0x7: {  	_ = 	snop  }
__scs_overlays_trampoline_lowered:
0x8: {  	[smem:$0x3FA0] =	sst s0  }
0x9: {  	[smem:$0x3FA1] =	sst s1  }
0xa: {  	[smem:$0x3FA2] =	sst s2  }
0xb: {  	[smem:$0x3FA3] =	sst s3  }
0xc: {  	[smem:$0x3FA4] =	sst s4  }
0xd: {  	[smem:$0x3FA5] =	sst s5  }
0xe: {  	[smem:$0x3FA6] =	sst s6  }
0xf: {  	[smem:$0x3FA7] =	sst s7  }
0x10: {  	[smem:$0x3FA8] =	sst s8  }
0x11: {  	[smem:$0x3FA9] =	sst s9;
	s0 =	simm.s32 @!p0 $0x0  }
0x12: {  	s1 =	sld [smem:$0x3F8F];
	s0 =	simm.s32 @p0 $0x1  }
0x13: {  	[smem:$0x3FAA] =	sst s0;
	s0 =	simm.s32 @!p1 $0x0  }
0x14: {  	s2 =	sld [smem:$0x3F8E];
	s0 =	simm.s32 @p1 $0x1  }
0x15: {  	[smem:$0x3FAB] =	sst s0;
	s0 =	simm.s32 @!p2 $0x0  }
0x16: {  	s3 =	sld [smem:$0x3FDB];
	s0 =	simm.s32 @p2 $0x1  }
0x17: {  	s4 =	simm.s32 $0x1BF5;
	[smem:$0x3FAD] =	sst s0  }
0x18: {  	s0 =	sld [smem:$0x3F90];
	_ =	swait.ge [sflag:s4], $0x0  }
0x19: {  	s7 =	sld [smem:$0x3F91]  }
0x1a: {  	s8 =	sadd.s32 $0xFFFFE003, lr  }
0x1b: {  	s9 =	sadd.s32 $0xFFFFFEF7, lr;
	s5 =	simm.s32 $0xFFFFFFFF;
	p2 =	slt.u32 s8, $0xFFFFF086  }
0x1c: {  	p1 =	slt.u32 s9, $0xF7A;
	s5 =	simm.s32 @!p2 $0x0  }
0x1d: {  	s5 =	simm.s32 @p1 $0x1;
	p0 =	seq.s32 s7, s2  }
0x1e: {  	s7 =	smul.u32 @!p0 $0xF7A, s2;
	p2 =	seq.s32 @!p0 s5, $0x0  }
0x1f: {  	s9 =	smul.u32 $0xF7A, s1;
	s8 =	simm.s32 @!p0 $0x1BF5;
	p2 =	por !p2, p0  }
0x20: {  	[sflag:s8] =	ssyncset.s32 @!p0 $0xFFFFF086;
	s6 =	sadd.s32 @!p0 s3, s7;
	s7 =	simm.s32 @!p0 $0x108  }
0x21: {  	s3 =	sadd.s32 s3, s9;
	s6 =	sadd.s32 @!p0 $0x88, s6;
	s7 =	simm.s32 @p2 $0x1082  }
0x22: {  	[simem:s7], [sflag:s8] =	dma.local @!p0 [hbm:s6], $0xF7A  }
0x23: {  	s9 =	sor.u32 $0xD0000000, s2;
	s6 =	simm.s32 $0x108;
	_ =	swait.ge @!p0 [sflag:s8], $0x0  }
0x24: {  	s3 =	sadd.s32 $0x88, s3;
	s6 =	simm.s32 @!p1 $0x1082;
	[sflag:s4] =	ssyncset.s32 $0xFFFFF086  }
0x25: {  	[simem:s6], [sflag:s4] =	dma.local [hbm:s3], $0xF7A  }
0x26: {  	[smem:$0x3F91] =	sst s1;
	(tag) =	ssettag s2;
	_ =	strace s9  }
0x27: {  	s1 =	sld [smem:$0x3FA1]  }
0x28: {  	s2 =	sld [smem:$0x3FA2]  }
0x29: {  	s4 =	sld [smem:$0x3FA4]  }
0x2a: {  	p0 =	seq.s32 s5, $0x0;
	s5 =	sld [smem:$0x3FA5]  }
0x2b: {  	s6 =	sld [smem:$0x3FA6]  }
0x2c: {  	s7 =	sld [smem:$0x3FA7]  }
0x2d: {  	s3 =	simm.s32 $0x108;
	s8 =	sld [smem:$0x3FA8]  }
0x2e: {  	s3 =	simm.s32 @!p0 $0x1082;
	s9 =	sld [smem:$0x3FA9]  }
0x2f: {  	lr =	sadd.s32 s0, s3;
	s0 =	sld [smem:$0x3FA0]  }
0x30: {  	s3 =	sld [smem:$0x3FA3]  }
0x31: {  	[smem:$0x3FAC] =	sst s10  }
0x32: {  	s10 =	sld [smem:$0x3FAA];
	_ =	sdelay $0x3  }
0x33: {  	p0 =	seq.s32 s10, $0x1;
	s10 =	sld [smem:$0x3FAC];
	_ =	sdelay $0x3  }
0x34: {  	[smem:$0x3FAC] =	sst s10  }
0x35: {  	s10 =	sld [smem:$0x3FAB];
	_ =	sdelay $0x3  }
0x36: {  	p1 =	seq.s32 s10, $0x1;
	s10 =	sld [smem:$0x3FAC];
	_ =	sdelay $0x3  }
0x37: {  	[smem:$0x3FAC] =	sst s10  }
0x38: {  	s10 =	sld [smem:$0x3FAD]  }
0x39: {  	_ = 	snop;
	(pc) =	sbr.ind lr, $3  }
0x3a: {  	_ = 	snop  }
0x3b: {  	_ = 	snop  }
0x3c: {  	p2 =	seq.s32 s10, $0x1;
	s10 =	sld [smem:$0x3FAC]  }
0x3d: {  	_ =	shalt  }
0x3e: {  	_ =	shalt  }
0x3f: {  	_ =	shalt  }
0x40: {  	_ =	shalt  }
0x41: {  	_ =	shalt  }
0x42: {  	_ =	shalt  }
0x43: {  	_ =	shalt  }
0x44: {  	_ =	shalt  }
0x45: {  	_ =	shalt  }
0x46: {  	_ =	shalt  }
0x47: {  	_ =	shalt  }
0x48: {  	_ =	shalt  }
0x49: {  	_ =	shalt  }
0x4a: {  	_ =	shalt  }
0x4b: {  	_ =	shalt  }
0x4c: {  	_ =	shalt  }
0x4d: {  	_ =	shalt  }
0x4e: {  	_ =	shalt  }
0x4f: {  	_ =	shalt  }
0x50: {  	_ =	shalt  }
0x51: {  	_ =	shalt  }
0x52: {  	_ =	shalt  }
0x53: {  	_ =	shalt  }
0x54: {  	_ =	shalt  }
0x55: {  	_ =	shalt  }
0x56: {  	_ =	shalt  }
0x57: {  	_ =	shalt  }
0x58: {  	_ =	shalt  }
0x59: {  	_ =	shalt  }
0x5a: {  	_ =	shalt  }
0x5b: {  	_ =	shalt  }
0x5c: {  	_ =	shalt  }
0x5d: {  	_ =	shalt  }
0x5e: {  	_ =	shalt  }
0x5f: {  	_ =	shalt  }
0x60: {  	_ =	shalt  }
0x61: {  	_ =	shalt  }
0x62: {  	_ =	shalt  }
0x63: {  	_ =	shalt  }
0x64: {  	_ =	shalt  }
0x65: {  	_ =	shalt  }
0x66: {  	_ =	shalt  }
0x67: {  	_ =	shalt  }
0x68: {  	_ =	shalt  }
0x69: {  	_ =	shalt  }
0x6a: {  	_ =	shalt  }
0x6b: {  	_ =	shalt  }
0x6c: {  	_ =	shalt  }
0x6d: {  	_ =	shalt  }
0x6e: {  	_ =	shalt  }
0x6f: {  	_ =	shalt  }
0x70: {  	_ =	shalt  }
0x71: {  	_ =	shalt  }
0x72: {  	_ =	shalt  }
0x73: {  	_ =	shalt  }
0x74: {  	_ =	shalt  }
0x75: {  	_ =	shalt  }
0x76: {  	_ =	shalt  }
0x77: {  	_ =	shalt  }
0x78: {  	_ =	shalt  }
0x79: {  	_ =	shalt  }
0x7a: {  	_ =	shalt  }
0x7b: {  	_ =	shalt  }
0x7c: {  	_ =	shalt  }
0x7d: {  	_ =	shalt  }
0x7e: {  	_ =	shalt  }
0x7f: {  	_ =	shalt  }
0x80: {  	_ =	shalt  }
0x81: {  	_ =	shalt  }
0x82: {  	_ =	shalt  }
0x83: {  	_ =	shalt  }
0x84: {  	_ =	shalt  }
0x85: {  	_ =	shalt  }
0x86: {  	_ =	shalt  }
0x87: {  	_ =	shalt  }
.Lfunc_end0:
.L_simem_size_0:
called_computation.1_lowered:
.L_overlay_start_0:
0x88: {  	s2 =	sld [smem:$0x3FD9]  }
0x89: {  	s3 =	sld [smem:$0x3FFE];
	_ =	sdelay $0x1  }
0x8a: {  	s1 =	srdreg.scid  }
0x8b: {  	s0 =	sand.u32 $0x1, s1  }
0x8c: {  	s16 =	sshll.u32 s0, $0xA;
	s2 =	sadd.s32 s3, s2  }
0x8d: {  	s2 =	sadd.s32 s2, s16  }
0x8e: {  	[smem:$0x3FB8] =	sst s2  }
0x8f: {  	_ = 	snop  }
0x90: {  	(tm) =	ssettm $0x1  }
0x91: {  	s17 =	sld [smem:$0x3FFB];
	_ =	sdelay $0x3  }
0x92: {  	_ =	strace s17  }
0x93: {  	s2 =	sld [smem:$0x3FFC];
	_ =	sdelay $0x3  }
0x94: {  	_ =	strace s2  }
0x95: {  	s2 =	sld [smem:$0x3FFD];
	_ =	sdelay $0x3  }
0x96: {  	_ =	strace s2  }
0x97: {  	_ =	strace $0x8FFFFFFF  }
0x98: {  	s18 =	sld [smem:$0x3FDB];
	_ =	sdelay $0x1  }
0x99: {  	s19 =	simm.s32 $_scs_section_size  }
0x9a: {  	s4 =	simm.s32 $_size__tile_overlayer_lowered;
	s5 =	simm.s32 $_tile_overlayer_lowered  }
0x9b: {  	s22 =	simm.s32 $0x1BFF;
	s21 =	sshll.u32 s5, $0x1;
	s2 =	sadd.s32 s19, s18  }
0x9c: {  	s6 =	simm.s32 $0x0;
	s20 =	sshll.u32 s4, $0x1;
	s4 =	sadd.s32 s21, s2  }
0x9d: {  	[timem:s6], [sflag:s22] =	dma.local [hbm:s4], s20  }
0x9e: {  	_ =	swait.ge [sflag:s22], s20  }
0x9f: {  	s3 =	ssub.s32 $0x0, s20;
	[sflag:s22] =	ssyncset.done $0x0  }
0xa0: {  	[sflag:s22] =	ssyncadd.s32 s3;
	_ =	sdelay $0x1  }
0xa1: {  	s23 =	simm.s32 $0x1B8B  }
0xa2: {  	_ =	swait.ge [sflag:s23], $0x1  }
0xa3: {  	[sflag:s23] =	ssyncset.done $0x0  }
0xa4: {  	s25 =	simm.s32 $0x1B8E;
	s24 =	sld [smem:$0x3FFE];
	[sflag:s23] =	ssyncadd.s32 $0xFFFFFFFF  }
0xa5: {  	s26 =	simm.s32 $execute0_lowered;
	[smem:$0x3FD2] =	sst s25  }
0xa6: {  	s4 =	sshll.u32 s26, $0x1;
	_ =	strace $0x80000049;
	[dreg:$0x1] =	wrdreg $0xFFFFFFFF  }
0xa7: {  	s28 =	simm.s32 $_size_execute0_lowered;
	s2 =	sadd.s32 s2, s4;
	[dreg:$0x0] =	wrdreg $0x0  }
0xa8: {  	s4 =	sshll.u32 s28, $0x1;
	[dreg:$0x2] =	wrdreg s2  }
0xa9: {  	[dreg:$0x3] =	wrdreg s4  }
0xaa: {  	[dreg:$0x4] =	wrdreg $0xC0  }
0xab: {  	_ =	task [dreg:s6], $0x5FFFF  }
0xac: {  	[dreg:$0x1] =	wrdreg $0xFFFFFFFF  }
0xad: {  	[dreg:$0x0] =	wrdreg $0x60  }
0xae: {  	[dreg:$0x2] =	wrdreg s24  }
0xaf: {  	[dreg:$0x3] =	wrdreg $0x90000  }
0xb0: {  	[dreg:$0x4] =	wrdreg $0x9  }
0xb1: {  	_ =	task.clear_ibuf [dreg:s6], $0x5FFFF;
	_ =	strace $0x90000049  }
0xb2: {  	s29 =	simm.s32 $0x9;
	_ =	strace $0x8000004B  }
0xb3: {  	_ =	swait.ge [sflag:s29], $0x1  }
0xb4: {  	[sflag:s29] =	ssyncadd.s32 $0xFFFFFFFF  }
0xb5: {  	_ =	strace $0x9000004B  }
0xb6: {  	_ =	sfence  }
0xb7: {  	s30 =	sld [smem:$0x0];
	_ =	sdelay $0x2  }
0xb8: {  	s31 =	sshll.u32 s1, $0xD;
	s1 =	sshrl.u32 s1, $0x2  }
0xb9: {  	s3 =	sand.u32 $0x4000, s31;
	s1 =	sadd.s32 s1, s30  }
0xba: {  	s0 =	sor.u32 s3, s0;
	s1 =	sshll.u32 s1, $0x11  }
0xbb: {  	s0 =	sor.u32 s1, s0  }
0xbc: {  	s0 =	sadd.s32 $0x8F2B, s0  }
0xbd: {  	[sflag:s0] =	ssyncadd.remote.s32 $0x1  }
0xbe: {  	_ =	sfence.sel $0xFFFF  }
0xbf: {  	[dreg:$0x0] =	wrdreg $0xFFFFFFFF;
	(pc) =	sbr.abs _section_cstart, $3  }
0xc0: {  	[dreg:$0x1] =	wrdreg $0xFFFFFFFF  }
0xc1: {  	_ =	task.clear_ibuf [dreg:s6], $0x2FFFF;
	_ =	strace $0x9FFFFFFF  }
0xc2: {  	(tm) =	ssettm $0x7FFFFFFF  }
0xc3: {  	_ =	shalt  }
tec
execute0_lowered:
.L_overlay_start_1:
0x0: {  	(tag) =	ssettag $0x1  }
0x1: {  	s4 =	rddreg [dreg:$0x0]  }
0x2: {  	s2 =	rddreg [dreg:$0x1]  }
0x3: {  	s0 =	rddreg [dreg:$0x2];
	s3 =	simm.s32 $0x0;
	s1 =	stileid.u32  }
0x4: {  	s6 =	srdreg.scid;
	s15 =	simm.s32 $0x5000;
	s5 =	smul.u32 $0x500, s1  }
0x5: {  	[smem:$0x7FF] =	sst s3;
	s17 =	smul.u32 $0x2800, s1;
	s8 =	sadd.s32 $0x125E00, s4  }
0x6: {  	s6 =	sand.u32 $0x1, s6;
	s11 =	smul.u32 $0x50000, s1;
	s12 =	sadd.s32 $0x265E00, s4  }
0x7: {  	s31 =	sshll.u32 s1, $0x6;
	_ =	strace $0x8000004A;
	s7 =	ssub.s32 $0x2, s6  }
0x8: {  	s13 =	smul.u32 $0x50000, s6;
	s5 =	sadd.s32 s5, s4;
	s9 =	sadd.s32 s17, s4  }
0x9: {  	s10 =	sshrl.u32 s7, $0x1;
	s29 =	sshrl.u32 s11, $0x2;
	s11 =	simm.s32 $0x2800  }
0xa: {  	s10 =	ssub.s32 s7, s10;
	s4 =	sadd.s32 $0x60E00, s5;
	s5 =	sadd.s32 $0xBE00, s5  }
0xb: {  	s14 =	sadd.s32 s29, s2;
	s6 =	sadd.s32 $0x10E00, s9;
	s30 =	sadd.s32 $0x28000, s13  }
0xc: {  	s7 =	sadd.s32 s8, s13;
	s16 =	sadd.s32 s12, s13;
	s8 =	sadd.s32 s8, s30  }
0xd: {  	s18 =	sadd.s32 s12, s30;
	s9 =	smax.u32 s10, $0x1;
	s10 =	simm.s32 $0x1  }
0xe: {  	s12 =	sor.u32 $0x1C01, s31;
	s13 =	sshrl.u32 s14, $0x3;
	s14 =	simm.s32 $0x80  }
0xf: {  	s16 =	sadd.s32 s17, s16;
	s17 =	sadd.s32 s17, s18;
	s18 =	simm.s32 $0x0  }
.LBB2_1:
0x10: {  	[tilespmem:s3], [sflag:$0x1] =	stream.linear.gather [hbm4b:s4+s3], $0x2780, $0x38;
	[tilespmem:$0x1D000] =	vst v63  }
0x11: {  	_ =	swait.ge [sflag:s10], $0x2780  }
0x12: {  	[sflag:s10] =	ssyncset.done $0x0  }
0x13: {  	[sflag:s10] =	ssyncadd.s32 $0xFFFFD880  }
0x14: {  	[tilespmem:s11], [sflag:$0x1] =	stream.linear.gather [hbm4b:s5+s3], $0x2780, $0x38;
	[tilespmem:$0x1D000] =	vst v63  }
0x15: {  	_ =	swait.ge [sflag:s10], $0x2780  }
0x16: {  	[sflag:s10] =	ssyncset.done $0x0  }
0x17: {  	[sflag:s10] =	ssyncadd.s32 $0xFFFFD880  }
0x18: {  	[spmem:s13], [sflag:s12] =	dma.local [hbm:s6], $0x2800  }
0x19: {  	_ =	swait.ge [sflag:s10], $0x2800  }
0x1a: {  	[sflag:s10] =	ssyncset.done $0x0  }
0x1b: {  	[sflag:s10] =	ssyncadd.s32 $0xFFFFD800  }
0x1c: {  	s19 =	simm.s32 $0x0;
	[bflag:$0x0] =	sbarrier.arrive $0xFFFF  }
0x1d: {  	[tilespmem:s15], [sflag:$0x1] =	stream.indirect.gather [hbm4b:s7+s14], $0x80, s19, s14, $0xb8;
	[tilespmem:$0x1D000] =	vst v63  }
0x1e: {  	_ =	swait.ge [sflag:s10], $0x4000  }
0x1f: {  	[sflag:s10] =	ssyncset.done $0x0  }
0x20: {  	s31 =	simm.s32 $0x2800;
	[sflag:s10] =	ssyncadd.s32 $0xFFFFC000  }
0x21: {  	[spmem:s2] =	stream.indirect.scatter.add.f32 [tilespmem:s15], [sflag:$0x1], $0x80, s31, s14, $0xb8;
	[tilespmem:$0x1D000] =	vst v63  }
0x22: {  	_ =	swait.ge [sflag:s10], $0x4000  }
0x23: {  	s20 =	simm.s32 $0x400;
	s19 =	simm.s32 $0x200;
	[sflag:s10] =	ssyncset.done $0x0  }
.LBB2_2:
0x24: {  	s21 =	sshra.s32 s19, $0x2  }
0x25: {  	[sflag:s10] =	ssyncadd.s32 $0xFFFFC000;
	s19 =	smov.u32 s20;
	s22 =	sadd.s32 $0x200, s20  }
0x26: {  	[tilespmem:s15], [sflag:$0x1] =	stream.indirect.gather [hbm4b:s7+s14], $0x80, s21, s14, $0xb8;
	[tilespmem:$0x1D000] =	vst v63  }
0x27: {  	p0 =	sne.s32 s20, $0x9C00;
	_ =	swait.ge [sflag:s10], $0x4000  }
.Ltmp0:
0x28: {  	[sflag:s10] =	ssyncset.done $0x0;
	(pc) =	sbr.rel @p0 .LBB2_2-.Ltmp0, $4  }
0x29: {  	s20 =	sadd.s32 $0x2800, s21;
	[sflag:s10] =	ssyncadd.s32 $0xFFFFC000  }
0x2a: {  	[spmem:s2] =	stream.indirect.scatter.add.f32 [tilespmem:s15], [sflag:$0x1], $0x80, s20, s14, $0xb8;
	[tilespmem:$0x1D000] =	vst v63  }
0x2b: {  	_ =	swait.ge [sflag:s10], $0x4000  }
0x2c: {  	s20 =	smov.u32 s22;
	[sflag:s10] =	ssyncset.done $0x0  }
0x2d: {  	s19 =	sshra.s32 s19, $0x2;
	[sflag:s10] =	ssyncadd.s32 $0xFFFFC000  }
0x2e: {  	[tilespmem:s15], [sflag:$0x1] =	stream.indirect.gather [hbm4b:s7+s14], $0x80, s19, s14, $0xb8;
	[tilespmem:$0x1D000] =	vst v63  }
0x2f: {  	_ =	swait.ge [sflag:s10], $0x4000  }
0x30: {  	[sflag:s10] =	ssyncset.done $0x0  }
0x31: {  	s19 =	sadd.s32 $0x2800, s19;
	[sflag:s10] =	ssyncadd.s32 $0xFFFFC000  }
0x32: {  	[spmem:s2] =	stream.indirect.scatter.add.f32 [tilespmem:s15], [sflag:$0x1], $0x80, s19, s14, $0xb8;
	[tilespmem:$0x1D000] =	vst v63  }
0x33: {  	_ =	swait.ge [sflag:s10], $0x4000  }
0x34: {  	[sflag:s10] =	ssyncset.done $0x0  }
0x35: {  	[sflag:s10] =	ssyncadd.s32 $0xFFFFC000  }
0x36: {  	[bflag:$0x0] =	sbarrier.arrive $0xFFFF  }
0x37: {  	[hbm:s16], [sflag:s12] =	dma.local [spmem:s13], $0x2800  }
0x38: {  	_ =	swait.ge [sflag:s10], $0x2800  }
0x39: {  	[sflag:s10] =	ssyncset.done $0x0  }
0x3a: {  	[sflag:s10] =	ssyncadd.s32 $0xFFFFD800  }
0x3b: {  	[bflag:$0x0] =	sbarrier.arrive $0xFFFF  }
0x3c: {  	[spmem:s13], [sflag:s12] =	dma.local [hbm:s6], $0x2800  }
0x3d: {  	_ =	swait.ge [sflag:s10], $0x2800  }
0x3e: {  	[sflag:s10] =	ssyncset.done $0x0  }
0x3f: {  	[sflag:s10] =	ssyncadd.s32 $0xFFFFD800  }
0x40: {  	s30 =	simm.s32 $0x0;
	[bflag:$0x0] =	sbarrier.arrive $0xFFFF  }
0x41: {  	[tilespmem:s15], [sflag:$0x1] =	stream.indirect.gather [hbm4b:s8+s14], $0x80, s30, s14, $0xb8;
	[tilespmem:$0x1D000] =	vst v63  }
0x42: {  	_ =	swait.ge [sflag:s10], $0x4000  }
0x43: {  	[sflag:s10] =	ssyncset.done $0x0  }
0x44: {  	s31 =	simm.s32 $0x2800;
	[sflag:s10] =	ssyncadd.s32 $0xFFFFC000  }
0x45: {  	[spmem:s2] =	stream.indirect.scatter.add.f32 [tilespmem:s15], [sflag:$0x1], $0x80, s31, s14, $0xb8;
	[tilespmem:$0x1D000] =	vst v63  }
0x46: {  	_ =	swait.ge [sflag:s10], $0x4000  }
0x47: {  	s20 =	simm.s32 $0x400;
	s19 =	simm.s32 $0x200;
	[sflag:s10] =	ssyncset.done $0x0  }
.LBB2_4:
0x48: {  	s21 =	sshra.s32 s19, $0x2  }
0x49: {  	[sflag:s10] =	ssyncadd.s32 $0xFFFFC000;
	s19 =	smov.u32 s20;
	s22 =	sadd.s32 $0x200, s20  }
0x4a: {  	[tilespmem:s15], [sflag:$0x1] =	stream.indirect.gather [hbm4b:s8+s14], $0x80, s21, s14, $0xb8;
	[tilespmem:$0x1D000] =	vst v63  }
0x4b: {  	p0 =	sne.s32 s20, $0x9C00;
	_ =	swait.ge [sflag:s10], $0x4000  }
.Ltmp1:
0x4c: {  	[sflag:s10] =	ssyncset.done $0x0;
	(pc) =	sbr.rel @p0 .LBB2_4-.Ltmp1, $4  }
0x4d: {  	s20 =	sadd.s32 $0x2800, s21;
	[sflag:s10] =	ssyncadd.s32 $0xFFFFC000  }
0x4e: {  	[spmem:s2] =	stream.indirect.scatter.add.f32 [tilespmem:s15], [sflag:$0x1], $0x80, s20, s14, $0xb8;
	[tilespmem:$0x1D000] =	vst v63  }
0x4f: {  	_ =	swait.ge [sflag:s10], $0x4000  }
0x50: {  	s20 =	smov.u32 s22;
	[sflag:s10] =	ssyncset.done $0x0  }
0x51: {  	s19 =	sshra.s32 s19, $0x2;
	[sflag:s10] =	ssyncadd.s32 $0xFFFFC000  }
0x52: {  	[tilespmem:s15], [sflag:$0x1] =	stream.indirect.gather [hbm4b:s8+s14], $0x80, s19, s14, $0xb8;
	[tilespmem:$0x1D000] =	vst v63  }
0x53: {  	_ =	swait.ge [sflag:s10], $0x4000  }
0x54: {  	[sflag:s10] =	ssyncset.done $0x0  }
0x55: {  	s19 =	sadd.s32 $0x2800, s19;
	[sflag:s10] =	ssyncadd.s32 $0xFFFFC000  }
0x56: {  	[spmem:s2] =	stream.indirect.scatter.add.f32 [tilespmem:s15], [sflag:$0x1], $0x80, s19, s14, $0xb8;
	[tilespmem:$0x1D000] =	vst v63  }
0x57: {  	_ =	swait.ge [sflag:s10], $0x4000  }
0x58: {  	[sflag:s10] =	ssyncset.done $0x0  }
0x59: {  	s18 =	sadd.s32 $0x1, s18;
	[sflag:s10] =	ssyncadd.s32 $0xFFFFC000  }
0x5a: {  	p0 =	sne.s32 s18, s9;
	[bflag:$0x0] =	sbarrier.arrive $0xFFFF  }
0x5b: {  	[hbm:s17], [sflag:s12] =	dma.local [spmem:s13], $0x2800  }
.Ltmp2:
0x5c: {  	_ =	swait.ge [sflag:s10], $0x2800;
	(pc) =	sbr.rel @p0 .LBB2_1-.Ltmp2, $3  }
0x5d: {  	[sflag:s10] =	ssyncset.done $0x0  }
0x5e: {  	[sflag:s10] =	ssyncadd.s32 $0xFFFFD800  }
0x5f: {  	[bflag:$0x0] =	sbarrier.arrive $0xFFFF;
	_ =	sdelay $0x1  }
0x60: {  	_ =	sfence.sel $0x180000  }
0x61: {  	[bflag:$0x0] =	sbarrier.arrive $0xFFFF  }
0x62: {  	p0 =	sne.s32 s1, $0x0;
	_ =	strace $0x9000004A  }
0x63: {  	s0 =	sadd.s32 @!p0 $0x100000, s0;
	[bflag:$0x2] =	sbarrier.arrive $0xFFFF  }
0x64: {  	[sflag:s0] =	ssyncadd.tile.s32 @!p0 $0x1;
	_ =	shalt  }
.Lfunc_end2:
_tile_overlayer_lowered:
.L_overlay_start_2:
0x65: {  	(tag) =	ssettag $0x2  }
0x66: {  	s0 =	rddreg [dreg:$0x0];
	s2 =	stileid.u32  }
0x67: {  	s1 =	rddreg [dreg:$0x1];
	p0 =	sne.s32 s2, $0x0  }
0x68: {  	s3 =	rddreg [dreg:$0x2];
	[bflag:$0x3] =	sbarrier.arrive $0xFFFF;
	s2 =	simm.s32 @!p0 $0x1C01  }
0x69: {  	[timem:s3], [sflag:s2] =	dma.local @!p0 [hbm:s0], s1  }
0x6a: {  	s0 =	simm.s32 @!p0 $0x1  }
0x6b: {  	_ =	swait.ge @!p0 [sflag:s0], s1  }
0x6c: {  	s1 =	ssub.s32 @!p0 $0x0, s1;
	[sflag:s0] =	ssyncset.done @!p0 $0x0  }
0x6d: {  	[sflag:s0] =	ssyncadd.s32 @!p0 s1  }
0x6e: {  	[bflag:$0x3] =	sbarrier.arrive $0xFFFF  }
0x6f: {  	_ =	shalt  }

// kernel: kernel.23.cloned.1.call-start
scs
__scs_entry_jumppad:
0x0: {  	(pc) =	sbr.rel $0x88, $3  }
0x1: {  	(tag) =	ssettag $0x0;
	lr =	simm.s32 $0x1  }
0x2: {  	[smem:$0x3F91] =	sst lr;
	_ =	strace $0xD0000000  }
0x3: {  	_ = 	snop  }
0x4: {  	_ = 	snop  }
0x5: {  	_ = 	snop  }
0x6: {  	_ = 	snop  }
0x7: {  	_ = 	snop  }
__scs_overlays_trampoline_lowered:
0x8: {  	[smem:$0x3FA0] =	sst s0  }
0x9: {  	[smem:$0x3FA1] =	sst s1  }
0xa: {  	[smem:$0x3FA2] =	sst s2  }
0xb: {  	[smem:$0x3FA3] =	sst s3  }
0xc: {  	[smem:$0x3FA4] =	sst s4  }
0xd: {  	[smem:$0x3FA5] =	sst s5  }
0xe: {  	[smem:$0x3FA6] =	sst s6  }
0xf: {  	[smem:$0x3FA7] =	sst s7  }
0x10: {  	[smem:$0x3FA8] =	sst s8  }
0x11: {  	[smem:$0x3FA9] =	sst s9;
	s0 =	simm.s32 @!p0 $0x0  }
0x12: {  	s1 =	sld [smem:$0x3F8F];
	s0 =	simm.s32 @p0 $0x1  }
0x13: {  	[smem:$0x3FAA] =	sst s0;
	s0 =	simm.s32 @!p1 $0x0  }
0x14: {  	s2 =	sld [smem:$0x3F8E];
	s0 =	simm.s32 @p1 $0x1  }
0x15: {  	[smem:$0x3FAB] =	sst s0;
	s0 =	simm.s32 @!p2 $0x0  }
0x16: {  	s3 =	sld [smem:$0x3FDB];
	s0 =	simm.s32 @p2 $0x1  }
0x17: {  	s4 =	simm.s32 $0x1BF5;
	[smem:$0x3FAD] =	sst s0  }
0x18: {  	s0 =	sld [smem:$0x3F90];
	_ =	swait.ge [sflag:s4], $0x0  }
0x19: {  	s7 =	sld [smem:$0x3F91]  }
0x1a: {  	s8 =	sadd.s32 $0xFFFFE003, lr  }
0x1b: {  	s9 =	sadd.s32 $0xFFFFFEF7, lr;
	s5 =	simm.s32 $0xFFFFFFFF;
	p2 =	slt.u32 s8, $0xFFFFF086  }
0x1c: {  	p1 =	slt.u32 s9, $0xF7A;
	s5 =	simm.s32 @!p2 $0x0  }
0x1d: {  	s5 =	simm.s32 @p1 $0x1;
	p0 =	seq.s32 s7, s2  }
0x1e: {  	s7 =	smul.u32 @!p0 $0xF7A, s2;
	p2 =	seq.s32 @!p0 s5, $0x0  }
0x1f: {  	s9 =	smul.u32 $0xF7A, s1;
	s8 =	simm.s32 @!p0 $0x1BF5;
	p2 =	por !p2, p0  }
0x20: {  	[sflag:s8] =	ssyncset.s32 @!p0 $0xFFFFF086;
	s6 =	sadd.s32 @!p0 s3, s7;
	s7 =	simm.s32 @!p0 $0x108  }
0x21: {  	s3 =	sadd.s32 s3, s9;
	s6 =	sadd.s32 @!p0 $0x88, s6;
	s7 =	simm.s32 @p2 $0x1082  }
0x22: {  	[simem:s7], [sflag:s8] =	dma.local @!p0 [hbm:s6], $0xF7A  }
0x23: {  	s9 =	sor.u32 $0xD0000000, s2;
	s6 =	simm.s32 $0x108;
	_ =	swait.ge @!p0 [sflag:s8], $0x0  }
0x24: {  	s3 =	sadd.s32 $0x88, s3;
	s6 =	simm.s32 @!p1 $0x1082;
	[sflag:s4] =	ssyncset.s32 $0xFFFFF086  }
0x25: {  	[simem:s6], [sflag:s4] =	dma.local [hbm:s3], $0xF7A  }
0x26: {  	[smem:$0x3F91] =	sst s1;
	(tag) =	ssettag s2;
	_ =	strace s9  }
0x27: {  	s1 =	sld [smem:$0x3FA1]  }
0x28: {  	s2 =	sld [smem:$0x3FA2]  }
0x29: {  	s4 =	sld [smem:$0x3FA4]  }
0x2a: {  	p0 =	seq.s32 s5, $0x0;
	s5 =	sld [smem:$0x3FA5]  }
0x2b: {  	s6 =	sld [smem:$0x3FA6]  }
0x2c: {  	s7 =	sld [smem:$0x3FA7]  }
0x2d: {  	s3 =	simm.s32 $0x108;
	s8 =	sld [smem:$0x3FA8]  }
0x2e: {  	s3 =	simm.s32 @!p0 $0x1082;
	s9 =	sld [smem:$0x3FA9]  }
0x2f: {  	lr =	sadd.s32 s0, s3;
	s0 =	sld [smem:$0x3FA0]  }
0x30: {  	s3 =	sld [smem:$0x3FA3]  }
0x31: {  	[smem:$0x3FAC] =	sst s10  }
0x32: {  	s10 =	sld [smem:$0x3FAA];
	_ =	sdelay $0x3  }
0x33: {  	p0 =	seq.s32 s10, $0x1;
	s10 =	sld [smem:$0x3FAC];
	_ =	sdelay $0x3  }
0x34: {  	[smem:$0x3FAC] =	sst s10  }
0x35: {  	s10 =	sld [smem:$0x3FAB];
	_ =	sdelay $0x3  }
0x36: {  	p1 =	seq.s32 s10, $0x1;
	s10 =	sld [smem:$0x3FAC];
	_ =	sdelay $0x3  }
0x37: {  	[smem:$0x3FAC] =	sst s10  }
0x38: {  	s10 =	sld [smem:$0x3FAD]  }
0x39: {  	_ = 	snop;
	(pc) =	sbr.ind lr, $3  }
0x3a: {  	_ = 	snop  }
0x3b: {  	_ = 	snop  }
0x3c: {  	p2 =	seq.s32 s10, $0x1;
	s10 =	sld [smem:$0x3FAC]  }
0x3d: {  	_ =	shalt  }
0x3e: {  	_ =	shalt  }
0x3f: {  	_ =	shalt  }
0x40: {  	_ =	shalt  }
0x41: {  	_ =	shalt  }
0x42: {  	_ =	shalt  }
0x43: {  	_ =	shalt  }
0x44: {  	_ =	shalt  }
0x45: {  	_ =	shalt  }
0x46: {  	_ =	shalt  }
0x47: {  	_ =	shalt  }
0x48: {  	_ =	shalt  }
0x49: {  	_ =	shalt  }
0x4a: {  	_ =	shalt  }
0x4b: {  	_ =	shalt  }
0x4c: {  	_ =	shalt  }
0x4d: {  	_ =	shalt  }
0x4e: {  	_ =	shalt  }
0x4f: {  	_ =	shalt  }
0x50: {  	_ =	shalt  }
0x51: {  	_ =	shalt  }
0x52: {  	_ =	shalt  }
0x53: {  	_ =	shalt  }
0x54: {  	_ =	shalt  }
0x55: {  	_ =	shalt  }
0x56: {  	_ =	shalt  }
0x57: {  	_ =	shalt  }
0x58: {  	_ =	shalt  }
0x59: {  	_ =	shalt  }
0x5a: {  	_ =	shalt  }
0x5b: {  	_ =	shalt  }
0x5c: {  	_ =	shalt  }
0x5d: {  	_ =	shalt  }
0x5e: {  	_ =	shalt  }
0x5f: {  	_ =	shalt  }
0x60: {  	_ =	shalt  }
0x61: {  	_ =	shalt  }
0x62: {  	_ =	shalt  }
0x63: {  	_ =	shalt  }
0x64: {  	_ =	shalt  }
0x65: {  	_ =	shalt  }
0x66: {  	_ =	shalt  }
0x67: {  	_ =	shalt  }
0x68: {  	_ =	shalt  }
0x69: {  	_ =	shalt  }
0x6a: {  	_ =	shalt  }
0x6b: {  	_ =	shalt  }
0x6c: {  	_ =	shalt  }
0x6d: {  	_ =	shalt  }
0x6e: {  	_ =	shalt  }
0x6f: {  	_ =	shalt  }
0x70: {  	_ =	shalt  }
0x71: {  	_ =	shalt  }
0x72: {  	_ =	shalt  }
0x73: {  	_ =	shalt  }
0x74: {  	_ =	shalt  }
0x75: {  	_ =	shalt  }
0x76: {  	_ =	shalt  }
0x77: {  	_ =	shalt  }
0x78: {  	_ =	shalt  }
0x79: {  	_ =	shalt  }
0x7a: {  	_ =	shalt  }
0x7b: {  	_ =	shalt  }
0x7c: {  	_ =	shalt  }
0x7d: {  	_ =	shalt  }
0x7e: {  	_ =	shalt  }
0x7f: {  	_ =	shalt  }
0x80: {  	_ =	shalt  }
0x81: {  	_ =	shalt  }
0x82: {  	_ =	shalt  }
0x83: {  	_ =	shalt  }
0x84: {  	_ =	shalt  }
0x85: {  	_ =	shalt  }
0x86: {  	_ =	shalt  }
0x87: {  	_ =	shalt  }
.Lfunc_end0:
.L_simem_size_0:
called_computation.2_lowered:
.L_overlay_start_0:
0x88: {  	s2 =	sld [smem:$0x3FD9]  }
0x89: {  	s3 =	sld [smem:$0x3FFE];
	_ =	sdelay $0x1  }
0x8a: {  	s1 =	srdreg.scid  }
0x8b: {  	s0 =	sand.u32 $0x1, s1  }
0x8c: {  	s16 =	sshll.u32 s0, $0xA;
	s2 =	sadd.s32 s3, s2  }
0x8d: {  	s2 =	sadd.s32 s2, s16  }
0x8e: {  	[smem:$0x3FB8] =	sst s2  }
0x8f: {  	_ = 	snop  }
0x90: {  	(tm) =	ssettm $0x1  }
0x91: {  	s17 =	sld [smem:$0x3FFB];
	_ =	sdelay $0x3  }
0x92: {  	_ =	strace s17  }
0x93: {  	s2 =	sld [smem:$0x3FFC];
	_ =	sdelay $0x3  }
0x94: {  	_ =	strace s2  }
0x95: {  	s2 =	sld [smem:$0x3FFD];
	_ =	sdelay $0x3  }
0x96: {  	_ =	strace s2  }
0x97: {  	_ =	strace $0x8FFFFFFF  }
0x98: {  	s18 =	sld [smem:$0x3FDB];
	_ =	sdelay $0x1  }
0x99: {  	s19 =	simm.s32 $_scs_section_size  }
0x9a: {  	s4 =	simm.s32 $_size__tile_overlayer_lowered;
	s5 =	simm.s32 $_tile_overlayer_lowered  }
0x9b: {  	s22 =	simm.s32 $0x1BFF;
	s21 =	sshll.u32 s5, $0x1;
	s2 =	sadd.s32 s19, s18  }
0x9c: {  	s6 =	simm.s32 $0x0;
	s20 =	sshll.u32 s4, $0x1;
	s4 =	sadd.s32 s21, s2  }
0x9d: {  	[timem:s6], [sflag:s22] =	dma.local [hbm:s4], s20  }
0x9e: {  	_ =	swait.ge [sflag:s22], s20  }
0x9f: {  	s3 =	ssub.s32 $0x0, s20;
	[sflag:s22] =	ssyncset.done $0x0  }
0xa0: {  	[sflag:s22] =	ssyncadd.s32 s3;
	_ =	sdelay $0x1  }
0xa1: {  	s23 =	simm.s32 $0x1B8B  }
0xa2: {  	_ =	swait.ge [sflag:s23], $0x1  }
0xa3: {  	[sflag:s23] =	ssyncset.done $0x0  }
0xa4: {  	s25 =	simm.s32 $0x1B8E;
	s24 =	sld [smem:$0x3FFE];
	[sflag:s23] =	ssyncadd.s32 $0xFFFFFFFF  }
0xa5: {  	s26 =	simm.s32 $execute0_lowered;
	[smem:$0x3FD2] =	sst s25  }
0xa6: {  	s4 =	sshll.u32 s26, $0x1;
	_ =	strace $0x8000004C;
	[dreg:$0x1] =	wrdreg $0xFFFFFFFF  }
0xa7: {  	s28 =	simm.s32 $_size_execute0_lowered;
	s2 =	sadd.s32 s2, s4;
	[dreg:$0x0] =	wrdreg $0x0  }
0xa8: {  	s4 =	sshll.u32 s28, $0x1;
	[dreg:$0x2] =	wrdreg s2  }
0xa9: {  	[dreg:$0x3] =	wrdreg s4  }
0xaa: {  	[dreg:$0x4] =	wrdreg $0xC0  }
0xab: {  	_ =	task [dreg:s6], $0x5FFFF  }
0xac: {  	[dreg:$0x1] =	wrdreg $0xFFFFFFFF  }
0xad: {  	[dreg:$0x0] =	wrdreg $0x60  }
0xae: {  	[dreg:$0x2] =	wrdreg s24  }
0xaf: {  	[dreg:$0x3] =	wrdreg $0x90000  }
0xb0: {  	[dreg:$0x4] =	wrdreg $0x9  }
0xb1: {  	_ =	task.clear_ibuf [dreg:s6], $0x5FFFF;
	_ =	strace $0x9000004C  }
0xb2: {  	s29 =	simm.s32 $0x9;
	_ =	strace $0x8000004E  }
0xb3: {  	_ =	swait.ge [sflag:s29], $0x1  }
0xb4: {  	[sflag:s29] =	ssyncadd.s32 $0xFFFFFFFF  }
0xb5: {  	_ =	strace $0x9000004E  }
0xb6: {  	_ =	sfence  }
0xb7: {  	s30 =	sld [smem:$0x0];
	_ =	sdelay $0x2  }
0xb8: {  	s31 =	sshll.u32 s1, $0xD;
	s1 =	sshrl.u32 s1, $0x2  }
0xb9: {  	s3 =	sand.u32 $0x4000, s31;
	s1 =	sadd.s32 s1, s30  }
0xba: {  	s0 =	sor.u32 s3, s0;
	s1 =	sshll.u32 s1, $0x11  }
0xbb: {  	s0 =	sor.u32 s1, s0  }
0xbc: {  	s0 =	sadd.s32 $0x8F2B, s0  }
0xbd: {  	[sflag:s0] =	ssyncadd.remote.s32 $0x1  }
0xbe: {  	_ =	sfence.sel $0xFFFF  }
0xbf: {  	[dreg:$0x0] =	wrdreg $0xFFFFFFFF;
	(pc) =	sbr.abs _section_cstart, $3  }
0xc0: {  	[dreg:$0x1] =	wrdreg $0xFFFFFFFF  }
0xc1: {  	_ =	task.clear_ibuf [dreg:s6], $0x2FFFF;
	_ =	strace $0x9FFFFFFF  }
0xc2: {  	(tm) =	ssettm $0x7FFFFFFF  }
0xc3: {  	_ =	shalt  }
tec
execute0_lowered:
.L_overlay_start_1:
0x0: {  	(tag) =	ssettag $0x1  }
0x1: {  	s4 =	rddreg [dreg:$0x0]  }
0x2: {  	s2 =	rddreg [dreg:$0x1]  }
0x3: {  	s0 =	rddreg [dreg:$0x2];
	s3 =	simm.s32 $0x0;
	s1 =	stileid.u32  }
0x4: {  	s6 =	srdreg.scid;
	s15 =	simm.s32 $0x5000;
	s5 =	smul.u32 $0x500, s1  }
0x5: {  	[smem:$0x7FF] =	sst s3;
	s17 =	smul.u32 $0x2800, s1;
	s6 =	sand.u32 $0x1, s6  }
0x6: {  	s8 =	sadd.s32 $0x65E00, s4;
	s11 =	smul.u32 $0x50000, s1;
	s12 =	sadd.s32 $0x265E00, s4  }
0x7: {  	s31 =	sshll.u32 s1, $0x6;
	_ =	strace $0x8000004D;
	s7 =	ssub.s32 $0x2, s6  }
0x8: {  	s13 =	smul.u32 $0x50000, s6;
	s5 =	sadd.s32 s5, s4;
	s9 =	sadd.s32 s17, s4  }
0x9: {  	s10 =	sshrl.u32 s7, $0x1;
	s29 =	sshrl.u32 s11, $0x2;
	s11 =	simm.s32 $0x2800  }
0xa: {  	s10 =	ssub.s32 s7, s10;
	s4 =	sadd.s32 $0x60E00, s5;
	s5 =	sadd.s32 $0xBE00, s5  }
0xb: {  	s14 =	sadd.s32 s29, s2;
	s6 =	sadd.s32 $0x10E00, s9;
	s30 =	sadd.s32 $0x28000, s13  }
0xc: {  	s7 =	sadd.s32 s8, s13;
	s16 =	sadd.s32 s12, s13;
	s8 =	sadd.s32 s8, s30  }
0xd: {  	s18 =	sadd.s32 s12, s30;
	s9 =	smax.u32 s10, $0x1;
	s10 =	simm.s32 $0x1  }
0xe: {  	s12 =	sor.u32 $0x1C01, s31;
	s13 =	sshrl.u32 s14, $0x3;
	s14 =	simm.s32 $0x80  }
0xf: {  	s16 =	sadd.s32 s17, s16;
	s17 =	sadd.s32 s17, s18;
	s18 =	simm.s32 $0x0  }
.LBB2_1:
0x10: {  	[tilespmem:s3], [sflag:$0x1] =	stream.linear.gather [hbm4b:s4+s3], $0x2780, $0x38;
	[tilespmem:$0x1D000] =	vst v63  }
0x11: {  	_ =	swait.ge [sflag:s10], $0x2780  }
0x12: {  	[sflag:s10] =	ssyncset.done $0x0  }
0x13: {  	[sflag:s10] =	ssyncadd.s32 $0xFFFFD880  }
0x14: {  	[tilespmem:s11], [sflag:$0x1] =	stream.linear.gather [hbm4b:s5+s3], $0x2780, $0x38;
	[tilespmem:$0x1D000] =	vst v63  }
0x15: {  	_ =	swait.ge [sflag:s10], $0x2780  }
0x16: {  	[sflag:s10] =	ssyncset.done $0x0  }
0x17: {  	[sflag:s10] =	ssyncadd.s32 $0xFFFFD880  }
0x18: {  	[spmem:s13], [sflag:s12] =	dma.local [hbm:s6], $0x2800  }
0x19: {  	_ =	swait.ge [sflag:s10], $0x2800  }
0x1a: {  	[sflag:s10] =	ssyncset.done $0x0  }
0x1b: {  	[sflag:s10] =	ssyncadd.s32 $0xFFFFD800  }
0x1c: {  	s19 =	simm.s32 $0x0;
	[bflag:$0x0] =	sbarrier.arrive $0xFFFF  }
0x1d: {  	[tilespmem:s15], [sflag:$0x1] =	stream.indirect.gather [hbm4b:s7+s14], $0x80, s19, s14, $0xb8;
	[tilespmem:$0x1D000] =	vst v63  }
0x1e: {  	_ =	swait.ge [sflag:s10], $0x4000  }
0x1f: {  	[sflag:s10] =	ssyncset.done $0x0  }
0x20: {  	s31 =	simm.s32 $0x2800;
	[sflag:s10] =	ssyncadd.s32 $0xFFFFC000  }
0x21: {  	[spmem:s2] =	stream.indirect.scatter.add.f32 [tilespmem:s15], [sflag:$0x1], $0x80, s31, s14, $0xb8;
	[tilespmem:$0x1D000] =	vst v63  }
0x22: {  	_ =	swait.ge [sflag:s10], $0x4000  }
0x23: {  	s20 =	simm.s32 $0x400;
	s19 =	simm.s32 $0x200;
	[sflag:s10] =	ssyncset.done $0x0  }
.LBB2_2:
0x24: {  	s21 =	sshra.s32 s19, $0x2  }
0x25: {  	[sflag:s10] =	ssyncadd.s32 $0xFFFFC000;
	s19 =	smov.u32 s20;
	s22 =	sadd.s32 $0x200, s20  }
0x26: {  	[tilespmem:s15], [sflag:$0x1] =	stream.indirect.gather [hbm4b:s7+s14], $0x80, s21, s14, $0xb8;
	[tilespmem:$0x1D000] =	vst v63  }
0x27: {  	p0 =	sne.s32 s20, $0x9C00;
	_ =	swait.ge [sflag:s10], $0x4000  }
.Ltmp0:
0x28: {  	[sflag:s10] =	ssyncset.done $0x0;
	(pc) =	sbr.rel @p0 .LBB2_2-.Ltmp0, $4  }
0x29: {  	s20 =	sadd.s32 $0x2800, s21;
	[sflag:s10] =	ssyncadd.s32 $0xFFFFC000  }
0x2a: {  	[spmem:s2] =	stream.indirect.scatter.add.f32 [tilespmem:s15], [sflag:$0x1], $0x80, s20, s14, $0xb8;
	[tilespmem:$0x1D000] =	vst v63  }
0x2b: {  	_ =	swait.ge [sflag:s10], $0x4000  }
0x2c: {  	s20 =	smov.u32 s22;
	[sflag:s10] =	ssyncset.done $0x0  }
0x2d: {  	s19 =	sshra.s32 s19, $0x2;
	[sflag:s10] =	ssyncadd.s32 $0xFFFFC000  }
0x2e: {  	[tilespmem:s15], [sflag:$0x1] =	stream.indirect.gather [hbm4b:s7+s14], $0x80, s19, s14, $0xb8;
	[tilespmem:$0x1D000] =	vst v63  }
0x2f: {  	_ =	swait.ge [sflag:s10], $0x4000  }
0x30: {  	[sflag:s10] =	ssyncset.done $0x0  }
0x31: {  	s19 =	sadd.s32 $0x2800, s19;
	[sflag:s10] =	ssyncadd.s32 $0xFFFFC000  }
0x32: {  	[spmem:s2] =	stream.indirect.scatter.add.f32 [tilespmem:s15], [sflag:$0x1], $0x80, s19, s14, $0xb8;
	[tilespmem:$0x1D000] =	vst v63  }
0x33: {  	_ =	swait.ge [sflag:s10], $0x4000  }
0x34: {  	[sflag:s10] =	ssyncset.done $0x0  }
0x35: {  	[sflag:s10] =	ssyncadd.s32 $0xFFFFC000  }
0x36: {  	[bflag:$0x0] =	sbarrier.arrive $0xFFFF  }
0x37: {  	[hbm:s16], [sflag:s12] =	dma.local [spmem:s13], $0x2800  }
0x38: {  	_ =	swait.ge [sflag:s10], $0x2800  }
0x39: {  	[sflag:s10] =	ssyncset.done $0x0  }
0x3a: {  	[sflag:s10] =	ssyncadd.s32 $0xFFFFD800  }
0x3b: {  	[bflag:$0x0] =	sbarrier.arrive $0xFFFF  }
0x3c: {  	[spmem:s13], [sflag:s12] =	dma.local [hbm:s6], $0x2800  }
0x3d: {  	_ =	swait.ge [sflag:s10], $0x2800  }
0x3e: {  	[sflag:s10] =	ssyncset.done $0x0  }
0x3f: {  	[sflag:s10] =	ssyncadd.s32 $0xFFFFD800  }
0x40: {  	s30 =	simm.s32 $0x0;
	[bflag:$0x0] =	sbarrier.arrive $0xFFFF  }
0x41: {  	[tilespmem:s15], [sflag:$0x1] =	stream.indirect.gather [hbm4b:s8+s14], $0x80, s30, s14, $0xb8;
	[tilespmem:$0x1D000] =	vst v63  }
0x42: {  	_ =	swait.ge [sflag:s10], $0x4000  }
0x43: {  	[sflag:s10] =	ssyncset.done $0x0  }
0x44: {  	s31 =	simm.s32 $0x2800;
	[sflag:s10] =	ssyncadd.s32 $0xFFFFC000  }
0x45: {  	[spmem:s2] =	stream.indirect.scatter.add.f32 [tilespmem:s15], [sflag:$0x1], $0x80, s31, s14, $0xb8;
	[tilespmem:$0x1D000] =	vst v63  }
0x46: {  	_ =	swait.ge [sflag:s10], $0x4000  }
0x47: {  	s20 =	simm.s32 $0x400;
	s19 =	simm.s32 $0x200;
	[sflag:s10] =	ssyncset.done $0x0  }
.LBB2_4:
0x48: {  	s21 =	sshra.s32 s19, $0x2  }
0x49: {  	[sflag:s10] =	ssyncadd.s32 $0xFFFFC000;
	s19 =	smov.u32 s20;
	s22 =	sadd.s32 $0x200, s20  }
0x4a: {  	[tilespmem:s15], [sflag:$0x1] =	stream.indirect.gather [hbm4b:s8+s14], $0x80, s21, s14, $0xb8;
	[tilespmem:$0x1D000] =	vst v63  }
0x4b: {  	p0 =	sne.s32 s20, $0x9C00;
	_ =	swait.ge [sflag:s10], $0x4000  }
.Ltmp1:
0x4c: {  	[sflag:s10] =	ssyncset.done $0x0;
	(pc) =	sbr.rel @p0 .LBB2_4-.Ltmp1, $4  }
0x4d: {  	s20 =	sadd.s32 $0x2800, s21;
	[sflag:s10] =	ssyncadd.s32 $0xFFFFC000  }
0x4e: {  	[spmem:s2] =	stream.indirect.scatter.add.f32 [tilespmem:s15], [sflag:$0x1], $0x80, s20, s14, $0xb8;
	[tilespmem:$0x1D000] =	vst v63  }
0x4f: {  	_ =	swait.ge [sflag:s10], $0x4000  }
0x50: {  	s20 =	smov.u32 s22;
	[sflag:s10] =	ssyncset.done $0x0  }
0x51: {  	s19 =	sshra.s32 s19, $0x2;
	[sflag:s10] =	ssyncadd.s32 $0xFFFFC000  }
0x52: {  	[tilespmem:s15], [sflag:$0x1] =	stream.indirect.gather [hbm4b:s8+s14], $0x80, s19, s14, $0xb8;
	[tilespmem:$0x1D000] =	vst v63  }
0x53: {  	_ =	swait.ge [sflag:s10], $0x4000  }
0x54: {  	[sflag:s10] =	ssyncset.done $0x0  }
0x55: {  	s19 =	sadd.s32 $0x2800, s19;
	[sflag:s10] =	ssyncadd.s32 $0xFFFFC000  }
0x56: {  	[spmem:s2] =	stream.indirect.scatter.add.f32 [tilespmem:s15], [sflag:$0x1], $0x80, s19, s14, $0xb8;
	[tilespmem:$0x1D000] =	vst v63  }
0x57: {  	_ =	swait.ge [sflag:s10], $0x4000  }
0x58: {  	[sflag:s10] =	ssyncset.done $0x0  }
0x59: {  	s18 =	sadd.s32 $0x1, s18;
	[sflag:s10] =	ssyncadd.s32 $0xFFFFC000  }
0x5a: {  	p0 =	sne.s32 s18, s9;
	[bflag:$0x0] =	sbarrier.arrive $0xFFFF  }
0x5b: {  	[hbm:s17], [sflag:s12] =	dma.local [spmem:s13], $0x2800  }
.Ltmp2:
0x5c: {  	_ =	swait.ge [sflag:s10], $0x2800;
	(pc) =	sbr.rel @p0 .LBB2_1-.Ltmp2, $3  }
0x5d: {  	[sflag:s10] =	ssyncset.done $0x0  }
0x5e: {  	[sflag:s10] =	ssyncadd.s32 $0xFFFFD800  }
0x5f: {  	[bflag:$0x0] =	sbarrier.arrive $0xFFFF;
	_ =	sdelay $0x1  }
0x60: {  	_ =	sfence.sel $0x180000  }
0x61: {  	[bflag:$0x0] =	sbarrier.arrive $0xFFFF  }
0x62: {  	p0 =	sne.s32 s1, $0x0;
	_ =	strace $0x9000004D  }
0x63: {  	s0 =	sadd.s32 @!p0 $0x100000, s0;
	[bflag:$0x2] =	sbarrier.arrive $0xFFFF  }
0x64: {  	[sflag:s0] =	ssyncadd.tile.s32 @!p0 $0x1;
	_ =	shalt  }
.Lfunc_end2:
_tile_overlayer_lowered:
.L_overlay_start_2:
0x65: {  	(tag) =	ssettag $0x2  }
0x66: {  	s0 =	rddreg [dreg:$0x0];
	s2 =	stileid.u32  }
0x67: {  	s1 =	rddreg [dreg:$0x1];
	p0 =	sne.s32 s2, $0x0  }
0x68: {  	s3 =	rddreg [dreg:$0x2];
	[bflag:$0x3] =	sbarrier.arrive $0xFFFF;
	s2 =	simm.s32 @!p0 $0x1C01  }
0x69: {  	[timem:s3], [sflag:s2] =	dma.local @!p0 [hbm:s0], s1  }
0x6a: {  	s0 =	simm.s32 @!p0 $0x1  }
0x6b: {  	_ =	swait.ge @!p0 [sflag:s0], s1  }
0x6c: {  	s1 =	ssub.s32 @!p0 $0x0, s1;
	[sflag:s0] =	ssyncset.done @!p0 $0x0  }
0x6d: {  	[sflag:s0] =	ssyncadd.s32 @!p0 s1  }
0x6e: {  	[bflag:$0x3] =	sbarrier.arrive $0xFFFF  }
0x6f: {  	_ =	shalt  }

// kernel: kernel.26.cloned.1.call-start
scs
__scs_entry_jumppad:
0x0: {  	(pc) =	sbr.rel $0x88, $3  }
0x1: {  	(tag) =	ssettag $0x0;
	lr =	simm.s32 $0x1  }
0x2: {  	[smem:$0x3F91] =	sst lr;
	_ =	strace $0xD0000000  }
0x3: {  	_ = 	snop  }
0x4: {  	_ = 	snop  }
0x5: {  	_ = 	snop  }
0x6: {  	_ = 	snop  }
0x7: {  	_ = 	snop  }
__scs_overlays_trampoline_lowered:
0x8: {  	[smem:$0x3FA0] =	sst s0  }
0x9: {  	[smem:$0x3FA1] =	sst s1  }
0xa: {  	[smem:$0x3FA2] =	sst s2  }
0xb: {  	[smem:$0x3FA3] =	sst s3  }
0xc: {  	[smem:$0x3FA4] =	sst s4  }
0xd: {  	[smem:$0x3FA5] =	sst s5  }
0xe: {  	[smem:$0x3FA6] =	sst s6  }
0xf: {  	[smem:$0x3FA7] =	sst s7  }
0x10: {  	[smem:$0x3FA8] =	sst s8  }
0x11: {  	[smem:$0x3FA9] =	sst s9;
	s0 =	simm.s32 @!p0 $0x0  }
0x12: {  	s1 =	sld [smem:$0x3F8F];
	s0 =	simm.s32 @p0 $0x1  }
0x13: {  	[smem:$0x3FAA] =	sst s0;
	s0 =	simm.s32 @!p1 $0x0  }
0x14: {  	s2 =	sld [smem:$0x3F8E];
	s0 =	simm.s32 @p1 $0x1  }
0x15: {  	[smem:$0x3FAB] =	sst s0;
	s0 =	simm.s32 @!p2 $0x0  }
0x16: {  	s3 =	sld [smem:$0x3FDB];
	s0 =	simm.s32 @p2 $0x1  }
0x17: {  	s4 =	simm.s32 $0x1BF5;
	[smem:$0x3FAD] =	sst s0  }
0x18: {  	s0 =	sld [smem:$0x3F90];
	_ =	swait.ge [sflag:s4], $0x0  }
0x19: {  	s7 =	sld [smem:$0x3F91]  }
0x1a: {  	s8 =	sadd.s32 $0xFFFFE003, lr  }
0x1b: {  	s9 =	sadd.s32 $0xFFFFFEF7, lr;
	s5 =	simm.s32 $0xFFFFFFFF;
	p2 =	slt.u32 s8, $0xFFFFF086  }
0x1c: {  	p1 =	slt.u32 s9, $0xF7A;
	s5 =	simm.s32 @!p2 $0x0  }
0x1d: {  	s5 =	simm.s32 @p1 $0x1;
	p0 =	seq.s32 s7, s2  }
0x1e: {  	s7 =	smul.u32 @!p0 $0xF7A, s2;
	p2 =	seq.s32 @!p0 s5, $0x0  }
0x1f: {  	s9 =	smul.u32 $0xF7A, s1;
	s8 =	simm.s32 @!p0 $0x1BF5;
	p2 =	por !p2, p0  }
0x20: {  	[sflag:s8] =	ssyncset.s32 @!p0 $0xFFFFF086;
	s6 =	sadd.s32 @!p0 s3, s7;
	s7 =	simm.s32 @!p0 $0x108  }
0x21: {  	s3 =	sadd.s32 s3, s9;
	s6 =	sadd.s32 @!p0 $0x88, s6;
	s7 =	simm.s32 @p2 $0x1082  }
0x22: {  	[simem:s7], [sflag:s8] =	dma.local @!p0 [hbm:s6], $0xF7A  }
0x23: {  	s9 =	sor.u32 $0xD0000000, s2;
	s6 =	simm.s32 $0x108;
	_ =	swait.ge @!p0 [sflag:s8], $0x0  }
0x24: {  	s3 =	sadd.s32 $0x88, s3;
	s6 =	simm.s32 @!p1 $0x1082;
	[sflag:s4] =	ssyncset.s32 $0xFFFFF086  }
0x25: {  	[simem:s6], [sflag:s4] =	dma.local [hbm:s3], $0xF7A  }
0x26: {  	[smem:$0x3F91] =	sst s1;
	(tag) =	ssettag s2;
	_ =	strace s9  }
0x27: {  	s1 =	sld [smem:$0x3FA1]  }
0x28: {  	s2 =	sld [smem:$0x3FA2]  }
0x29: {  	s4 =	sld [smem:$0x3FA4]  }
0x2a: {  	p0 =	seq.s32 s5, $0x0;
	s5 =	sld [smem:$0x3FA5]  }
0x2b: {  	s6 =	sld [smem:$0x3FA6]  }
0x2c: {  	s7 =	sld [smem:$0x3FA7]  }
0x2d: {  	s3 =	simm.s32 $0x108;
	s8 =	sld [smem:$0x3FA8]  }
0x2e: {  	s3 =	simm.s32 @!p0 $0x1082;
	s9 =	sld [smem:$0x3FA9]  }
0x2f: {  	lr =	sadd.s32 s0, s3;
	s0 =	sld [smem:$0x3FA0]  }
0x30: {  	s3 =	sld [smem:$0x3FA3]  }
0x31: {  	[smem:$0x3FAC] =	sst s10  }
0x32: {  	s10 =	sld [smem:$0x3FAA];
	_ =	sdelay $0x3  }
0x33: {  	p0 =	seq.s32 s10, $0x1;
	s10 =	sld [smem:$0x3FAC];
	_ =	sdelay $0x3  }
0x34: {  	[smem:$0x3FAC] =	sst s10  }
0x35: {  	s10 =	sld [smem:$0x3FAB];
	_ =	sdelay $0x3  }
0x36: {  	p1 =	seq.s32 s10, $0x1;
	s10 =	sld [smem:$0x3FAC];
	_ =	sdelay $0x3  }
0x37: {  	[smem:$0x3FAC] =	sst s10  }
0x38: {  	s10 =	sld [smem:$0x3FAD]  }
0x39: {  	_ = 	snop;
	(pc) =	sbr.ind lr, $3  }
0x3a: {  	_ = 	snop  }
0x3b: {  	_ = 	snop  }
0x3c: {  	p2 =	seq.s32 s10, $0x1;
	s10 =	sld [smem:$0x3FAC]  }
0x3d: {  	_ =	shalt  }
0x3e: {  	_ =	shalt  }
0x3f: {  	_ =	shalt  }
0x40: {  	_ =	shalt  }
0x41: {  	_ =	shalt  }
0x42: {  	_ =	shalt  }
0x43: {  	_ =	shalt  }
0x44: {  	_ =	shalt  }
0x45: {  	_ =	shalt  }
0x46: {  	_ =	shalt  }
0x47: {  	_ =	shalt  }
0x48: {  	_ =	shalt  }
0x49: {  	_ =	shalt  }
0x4a: {  	_ =	shalt  }
0x4b: {  	_ =	shalt  }
0x4c: {  	_ =	shalt  }
0x4d: {  	_ =	shalt  }
0x4e: {  	_ =	shalt  }
0x4f: {  	_ =	shalt  }
0x50: {  	_ =	shalt  }
0x51: {  	_ =	shalt  }
0x52: {  	_ =	shalt  }
0x53: {  	_ =	shalt  }
0x54: {  	_ =	shalt  }
0x55: {  	_ =	shalt  }
0x56: {  	_ =	shalt  }
0x57: {  	_ =	shalt  }
0x58: {  	_ =	shalt  }
0x59: {  	_ =	shalt  }
0x5a: {  	_ =	shalt  }
0x5b: {  	_ =	shalt  }
0x5c: {  	_ =	shalt  }
0x5d: {  	_ =	shalt  }
0x5e: {  	_ =	shalt  }
0x5f: {  	_ =	shalt  }
0x60: {  	_ =	shalt  }
0x61: {  	_ =	shalt  }
0x62: {  	_ =	shalt  }
0x63: {  	_ =	shalt  }
0x64: {  	_ =	shalt  }
0x65: {  	_ =	shalt  }
0x66: {  	_ =	shalt  }
0x67: {  	_ =	shalt  }
0x68: {  	_ =	shalt  }
0x69: {  	_ =	shalt  }
0x6a: {  	_ =	shalt  }
0x6b: {  	_ =	shalt  }
0x6c: {  	_ =	shalt  }
0x6d: {  	_ =	shalt  }
0x6e: {  	_ =	shalt  }
0x6f: {  	_ =	shalt  }
0x70: {  	_ =	shalt  }
0x71: {  	_ =	shalt  }
0x72: {  	_ =	shalt  }
0x73: {  	_ =	shalt  }
0x74: {  	_ =	shalt  }
0x75: {  	_ =	shalt  }
0x76: {  	_ =	shalt  }
0x77: {  	_ =	shalt  }
0x78: {  	_ =	shalt  }
0x79: {  	_ =	shalt  }
0x7a: {  	_ =	shalt  }
0x7b: {  	_ =	shalt  }
0x7c: {  	_ =	shalt  }
0x7d: {  	_ =	shalt  }
0x7e: {  	_ =	shalt  }
0x7f: {  	_ =	shalt  }
0x80: {  	_ =	shalt  }
0x81: {  	_ =	shalt  }
0x82: {  	_ =	shalt  }
0x83: {  	_ =	shalt  }
0x84: {  	_ =	shalt  }
0x85: {  	_ =	shalt  }
0x86: {  	_ =	shalt  }
0x87: {  	_ =	shalt  }
.Lfunc_end0:
.L_simem_size_0:
called_computation.3_lowered:
.L_overlay_start_0:
0x88: {  	s2 =	sld [smem:$0x3FD9]  }
0x89: {  	s3 =	sld [smem:$0x3FFE];
	_ =	sdelay $0x1  }
0x8a: {  	s1 =	srdreg.scid  }
0x8b: {  	s0 =	sand.u32 $0x1, s1  }
0x8c: {  	s16 =	sshll.u32 s0, $0xA;
	s2 =	sadd.s32 s3, s2  }
0x8d: {  	s2 =	sadd.s32 s2, s16  }
0x8e: {  	[smem:$0x3FB8] =	sst s2  }
0x8f: {  	_ = 	snop  }
0x90: {  	(tm) =	ssettm $0x1  }
0x91: {  	s17 =	sld [smem:$0x3FFB];
	_ =	sdelay $0x3  }
0x92: {  	_ =	strace s17  }
0x93: {  	s2 =	sld [smem:$0x3FFC];
	_ =	sdelay $0x3  }
0x94: {  	_ =	strace s2  }
0x95: {  	s2 =	sld [smem:$0x3FFD];
	_ =	sdelay $0x3  }
0x96: {  	_ =	strace s2  }
0x97: {  	_ =	strace $0x8FFFFFFF  }
0x98: {  	s18 =	sld [smem:$0x3FDB];
	_ =	sdelay $0x1  }
0x99: {  	s19 =	simm.s32 $_scs_section_size  }
0x9a: {  	s4 =	simm.s32 $_size__tile_overlayer_lowered;
	s5 =	simm.s32 $_tile_overlayer_lowered  }
0x9b: {  	s22 =	simm.s32 $0x1BFF;
	s21 =	sshll.u32 s5, $0x1;
	s2 =	sadd.s32 s19, s18  }
0x9c: {  	s6 =	simm.s32 $0x0;
	s20 =	sshll.u32 s4, $0x1;
	s4 =	sadd.s32 s21, s2  }
0x9d: {  	[timem:s6], [sflag:s22] =	dma.local [hbm:s4], s20  }
0x9e: {  	_ =	swait.ge [sflag:s22], s20  }
0x9f: {  	s3 =	ssub.s32 $0x0, s20;
	[sflag:s22] =	ssyncset.done $0x0  }
0xa0: {  	[sflag:s22] =	ssyncadd.s32 s3;
	_ =	sdelay $0x1  }
0xa1: {  	s23 =	simm.s32 $0x1B8B  }
0xa2: {  	_ =	swait.ge [sflag:s23], $0x1  }
0xa3: {  	[sflag:s23] =	ssyncset.done $0x0  }
0xa4: {  	s25 =	simm.s32 $0x1B8E;
	s24 =	sld [smem:$0x3FFE];
	[sflag:s23] =	ssyncadd.s32 $0xFFFFFFFF  }
0xa5: {  	s26 =	simm.s32 $execute0_lowered;
	[smem:$0x3FD2] =	sst s25  }
0xa6: {  	s4 =	sshll.u32 s26, $0x1;
	_ =	strace $0x8000004F;
	[dreg:$0x1] =	wrdreg $0xFFFFFFFF  }
0xa7: {  	s28 =	simm.s32 $_size_execute0_lowered;
	s2 =	sadd.s32 s2, s4;
	[dreg:$0x0] =	wrdreg $0x0  }
0xa8: {  	s4 =	sshll.u32 s28, $0x1;
	[dreg:$0x2] =	wrdreg s2  }
0xa9: {  	[dreg:$0x3] =	wrdreg s4  }
0xaa: {  	[dreg:$0x4] =	wrdreg $0xC0  }
0xab: {  	_ =	task [dreg:s6], $0x5FFFF  }
0xac: {  	[dreg:$0x1] =	wrdreg $0xFFFFFFFF  }
0xad: {  	[dreg:$0x0] =	wrdreg $0x60  }
0xae: {  	[dreg:$0x2] =	wrdreg s24  }
0xaf: {  	[dreg:$0x3] =	wrdreg $0x90000  }
0xb0: {  	[dreg:$0x4] =	wrdreg $0x9  }
0xb1: {  	_ =	task.clear_ibuf [dreg:s6], $0x5FFFF;
	_ =	strace $0x9000004F  }
0xb2: {  	s29 =	simm.s32 $0x9;
	_ =	strace $0x80000051  }
0xb3: {  	_ =	swait.ge [sflag:s29], $0x1  }
0xb4: {  	[sflag:s29] =	ssyncadd.s32 $0xFFFFFFFF  }
0xb5: {  	_ =	strace $0x90000051  }
0xb6: {  	_ =	sfence  }
0xb7: {  	s30 =	sld [smem:$0x0];
	_ =	sdelay $0x2  }
0xb8: {  	s31 =	sshll.u32 s1, $0xD;
	s1 =	sshrl.u32 s1, $0x2  }
0xb9: {  	s3 =	sand.u32 $0x4000, s31;
	s1 =	sadd.s32 s1, s30  }
0xba: {  	s0 =	sor.u32 s3, s0;
	s1 =	sshll.u32 s1, $0x11  }
0xbb: {  	s0 =	sor.u32 s1, s0  }
0xbc: {  	s0 =	sadd.s32 $0x8F2B, s0  }
0xbd: {  	[sflag:s0] =	ssyncadd.remote.s32 $0x1  }
0xbe: {  	_ =	sfence.sel $0xFFFF  }
0xbf: {  	[dreg:$0x0] =	wrdreg $0xFFFFFFFF;
	(pc) =	sbr.abs _section_cstart, $3  }
0xc0: {  	[dreg:$0x1] =	wrdreg $0xFFFFFFFF  }
0xc1: {  	_ =	task.clear_ibuf [dreg:s6], $0x2FFFF;
	_ =	strace $0x9FFFFFFF  }
0xc2: {  	(tm) =	ssettm $0x7FFFFFFF  }
0xc3: {  	_ =	shalt  }
tec
execute0_lowered:
.L_overlay_start_1:
0x0: {  	(tag) =	ssettag $0x1  }
0x1: {  	s4 =	rddreg [dreg:$0x0]  }
0x2: {  	s2 =	rddreg [dreg:$0x1]  }
0x3: {  	s0 =	rddreg [dreg:$0x2];
	s3 =	simm.s32 $0x0;
	s1 =	stileid.u32  }
0x4: {  	s6 =	srdreg.scid;
	s15 =	simm.s32 $0x5000;
	s5 =	smul.u32 $0x500, s1  }
0x5: {  	[smem:$0x7FF] =	sst s3;
	s17 =	smul.u32 $0x2800, s1;
	s8 =	sadd.s32 $0x125E00, s4  }
0x6: {  	s6 =	sand.u32 $0x1, s6;
	s11 =	smul.u32 $0x50000, s1;
	s12 =	sadd.s32 $0x265E00, s4  }
0x7: {  	s31 =	sshll.u32 s1, $0x6;
	_ =	strace $0x80000050;
	s7 =	ssub.s32 $0x2, s6  }
0x8: {  	s13 =	smul.u32 $0x50000, s6;
	s5 =	sadd.s32 s5, s4;
	s9 =	sadd.s32 s17, s4  }
0x9: {  	s10 =	sshrl.u32 s7, $0x1;
	s29 =	sshrl.u32 s11, $0x2;
	s11 =	simm.s32 $0x2800  }
0xa: {  	s10 =	ssub.s32 s7, s10;
	s4 =	sadd.s32 $0x60E00, s5;
	s5 =	sadd.s32 $0xBE00, s5  }
0xb: {  	s14 =	sadd.s32 s29, s2;
	s6 =	sadd.s32 $0x10E00, s9;
	s30 =	sadd.s32 $0x28000, s13  }
0xc: {  	s7 =	sadd.s32 s8, s13;
	s16 =	sadd.s32 s12, s13;
	s8 =	sadd.s32 s8, s30  }
0xd: {  	s18 =	sadd.s32 s12, s30;
	s9 =	smax.u32 s10, $0x1;
	s10 =	simm.s32 $0x1  }
0xe: {  	s12 =	sor.u32 $0x1C01, s31;
	s13 =	sshrl.u32 s14, $0x3;
	s14 =	simm.s32 $0x80  }
0xf: {  	s16 =	sadd.s32 s17, s16;
	s17 =	sadd.s32 s17, s18;
	s18 =	simm.s32 $0x0  }
.LBB2_1:
0x10: {  	[tilespmem:s3], [sflag:$0x1] =	stream.linear.gather [hbm4b:s4+s3], $0x2780, $0x38;
	[tilespmem:$0x1D000] =	vst v63  }
0x11: {  	_ =	swait.ge [sflag:s10], $0x2780  }
0x12: {  	[sflag:s10] =	ssyncset.done $0x0  }
0x13: {  	[sflag:s10] =	ssyncadd.s32 $0xFFFFD880  }
0x14: {  	[tilespmem:s11], [sflag:$0x1] =	stream.linear.gather [hbm4b:s5+s3], $0x2780, $0x38;
	[tilespmem:$0x1D000] =	vst v63  }
0x15: {  	_ =	swait.ge [sflag:s10], $0x2780  }
0x16: {  	[sflag:s10] =	ssyncset.done $0x0  }
0x17: {  	[sflag:s10] =	ssyncadd.s32 $0xFFFFD880  }
0x18: {  	[spmem:s13], [sflag:s12] =	dma.local [hbm:s6], $0x2800  }
0x19: {  	_ =	swait.ge [sflag:s10], $0x2800  }
0x1a: {  	[sflag:s10] =	ssyncset.done $0x0  }
0x1b: {  	[sflag:s10] =	ssyncadd.s32 $0xFFFFD800  }
0x1c: {  	s19 =	simm.s32 $0x0;
	[bflag:$0x0] =	sbarrier.arrive $0xFFFF  }
0x1d: {  	[tilespmem:s15], [sflag:$0x1] =	stream.indirect.gather [hbm4b:s7+s14], $0x80, s19, s14, $0xb8;
	[tilespmem:$0x1D000] =	vst v63  }
0x1e: {  	_ =	swait.ge [sflag:s10], $0x4000  }
0x1f: {  	[sflag:s10] =	ssyncset.done $0x0  }
0x20: {  	s31 =	simm.s32 $0x2800;
	[sflag:s10] =	ssyncadd.s32 $0xFFFFC000  }
0x21: {  	[spmem:s2] =	stream.indirect.scatter.add.f32 [tilespmem:s15], [sflag:$0x1], $0x80, s31, s14, $0xb8;
	[tilespmem:$0x1D000] =	vst v63  }
0x22: {  	_ =	swait.ge [sflag:s10], $0x4000  }
0x23: {  	s20 =	simm.s32 $0x400;
	s19 =	simm.s32 $0x200;
	[sflag:s10] =	ssyncset.done $0x0  }
.LBB2_2:
0x24: {  	s21 =	sshra.s32 s19, $0x2  }
0x25: {  	[sflag:s10] =	ssyncadd.s32 $0xFFFFC000;
	s19 =	smov.u32 s20;
	s22 =	sadd.s32 $0x200, s20  }
0x26: {  	[tilespmem:s15], [sflag:$0x1] =	stream.indirect.gather [hbm4b:s7+s14], $0x80, s21, s14, $0xb8;
	[tilespmem:$0x1D000] =	vst v63  }
0x27: {  	p0 =	sne.s32 s20, $0x9C00;
	_ =	swait.ge [sflag:s10], $0x4000  }
.Ltmp0:
0x28: {  	[sflag:s10] =	ssyncset.done $0x0;
	(pc) =	sbr.rel @p0 .LBB2_2-.Ltmp0, $4  }
0x29: {  	s20 =	sadd.s32 $0x2800, s21;
	[sflag:s10] =	ssyncadd.s32 $0xFFFFC000  }
0x2a: {  	[spmem:s2] =	stream.indirect.scatter.add.f32 [tilespmem:s15], [sflag:$0x1], $0x80, s20, s14, $0xb8;
	[tilespmem:$0x1D000] =	vst v63  }
0x2b: {  	_ =	swait.ge [sflag:s10], $0x4000  }
0x2c: {  	s20 =	smov.u32 s22;
	[sflag:s10] =	ssyncset.done $0x0  }
0x2d: {  	s19 =	sshra.s32 s19, $0x2;
	[sflag:s10] =	ssyncadd.s32 $0xFFFFC000  }
0x2e: {  	[tilespmem:s15], [sflag:$0x1] =	stream.indirect.gather [hbm4b:s7+s14], $0x80, s19, s14, $0xb8;
	[tilespmem:$0x1D000] =	vst v63  }
0x2f: {  	_ =	swait.ge [sflag:s10], $0x4000  }
0x30: {  	[sflag:s10] =	ssyncset.done $0x0  }
0x31: {  	s19 =	sadd.s32 $0x2800, s19;
	[sflag:s10] =	ssyncadd.s32 $0xFFFFC000  }
0x32: {  	[spmem:s2] =	stream.indirect.scatter.add.f32 [tilespmem:s15], [sflag:$0x1], $0x80, s19, s14, $0xb8;
	[tilespmem:$0x1D000] =	vst v63  }
0x33: {  	_ =	swait.ge [sflag:s10], $0x4000  }
0x34: {  	[sflag:s10] =	ssyncset.done $0x0  }
0x35: {  	[sflag:s10] =	ssyncadd.s32 $0xFFFFC000  }
0x36: {  	[bflag:$0x0] =	sbarrier.arrive $0xFFFF  }
0x37: {  	[hbm:s16], [sflag:s12] =	dma.local [spmem:s13], $0x2800  }
0x38: {  	_ =	swait.ge [sflag:s10], $0x2800  }
0x39: {  	[sflag:s10] =	ssyncset.done $0x0  }
0x3a: {  	[sflag:s10] =	ssyncadd.s32 $0xFFFFD800  }
0x3b: {  	[bflag:$0x0] =	sbarrier.arrive $0xFFFF  }
0x3c: {  	[spmem:s13], [sflag:s12] =	dma.local [hbm:s6], $0x2800  }
0x3d: {  	_ =	swait.ge [sflag:s10], $0x2800  }
0x3e: {  	[sflag:s10] =	ssyncset.done $0x0  }
0x3f: {  	[sflag:s10] =	ssyncadd.s32 $0xFFFFD800  }
0x40: {  	s30 =	simm.s32 $0x0;
	[bflag:$0x0] =	sbarrier.arrive $0xFFFF  }
0x41: {  	[tilespmem:s15], [sflag:$0x1] =	stream.indirect.gather [hbm4b:s8+s14], $0x80, s30, s14, $0xb8;
	[tilespmem:$0x1D000] =	vst v63  }
0x42: {  	_ =	swait.ge [sflag:s10], $0x4000  }
0x43: {  	[sflag:s10] =	ssyncset.done $0x0  }
0x44: {  	s31 =	simm.s32 $0x2800;
	[sflag:s10] =	ssyncadd.s32 $0xFFFFC000  }
0x45: {  	[spmem:s2] =	stream.indirect.scatter.add.f32 [tilespmem:s15], [sflag:$0x1], $0x80, s31, s14, $0xb8;
	[tilespmem:$0x1D000] =	vst v63  }
0x46: {  	_ =	swait.ge [sflag:s10], $0x4000  }
0x47: {  	s20 =	simm.s32 $0x400;
	s19 =	simm.s32 $0x200;
	[sflag:s10] =	ssyncset.done $0x0  }
.LBB2_4:
0x48: {  	s21 =	sshra.s32 s19, $0x2  }
0x49: {  	[sflag:s10] =	ssyncadd.s32 $0xFFFFC000;
	s19 =	smov.u32 s20;
	s22 =	sadd.s32 $0x200, s20  }
0x4a: {  	[tilespmem:s15], [sflag:$0x1] =	stream.indirect.gather [hbm4b:s8+s14], $0x80, s21, s14, $0xb8;
	[tilespmem:$0x1D000] =	vst v63  }
0x4b: {  	p0 =	sne.s32 s20, $0x9C00;
	_ =	swait.ge [sflag:s10], $0x4000  }
.Ltmp1:
0x4c: {  	[sflag:s10] =	ssyncset.done $0x0;
	(pc) =	sbr.rel @p0 .LBB2_4-.Ltmp1, $4  }
0x4d: {  	s20 =	sadd.s32 $0x2800, s21;
	[sflag:s10] =	ssyncadd.s32 $0xFFFFC000  }
0x4e: {  	[spmem:s2] =	stream.indirect.scatter.add.f32 [tilespmem:s15], [sflag:$0x1], $0x80, s20, s14, $0xb8;
	[tilespmem:$0x1D000] =	vst v63  }
0x4f: {  	_ =	swait.ge [sflag:s10], $0x4000  }
0x50: {  	s20 =	smov.u32 s22;
	[sflag:s10] =	ssyncset.done $0x0  }
0x51: {  	s19 =	sshra.s32 s19, $0x2;
	[sflag:s10] =	ssyncadd.s32 $0xFFFFC000  }
0x52: {  	[tilespmem:s15], [sflag:$0x1] =	stream.indirect.gather [hbm4b:s8+s14], $0x80, s19, s14, $0xb8;
	[tilespmem:$0x1D000] =	vst v63  }
0x53: {  	_ =	swait.ge [sflag:s10], $0x4000  }
0x54: {  	[sflag:s10] =	ssyncset.done $0x0  }
0x55: {  	s19 =	sadd.s32 $0x2800, s19;
	[sflag:s10] =	ssyncadd.s32 $0xFFFFC000  }
0x56: {  	[spmem:s2] =	stream.indirect.scatter.add.f32 [tilespmem:s15], [sflag:$0x1], $0x80, s19, s14, $0xb8;
	[tilespmem:$0x1D000] =	vst v63  }
0x57: {  	_ =	swait.ge [sflag:s10], $0x4000  }
0x58: {  	[sflag:s10] =	ssyncset.done $0x0  }
0x59: {  	s18 =	sadd.s32 $0x1, s18;
	[sflag:s10] =	ssyncadd.s32 $0xFFFFC000  }
0x5a: {  	p0 =	sne.s32 s18, s9;
	[bflag:$0x0] =	sbarrier.arrive $0xFFFF  }
0x5b: {  	[hbm:s17], [sflag:s12] =	dma.local [spmem:s13], $0x2800  }
.Ltmp2:
0x5c: {  	_ =	swait.ge [sflag:s10], $0x2800;
	(pc) =	sbr.rel @p0 .LBB2_1-.Ltmp2, $3  }
0x5d: {  	[sflag:s10] =	ssyncset.done $0x0  }
0x5e: {  	[sflag:s10] =	ssyncadd.s32 $0xFFFFD800  }
0x5f: {  	[bflag:$0x0] =	sbarrier.arrive $0xFFFF;
	_ =	sdelay $0x1  }
0x60: {  	_ =	sfence.sel $0x180000  }
0x61: {  	[bflag:$0x0] =	sbarrier.arrive $0xFFFF  }
0x62: {  	p0 =	sne.s32 s1, $0x0;
	_ =	strace $0x90000050  }
0x63: {  	s0 =	sadd.s32 @!p0 $0x100000, s0;
	[bflag:$0x2] =	sbarrier.arrive $0xFFFF  }
0x64: {  	[sflag:s0] =	ssyncadd.tile.s32 @!p0 $0x1;
	_ =	shalt  }
.Lfunc_end2:
_tile_overlayer_lowered:
.L_overlay_start_2:
0x65: {  	(tag) =	ssettag $0x2  }
0x66: {  	s0 =	rddreg [dreg:$0x0];
	s2 =	stileid.u32  }
0x67: {  	s1 =	rddreg [dreg:$0x1];
	p0 =	sne.s32 s2, $0x0  }
0x68: {  	s3 =	rddreg [dreg:$0x2];
	[bflag:$0x3] =	sbarrier.arrive $0xFFFF;
	s2 =	simm.s32 @!p0 $0x1C01  }
0x69: {  	[timem:s3], [sflag:s2] =	dma.local @!p0 [hbm:s0], s1  }
0x6a: {  	s0 =	simm.s32 @!p0 $0x1  }
0x6b: {  	_ =	swait.ge @!p0 [sflag:s0], s1  }
0x6c: {  	s1 =	ssub.s32 @!p0 $0x0, s1;
	[sflag:s0] =	ssyncset.done @!p0 $0x0  }
0x6d: {  	[sflag:s0] =	ssyncadd.s32 @!p0 s1  }
0x6e: {  	[bflag:$0x3] =	sbarrier.arrive $0xFFFF  }
0x6f: {  	_ =	shalt  }

// kernel: kernel.29.cloned.1.call-start
scs
__scs_entry_jumppad:
0x0: {  	(pc) =	sbr.rel $0x88, $3  }
0x1: {  	(tag) =	ssettag $0x0;
	lr =	simm.s32 $0x1  }
0x2: {  	[smem:$0x3F91] =	sst lr;
	_ =	strace $0xD0000000  }
0x3: {  	_ = 	snop  }
0x4: {  	_ = 	snop  }
0x5: {  	_ = 	snop  }
0x6: {  	_ = 	snop  }
0x7: {  	_ = 	snop  }
__scs_overlays_trampoline_lowered:
0x8: {  	[smem:$0x3FA0] =	sst s0  }
0x9: {  	[smem:$0x3FA1] =	sst s1  }
0xa: {  	[smem:$0x3FA2] =	sst s2  }
0xb: {  	[smem:$0x3FA3] =	sst s3  }
0xc: {  	[smem:$0x3FA4] =	sst s4  }
0xd: {  	[smem:$0x3FA5] =	sst s5  }
0xe: {  	[smem:$0x3FA6] =	sst s6  }
0xf: {  	[smem:$0x3FA7] =	sst s7  }
0x10: {  	[smem:$0x3FA8] =	sst s8  }
0x11: {  	[smem:$0x3FA9] =	sst s9;
	s0 =	simm.s32 @!p0 $0x0  }
0x12: {  	s1 =	sld [smem:$0x3F8F];
	s0 =	simm.s32 @p0 $0x1  }
0x13: {  	[smem:$0x3FAA] =	sst s0;
	s0 =	simm.s32 @!p1 $0x0  }
0x14: {  	s2 =	sld [smem:$0x3F8E];
	s0 =	simm.s32 @p1 $0x1  }
0x15: {  	[smem:$0x3FAB] =	sst s0;
	s0 =	simm.s32 @!p2 $0x0  }
0x16: {  	s3 =	sld [smem:$0x3FDB];
	s0 =	simm.s32 @p2 $0x1  }
0x17: {  	s4 =	simm.s32 $0x1BF5;
	[smem:$0x3FAD] =	sst s0  }
0x18: {  	s0 =	sld [smem:$0x3F90];
	_ =	swait.ge [sflag:s4], $0x0  }
0x19: {  	s7 =	sld [smem:$0x3F91]  }
0x1a: {  	s8 =	sadd.s32 $0xFFFFE003, lr  }
0x1b: {  	s9 =	sadd.s32 $0xFFFFFEF7, lr;
	s5 =	simm.s32 $0xFFFFFFFF;
	p2 =	slt.u32 s8, $0xFFFFF086  }
0x1c: {  	p1 =	slt.u32 s9, $0xF7A;
	s5 =	simm.s32 @!p2 $0x0  }
0x1d: {  	s5 =	simm.s32 @p1 $0x1;
	p0 =	seq.s32 s7, s2  }
0x1e: {  	s7 =	smul.u32 @!p0 $0xF7A, s2;
	p2 =	seq.s32 @!p0 s5, $0x0  }
0x1f: {  	s9 =	smul.u32 $0xF7A, s1;
	s8 =	simm.s32 @!p0 $0x1BF5;
	p2 =	por !p2, p0  }
0x20: {  	[sflag:s8] =	ssyncset.s32 @!p0 $0xFFFFF086;
	s6 =	sadd.s32 @!p0 s3, s7;
	s7 =	simm.s32 @!p0 $0x108  }
0x21: {  	s3 =	sadd.s32 s3, s9;
	s6 =	sadd.s32 @!p0 $0x88, s6;
	s7 =	simm.s32 @p2 $0x1082  }
0x22: {  	[simem:s7], [sflag:s8] =	dma.local @!p0 [hbm:s6], $0xF7A  }
0x23: {  	s9 =	sor.u32 $0xD0000000, s2;
	s6 =	simm.s32 $0x108;
	_ =	swait.ge @!p0 [sflag:s8], $0x0  }
0x24: {  	s3 =	sadd.s32 $0x88, s3;
	s6 =	simm.s32 @!p1 $0x1082;
	[sflag:s4] =	ssyncset.s32 $0xFFFFF086  }
0x25: {  	[simem:s6], [sflag:s4] =	dma.local [hbm:s3], $0xF7A  }
0x26: {  	[smem:$0x3F91] =	sst s1;
	(tag) =	ssettag s2;
	_ =	strace s9  }
0x27: {  	s1 =	sld [smem:$0x3FA1]  }
0x28: {  	s2 =	sld [smem:$0x3FA2]  }
0x29: {  	s4 =	sld [smem:$0x3FA4]  }
0x2a: {  	p0 =	seq.s32 s5, $0x0;
	s5 =	sld [smem:$0x3FA5]  }
0x2b: {  	s6 =	sld [smem:$0x3FA6]  }
0x2c: {  	s7 =	sld [smem:$0x3FA7]  }
0x2d: {  	s3 =	simm.s32 $0x108;
	s8 =	sld [smem:$0x3FA8]  }
0x2e: {  	s3 =	simm.s32 @!p0 $0x1082;
	s9 =	sld [smem:$0x3FA9]  }
0x2f: {  	lr =	sadd.s32 s0, s3;
	s0 =	sld [smem:$0x3FA0]  }
0x30: {  	s3 =	sld [smem:$0x3FA3]  }
0x31: {  	[smem:$0x3FAC] =	sst s10  }
0x32: {  	s10 =	sld [smem:$0x3FAA];
	_ =	sdelay $0x3  }
0x33: {  	p0 =	seq.s32 s10, $0x1;
	s10 =	sld [smem:$0x3FAC];
	_ =	sdelay $0x3  }
0x34: {  	[smem:$0x3FAC] =	sst s10  }
0x35: {  	s10 =	sld [smem:$0x3FAB];
	_ =	sdelay $0x3  }
0x36: {  	p1 =	seq.s32 s10, $0x1;
	s10 =	sld [smem:$0x3FAC];
	_ =	sdelay $0x3  }
0x37: {  	[smem:$0x3FAC] =	sst s10  }
0x38: {  	s10 =	sld [smem:$0x3FAD]  }
0x39: {  	_ = 	snop;
	(pc) =	sbr.ind lr, $3  }
0x3a: {  	_ = 	snop  }
0x3b: {  	_ = 	snop  }
0x3c: {  	p2 =	seq.s32 s10, $0x1;
	s10 =	sld [smem:$0x3FAC]  }
0x3d: {  	_ =	shalt  }
0x3e: {  	_ =	shalt  }
0x3f: {  	_ =	shalt  }
0x40: {  	_ =	shalt  }
0x41: {  	_ =	shalt  }
0x42: {  	_ =	shalt  }
0x43: {  	_ =	shalt  }
0x44: {  	_ =	shalt  }
0x45: {  	_ =	shalt  }
0x46: {  	_ =	shalt  }
0x47: {  	_ =	shalt  }
0x48: {  	_ =	shalt  }
0x49: {  	_ =	shalt  }
0x4a: {  	_ =	shalt  }
0x4b: {  	_ =	shalt  }
0x4c: {  	_ =	shalt  }
0x4d: {  	_ =	shalt  }
0x4e: {  	_ =	shalt  }
0x4f: {  	_ =	shalt  }
0x50: {  	_ =	shalt  }
0x51: {  	_ =	shalt  }
0x52: {  	_ =	shalt  }
0x53: {  	_ =	shalt  }
0x54: {  	_ =	shalt  }
0x55: {  	_ =	shalt  }
0x56: {  	_ =	shalt  }
0x57: {  	_ =	shalt  }
0x58: {  	_ =	shalt  }
0x59: {  	_ =	shalt  }
0x5a: {  	_ =	shalt  }
0x5b: {  	_ =	shalt  }
0x5c: {  	_ =	shalt  }
0x5d: {  	_ =	shalt  }
0x5e: {  	_ =	shalt  }
0x5f: {  	_ =	shalt  }
0x60: {  	_ =	shalt  }
0x61: {  	_ =	shalt  }
0x62: {  	_ =	shalt  }
0x63: {  	_ =	shalt  }
0x64: {  	_ =	shalt  }
0x65: {  	_ =	shalt  }
0x66: {  	_ =	shalt  }
0x67: {  	_ =	shalt  }
0x68: {  	_ =	shalt  }
0x69: {  	_ =	shalt  }
0x6a: {  	_ =	shalt  }
0x6b: {  	_ =	shalt  }
0x6c: {  	_ =	shalt  }
0x6d: {  	_ =	shalt  }
0x6e: {  	_ =	shalt  }
0x6f: {  	_ =	shalt  }
0x70: {  	_ =	shalt  }
0x71: {  	_ =	shalt  }
0x72: {  	_ =	shalt  }
0x73: {  	_ =	shalt  }
0x74: {  	_ =	shalt  }
0x75: {  	_ =	shalt  }
0x76: {  	_ =	shalt  }
0x77: {  	_ =	shalt  }
0x78: {  	_ =	shalt  }
0x79: {  	_ =	shalt  }
0x7a: {  	_ =	shalt  }
0x7b: {  	_ =	shalt  }
0x7c: {  	_ =	shalt  }
0x7d: {  	_ =	shalt  }
0x7e: {  	_ =	shalt  }
0x7f: {  	_ =	shalt  }
0x80: {  	_ =	shalt  }
0x81: {  	_ =	shalt  }
0x82: {  	_ =	shalt  }
0x83: {  	_ =	shalt  }
0x84: {  	_ =	shalt  }
0x85: {  	_ =	shalt  }
0x86: {  	_ =	shalt  }
0x87: {  	_ =	shalt  }
.Lfunc_end0:
.L_simem_size_0:
called_computation.4_lowered:
.L_overlay_start_0:
0x88: {  	s2 =	sld [smem:$0x3FD9]  }
0x89: {  	s3 =	sld [smem:$0x3FFE];
	_ =	sdelay $0x1  }
0x8a: {  	s1 =	srdreg.scid  }
0x8b: {  	s0 =	sand.u32 $0x1, s1  }
0x8c: {  	s16 =	sshll.u32 s0, $0xA;
	s2 =	sadd.s32 s3, s2  }
0x8d: {  	s2 =	sadd.s32 s2, s16  }
0x8e: {  	[smem:$0x3FB8] =	sst s2  }
0x8f: {  	_ = 	snop  }
0x90: {  	(tm) =	ssettm $0x1  }
0x91: {  	s17 =	sld [smem:$0x3FFB];
	_ =	sdelay $0x3  }
0x92: {  	_ =	strace s17  }
0x93: {  	s2 =	sld [smem:$0x3FFC];
	_ =	sdelay $0x3  }
0x94: {  	_ =	strace s2  }
0x95: {  	s2 =	sld [smem:$0x3FFD];
	_ =	sdelay $0x3  }
0x96: {  	_ =	strace s2  }
0x97: {  	_ =	strace $0x8FFFFFFF  }
0x98: {  	s18 =	sld [smem:$0x3FDB];
	_ =	sdelay $0x1  }
0x99: {  	s19 =	simm.s32 $_scs_section_size  }
0x9a: {  	s4 =	simm.s32 $_size__tile_overlayer_lowered;
	s5 =	simm.s32 $_tile_overlayer_lowered  }
0x9b: {  	s22 =	simm.s32 $0x1BFF;
	s21 =	sshll.u32 s5, $0x1;
	s2 =	sadd.s32 s19, s18  }
0x9c: {  	s6 =	simm.s32 $0x0;
	s20 =	sshll.u32 s4, $0x1;
	s4 =	sadd.s32 s21, s2  }
0x9d: {  	[timem:s6], [sflag:s22] =	dma.local [hbm:s4], s20  }
0x9e: {  	_ =	swait.ge [sflag:s22], s20  }
0x9f: {  	s3 =	ssub.s32 $0x0, s20;
	[sflag:s22] =	ssyncset.done $0x0  }
0xa0: {  	[sflag:s22] =	ssyncadd.s32 s3;
	_ =	sdelay $0x1  }
0xa1: {  	s23 =	simm.s32 $0x1B8B  }
0xa2: {  	_ =	swait.ge [sflag:s23], $0x1  }
0xa3: {  	[sflag:s23] =	ssyncset.done $0x0  }
0xa4: {  	s25 =	simm.s32 $0x1B8E;
	s24 =	sld [smem:$0x3FFE];
	[sflag:s23] =	ssyncadd.s32 $0xFFFFFFFF  }
0xa5: {  	s26 =	simm.s32 $execute0_lowered;
	[smem:$0x3FD2] =	sst s25  }
0xa6: {  	s4 =	sshll.u32 s26, $0x1;
	_ =	strace $0x80000052;
	[dreg:$0x1] =	wrdreg $0xFFFFFFFF  }
0xa7: {  	s28 =	simm.s32 $_size_execute0_lowered;
	s2 =	sadd.s32 s2, s4;
	[dreg:$0x0] =	wrdreg $0x0  }
0xa8: {  	s4 =	sshll.u32 s28, $0x1;
	[dreg:$0x2] =	wrdreg s2  }
0xa9: {  	[dreg:$0x3] =	wrdreg s4  }
0xaa: {  	[dreg:$0x4] =	wrdreg $0xC0  }
0xab: {  	_ =	task [dreg:s6], $0x5FFFF  }
0xac: {  	[dreg:$0x1] =	wrdreg $0xFFFFFFFF  }
0xad: {  	[dreg:$0x0] =	wrdreg $0x60  }
0xae: {  	[dreg:$0x2] =	wrdreg s24  }
0xaf: {  	[dreg:$0x3] =	wrdreg $0x90000  }
0xb0: {  	[dreg:$0x4] =	wrdreg $0x9  }
0xb1: {  	_ =	task.clear_ibuf [dreg:s6], $0x5FFFF;
	_ =	strace $0x90000052  }
0xb2: {  	s29 =	simm.s32 $0x9;
	_ =	strace $0x80000054  }
0xb3: {  	_ =	swait.ge [sflag:s29], $0x1  }
0xb4: {  	[sflag:s29] =	ssyncadd.s32 $0xFFFFFFFF  }
0xb5: {  	_ =	strace $0x90000054  }
0xb6: {  	_ =	sfence  }
0xb7: {  	s30 =	sld [smem:$0x0];
	_ =	sdelay $0x2  }
0xb8: {  	s31 =	sshll.u32 s1, $0xD;
	s1 =	sshrl.u32 s1, $0x2  }
0xb9: {  	s3 =	sand.u32 $0x4000, s31;
	s1 =	sadd.s32 s1, s30  }
0xba: {  	s0 =	sor.u32 s3, s0;
	s1 =	sshll.u32 s1, $0x11  }
0xbb: {  	s0 =	sor.u32 s1, s0  }
0xbc: {  	s0 =	sadd.s32 $0x8F2B, s0  }
0xbd: {  	[sflag:s0] =	ssyncadd.remote.s32 $0x1  }
0xbe: {  	_ =	sfence.sel $0xFFFF  }
0xbf: {  	[dreg:$0x0] =	wrdreg $0xFFFFFFFF;
	(pc) =	sbr.abs _section_cstart, $3  }
0xc0: {  	[dreg:$0x1] =	wrdreg $0xFFFFFFFF  }
0xc1: {  	_ =	task.clear_ibuf [dreg:s6], $0x2FFFF;
	_ =	strace $0x9FFFFFFF  }
0xc2: {  	(tm) =	ssettm $0x7FFFFFFF  }
0xc3: {  	_ =	shalt  }
tec
execute0_lowered:
.L_overlay_start_1:
0x0: {  	(tag) =	ssettag $0x1  }
0x1: {  	s4 =	rddreg [dreg:$0x0]  }
0x2: {  	s2 =	rddreg [dreg:$0x1]  }
0x3: {  	s0 =	rddreg [dreg:$0x2];
	s3 =	simm.s32 $0x0;
	s1 =	stileid.u32  }
0x4: {  	s6 =	srdreg.scid;
	s15 =	simm.s32 $0x5000;
	s5 =	smul.u32 $0x500, s1  }
0x5: {  	[smem:$0x7FF] =	sst s3;
	s17 =	smul.u32 $0x2800, s1;
	s6 =	sand.u32 $0x1, s6  }
0x6: {  	s8 =	sadd.s32 $0x65E00, s4;
	s11 =	smul.u32 $0x50000, s1;
	s12 =	sadd.s32 $0x265E00, s4  }
0x7: {  	s31 =	sshll.u32 s1, $0x6;
	_ =	strace $0x80000053;
	s7 =	ssub.s32 $0x2, s6  }
0x8: {  	s13 =	smul.u32 $0x50000, s6;
	s5 =	sadd.s32 s5, s4;
	s9 =	sadd.s32 s17, s4  }
0x9: {  	s10 =	sshrl.u32 s7, $0x1;
	s29 =	sshrl.u32 s11, $0x2;
	s11 =	simm.s32 $0x2800  }
0xa: {  	s10 =	ssub.s32 s7, s10;
	s4 =	sadd.s32 $0x60E00, s5;
	s5 =	sadd.s32 $0xBE00, s5  }
0xb: {  	s14 =	sadd.s32 s29, s2;
	s6 =	sadd.s32 $0x10E00, s9;
	s30 =	sadd.s32 $0x28000, s13  }
0xc: {  	s7 =	sadd.s32 s8, s13;
	s16 =	sadd.s32 s12, s13;
	s8 =	sadd.s32 s8, s30  }
0xd: {  	s18 =	sadd.s32 s12, s30;
	s9 =	smax.u32 s10, $0x1;
	s10 =	simm.s32 $0x1  }
0xe: {  	s12 =	sor.u32 $0x1C01, s31;
	s13 =	sshrl.u32 s14, $0x3;
	s14 =	simm.s32 $0x80  }
0xf: {  	s16 =	sadd.s32 s17, s16;
	s17 =	sadd.s32 s17, s18;
	s18 =	simm.s32 $0x0  }
.LBB2_1:
0x10: {  	[tilespmem:s3], [sflag:$0x1] =	stream.linear.gather [hbm4b:s4+s3], $0x2780, $0x38;
	[tilespmem:$0x1D000] =	vst v63  }
0x11: {  	_ =	swait.ge [sflag:s10], $0x2780  }
0x12: {  	[sflag:s10] =	ssyncset.done $0x0  }
0x13: {  	[sflag:s10] =	ssyncadd.s32 $0xFFFFD880  }
0x14: {  	[tilespmem:s11], [sflag:$0x1] =	stream.linear.gather [hbm4b:s5+s3], $0x2780, $0x38;
	[tilespmem:$0x1D000] =	vst v63  }
0x15: {  	_ =	swait.ge [sflag:s10], $0x2780  }
0x16: {  	[sflag:s10] =	ssyncset.done $0x0  }
0x17: {  	[sflag:s10] =	ssyncadd.s32 $0xFFFFD880  }
0x18: {  	[spmem:s13], [sflag:s12] =	dma.local [hbm:s6], $0x2800  }
0x19: {  	_ =	swait.ge [sflag:s10], $0x2800  }
0x1a: {  	[sflag:s10] =	ssyncset.done $0x0  }
0x1b: {  	[sflag:s10] =	ssyncadd.s32 $0xFFFFD800  }
0x1c: {  	s19 =	simm.s32 $0x0;
	[bflag:$0x0] =	sbarrier.arrive $0xFFFF  }
0x1d: {  	[tilespmem:s15], [sflag:$0x1] =	stream.indirect.gather [hbm4b:s7+s14], $0x80, s19, s14, $0xb8;
	[tilespmem:$0x1D000] =	vst v63  }
0x1e: {  	_ =	swait.ge [sflag:s10], $0x4000  }
0x1f: {  	[sflag:s10] =	ssyncset.done $0x0  }
0x20: {  	s31 =	simm.s32 $0x2800;
	[sflag:s10] =	ssyncadd.s32 $0xFFFFC000  }
0x21: {  	[spmem:s2] =	stream.indirect.scatter.add.f32 [tilespmem:s15], [sflag:$0x1], $0x80, s31, s14, $0xb8;
	[tilespmem:$0x1D000] =	vst v63  }
0x22: {  	_ =	swait.ge [sflag:s10], $0x4000  }
0x23: {  	s20 =	simm.s32 $0x400;
	s19 =	simm.s32 $0x200;
	[sflag:s10] =	ssyncset.done $0x0  }
.LBB2_2:
0x24: {  	s21 =	sshra.s32 s19, $0x2  }
0x25: {  	[sflag:s10] =	ssyncadd.s32 $0xFFFFC000;
	s19 =	smov.u32 s20;
	s22 =	sadd.s32 $0x200, s20  }
0x26: {  	[tilespmem:s15], [sflag:$0x1] =	stream.indirect.gather [hbm4b:s7+s14], $0x80, s21, s14, $0xb8;
	[tilespmem:$0x1D000] =	vst v63  }
0x27: {  	p0 =	sne.s32 s20, $0x9C00;
	_ =	swait.ge [sflag:s10], $0x4000  }
.Ltmp0:
0x28: {  	[sflag:s10] =	ssyncset.done $0x0;
	(pc) =	sbr.rel @p0 .LBB2_2-.Ltmp0, $4  }
0x29: {  	s20 =	sadd.s32 $0x2800, s21;
	[sflag:s10] =	ssyncadd.s32 $0xFFFFC000  }
0x2a: {  	[spmem:s2] =	stream.indirect.scatter.add.f32 [tilespmem:s15], [sflag:$0x1], $0x80, s20, s14, $0xb8;
	[tilespmem:$0x1D000] =	vst v63  }
0x2b: {  	_ =	swait.ge [sflag:s10], $0x4000  }
0x2c: {  	s20 =	smov.u32 s22;
	[sflag:s10] =	ssyncset.done $0x0  }
0x2d: {  	s19 =	sshra.s32 s19, $0x2;
	[sflag:s10] =	ssyncadd.s32 $0xFFFFC000  }
0x2e: {  	[tilespmem:s15], [sflag:$0x1] =	stream.indirect.gather [hbm4b:s7+s14], $0x80, s19, s14, $0xb8;
	[tilespmem:$0x1D000] =	vst v63  }
0x2f: {  	_ =	swait.ge [sflag:s10], $0x4000  }
0x30: {  	[sflag:s10] =	ssyncset.done $0x0  }
0x31: {  	s19 =	sadd.s32 $0x2800, s19;
	[sflag:s10] =	ssyncadd.s32 $0xFFFFC000  }
0x32: {  	[spmem:s2] =	stream.indirect.scatter.add.f32 [tilespmem:s15], [sflag:$0x1], $0x80, s19, s14, $0xb8;
	[tilespmem:$0x1D000] =	vst v63  }
0x33: {  	_ =	swait.ge [sflag:s10], $0x4000  }
0x34: {  	[sflag:s10] =	ssyncset.done $0x0  }
0x35: {  	[sflag:s10] =	ssyncadd.s32 $0xFFFFC000  }
0x36: {  	[bflag:$0x0] =	sbarrier.arrive $0xFFFF  }
0x37: {  	[hbm:s16], [sflag:s12] =	dma.local [spmem:s13], $0x2800  }
0x38: {  	_ =	swait.ge [sflag:s10], $0x2800  }
0x39: {  	[sflag:s10] =	ssyncset.done $0x0  }
0x3a: {  	[sflag:s10] =	ssyncadd.s32 $0xFFFFD800  }
0x3b: {  	[bflag:$0x0] =	sbarrier.arrive $0xFFFF  }
0x3c: {  	[spmem:s13], [sflag:s12] =	dma.local [hbm:s6], $0x2800  }
0x3d: {  	_ =	swait.ge [sflag:s10], $0x2800  }
0x3e: {  	[sflag:s10] =	ssyncset.done $0x0  }
0x3f: {  	[sflag:s10] =	ssyncadd.s32 $0xFFFFD800  }
0x40: {  	s30 =	simm.s32 $0x0;
	[bflag:$0x0] =	sbarrier.arrive $0xFFFF  }
0x41: {  	[tilespmem:s15], [sflag:$0x1] =	stream.indirect.gather [hbm4b:s8+s14], $0x80, s30, s14, $0xb8;
	[tilespmem:$0x1D000] =	vst v63  }
0x42: {  	_ =	swait.ge [sflag:s10], $0x4000  }
0x43: {  	[sflag:s10] =	ssyncset.done $0x0  }
0x44: {  	s31 =	simm.s32 $0x2800;
	[sflag:s10] =	ssyncadd.s32 $0xFFFFC000  }
0x45: {  	[spmem:s2] =	stream.indirect.scatter.add.f32 [tilespmem:s15], [sflag:$0x1], $0x80, s31, s14, $0xb8;
	[tilespmem:$0x1D000] =	vst v63  }
0x46: {  	_ =	swait.ge [sflag:s10], $0x4000  }
0x47: {  	s20 =	simm.s32 $0x400;
	s19 =	simm.s32 $0x200;
	[sflag:s10] =	ssyncset.done $0x0  }
.LBB2_4:
0x48: {  	s21 =	sshra.s32 s19, $0x2  }
0x49: {  	[sflag:s10] =	ssyncadd.s32 $0xFFFFC000;
	s19 =	smov.u32 s20;
	s22 =	sadd.s32 $0x200, s20  }
0x4a: {  	[tilespmem:s15], [sflag:$0x1] =	stream.indirect.gather [hbm4b:s8+s14], $0x80, s21, s14, $0xb8;
	[tilespmem:$0x1D000] =	vst v63  }
0x4b: {  	p0 =	sne.s32 s20, $0x9C00;
	_ =	swait.ge [sflag:s10], $0x4000  }
.Ltmp1:
0x4c: {  	[sflag:s10] =	ssyncset.done $0x0;
	(pc) =	sbr.rel @p0 .LBB2_4-.Ltmp1, $4  }
0x4d: {  	s20 =	sadd.s32 $0x2800, s21;
	[sflag:s10] =	ssyncadd.s32 $0xFFFFC000  }
0x4e: {  	[spmem:s2] =	stream.indirect.scatter.add.f32 [tilespmem:s15], [sflag:$0x1], $0x80, s20, s14, $0xb8;
	[tilespmem:$0x1D000] =	vst v63  }
0x4f: {  	_ =	swait.ge [sflag:s10], $0x4000  }
0x50: {  	s20 =	smov.u32 s22;
	[sflag:s10] =	ssyncset.done $0x0  }
0x51: {  	s19 =	sshra.s32 s19, $0x2;
	[sflag:s10] =	ssyncadd.s32 $0xFFFFC000  }
0x52: {  	[tilespmem:s15], [sflag:$0x1] =	stream.indirect.gather [hbm4b:s8+s14], $0x80, s19, s14, $0xb8;
	[tilespmem:$0x1D000] =	vst v63  }
0x53: {  	_ =	swait.ge [sflag:s10], $0x4000  }
0x54: {  	[sflag:s10] =	ssyncset.done $0x0  }
0x55: {  	s19 =	sadd.s32 $0x2800, s19;
	[sflag:s10] =	ssyncadd.s32 $0xFFFFC000  }
0x56: {  	[spmem:s2] =	stream.indirect.scatter.add.f32 [tilespmem:s15], [sflag:$0x1], $0x80, s19, s14, $0xb8;
	[tilespmem:$0x1D000] =	vst v63  }
0x57: {  	_ =	swait.ge [sflag:s10], $0x4000  }
0x58: {  	[sflag:s10] =	ssyncset.done $0x0  }
0x59: {  	s18 =	sadd.s32 $0x1, s18;
	[sflag:s10] =	ssyncadd.s32 $0xFFFFC000  }
0x5a: {  	p0 =	sne.s32 s18, s9;
	[bflag:$0x0] =	sbarrier.arrive $0xFFFF  }
0x5b: {  	[hbm:s17], [sflag:s12] =	dma.local [spmem:s13], $0x2800  }
.Ltmp2:
0x5c: {  	_ =	swait.ge [sflag:s10], $0x2800;
	(pc) =	sbr.rel @p0 .LBB2_1-.Ltmp2, $3  }
0x5d: {  	[sflag:s10] =	ssyncset.done $0x0  }
0x5e: {  	[sflag:s10] =	ssyncadd.s32 $0xFFFFD800  }
0x5f: {  	[bflag:$0x0] =	sbarrier.arrive $0xFFFF;
	_ =	sdelay $0x1  }
0x60: {  	_ =	sfence.sel $0x180000  }
0x61: {  	[bflag:$0x0] =	sbarrier.arrive $0xFFFF  }
0x62: {  	p0 =	sne.s32 s1, $0x0;
	_ =	strace $0x90000053  }
0x63: {  	s0 =	sadd.s32 @!p0 $0x100000, s0;
	[bflag:$0x2] =	sbarrier.arrive $0xFFFF  }
0x64: {  	[sflag:s0] =	ssyncadd.tile.s32 @!p0 $0x1;
	_ =	shalt  }
.Lfunc_end2:
_tile_overlayer_lowered:
.L_overlay_start_2:
0x65: {  	(tag) =	ssettag $0x2  }
0x66: {  	s0 =	rddreg [dreg:$0x0];
	s2 =	stileid.u32  }
0x67: {  	s1 =	rddreg [dreg:$0x1];
	p0 =	sne.s32 s2, $0x0  }
0x68: {  	s3 =	rddreg [dreg:$0x2];
	[bflag:$0x3] =	sbarrier.arrive $0xFFFF;
	s2 =	simm.s32 @!p0 $0x1C01  }
0x69: {  	[timem:s3], [sflag:s2] =	dma.local @!p0 [hbm:s0], s1  }
0x6a: {  	s0 =	simm.s32 @!p0 $0x1  }
0x6b: {  	_ =	swait.ge @!p0 [sflag:s0], s1  }
0x6c: {  	s1 =	ssub.s32 @!p0 $0x0, s1;
	[sflag:s0] =	ssyncset.done @!p0 $0x0  }
0x6d: {  	[sflag:s0] =	ssyncadd.s32 @!p0 s1  }
0x6e: {  	[bflag:$0x3] =	sbarrier.arrive $0xFFFF  }
0x6f: {  	_ =	shalt  }

</sc_bundles>
